<compile_context>
chip_gen: v7x
topology: tpu7x:2x2x1
jax: 0.10.2.dev20260603
libtpu: 0.0.44.dev20260713+nightly
codegen_flags: <defaults>
</compile_context>

<pallas_src>
import functools

import jax
import jax.numpy as jnp
import numpy as np
from jax import lax
from jax.experimental import pallas as pl
from jax.experimental.pallas import tpu as pltpu
from jax.experimental.pallas import tpu_sc as plsc

_N_BINS = 15
_STEP = np.float32(1.0 / _N_BINS)
_L = 16
_GROUPS = 25
_CHUNK = _GROUPS * _L
_NW = 32
_HIST = _N_BINS * _L + _L


def _sc_body(n, c, p_hbm, lab_hbm, out_hbm, buf, lbuf, cnt_h, scf_h, sac_h,
             sem, lsem):
    wid = lax.axis_index("s") * 2 + lax.axis_index("c")
    n_chunks = n // _CHUNK
    lo = wid * n_chunks // _NW
    hi = (wid + 1) * n_chunks // _NW

    lane = lax.iota(jnp.int32, _L)
    zero_v = jnp.zeros((_L,), jnp.float32)
    for r in (cnt_h, scf_h, sac_h):
        for b in range(_HIST // _L):
            r[pl.ds(b * _L, _L)] = zero_v

    ones_v = jnp.ones((_L,), jnp.float32)

    def chunk_body(ci, _):
        base = ci * _CHUNK
        cp = pltpu.make_async_copy(
            p_hbm.at[pl.ds(base * c, _CHUNK * c)], buf, sem)
        cp.start()
        cl = pltpu.make_async_copy(
            lab_hbm.at[pl.ds(base, _CHUNK)], lbuf, lsem)
        cl.start()
        cp.wait()
        cl.wait()

        def group_body(g, _):
            gbase = g * (_L * c) + lane * c
            accs = [plsc.load_gather(buf, [gbase + cc]) for cc in range(4)]
            for cc in range(4, c):
                v = plsc.load_gather(buf, [gbase + cc])
                accs[cc % 4] = jnp.maximum(accs[cc % 4], v)
            conf = jnp.maximum(jnp.maximum(accs[0], accs[1]),
                               jnp.maximum(accs[2], accs[3]))
            lab_v = lbuf[pl.ds(g * _L, _L)]
            plab = plsc.load_gather(buf, [gbase + lab_v])
            accv = jnp.where(plab == conf, 1.0, 0.0).astype(jnp.float32)

            nb = jnp.zeros((_L,), jnp.int32)
            for k in range(_N_BINS):
                nb = nb + jnp.where(conf > np.float32(k) * _STEP, 1, 0)
            valid = nb >= 1
            b_idx = jnp.maximum(nb - 1, 0)
            off = b_idx * _L + lane
            plsc.addupdate_scatter(cnt_h, [off], ones_v, mask=valid)
            plsc.addupdate_scatter(scf_h, [off], conf, mask=valid)
            plsc.addupdate_scatter(sac_h, [off], accv, mask=valid)
            return 0

        lax.fori_loop(0, _GROUPS, group_body, 0)
        return 0

    lax.fori_loop(lo, hi, chunk_body, 0)

    obase = wid * 3 * _HIST
    pltpu.sync_copy(cnt_h, out_hbm.at[pl.ds(obase, _HIST)])
    pltpu.sync_copy(scf_h, out_hbm.at[pl.ds(obase + _HIST, _HIST)])
    pltpu.sync_copy(sac_h, out_hbm.at[pl.ds(obase + 2 * _HIST, _HIST)])


def kernel(probabilities, labels):
    n, c = probabilities.shape
    flat = probabilities.reshape(n * c)
    labs = labels.astype(jnp.int32)

    mesh = plsc.VectorSubcoreMesh(core_axis_name="c", subcore_axis_name="s")
    sc = pl.kernel(
        functools.partial(_sc_body, n, c),
        mesh=mesh,
        out_type=jax.ShapeDtypeStruct((_NW * 3 * _HIST,), jnp.float32),
        scratch_types=[
            pltpu.VMEM((_CHUNK * c,), jnp.float32),
            pltpu.VMEM((_CHUNK,), jnp.int32),
            pltpu.VMEM((_HIST,), jnp.float32),
            pltpu.VMEM((_HIST,), jnp.float32),
            pltpu.VMEM((_HIST,), jnp.float32),
            pltpu.SemaphoreType.DMA,
            pltpu.SemaphoreType.DMA,
        ],
        compiler_params=pltpu.CompilerParams(needs_layout_passes=False),
    )
    hists = sc(flat, labs)

    h = hists.reshape(_NW, 3, _HIST).sum(axis=0)
    h = h.reshape(3, _HIST // _L, _L).sum(axis=2)
    cnt = h[0, :_N_BINS]
    sconf = h[1, :_N_BINS]
    sacc = h[2, :_N_BINS]
    nonempty = cnt > 0
    safe = jnp.where(nonempty, cnt, 1.0)
    per_bin = jnp.where(
        nonempty,
        jnp.abs(sconf / safe - sacc / safe) * (cnt * (1.0 / n)),
        0.0,
    )
    return jnp.sum(per_bin).reshape(1)

# --- scband reference (transcript-rebuilt; emitter-appended) ---
"""Pipeline reference for scband-eceloss-50861002719367 (READ-ONLY COPY).

The authoritative reference and input builder live on the scoring server;
editing this copy changes nothing except your own understanding.
"""

import jax, jax.numpy as jnp
import numpy as np

N_BINS = 15


def setup_inputs(seed: int = 0) -> dict:
    key = jax.random.key(seed)
    k1, k2 = jax.random.split(key)
    probabilities = jax.random.uniform(k1, (1000000, 100), dtype=jnp.float32)
    labels = jax.random.randint(k2, (1000000,), 0, 100, dtype=jnp.int64)
    return {"probabilities": probabilities, "labels": labels}


def reference(probabilities, labels):
    boundaries = jnp.linspace(0.0, 1.0, N_BINS + 1)
    confidences = jnp.max(probabilities, axis=1)
    predictions = jnp.argmax(probabilities, axis=1)
    accuracies = (predictions == labels).astype(jnp.float32)

    lowers = boundaries[:-1]
    uppers = boundaries[1:]
    # [n_bins, N] membership mask, same semantics as conf > lower & conf <= upper
    in_bin = (confidences[None, :] > lowers[:, None]) & (confidences[None, :] <= uppers[:, None])
    in_bin_f = in_bin.astype(jnp.float32)

    n = confidences.shape[0]
    count = in_bin_f.sum(axis=1)
    prop_in_bin = count / n
    sum_acc = (in_bin_f * accuracies[None, :]).sum(axis=1)
    sum_conf = (in_bin_f * confidences[None, :]).sum(axis=1)
    safe_count = jnp.where(count > 0, count, 1.0)
    accuracy_in_bin = sum_acc / safe_count
    avg_confidence_in_bin = sum_conf / safe_count
    per_bin = jnp.where(count > 0, jnp.abs(avg_confidence_in_bin - accuracy_in_bin) * prop_in_bin, 0.0)
    ece = jnp.sum(per_bin).reshape(1)
    return ece

if __name__ == "__main__":
    import jax
    _d = setup_inputs()
    print(jax.jit(kernel)(*tuple(_d.values())))

</pallas_src>

<mosaic_0001>
#map = affine_map<(d0, d1) -> (0)>
module attributes {stable_mosaic.version = 14 : i64} {
  func.func @_sc_body(%arg0: i32, %arg1: i32, %arg2: memref<100000000xf32, #tpu.memory_space<hbm>>, %arg3: memref<1000000xi32, #tpu.memory_space<hbm>>, %arg4: memref<24576xf32, #tpu.memory_space<hbm>>, %arg5: memref<40000xf32, #tpu.memory_space<vmem>>, %arg6: memref<400xi32, #tpu.memory_space<vmem>>, %arg7: memref<256xf32, #tpu.memory_space<vmem>>, %arg8: memref<256xf32, #tpu.memory_space<vmem>>, %arg9: memref<256xf32, #tpu.memory_space<vmem>>, %arg10: memref<!tpu.dma_semaphore, #tpu.memory_space<semaphore_mem>>, %arg11: memref<!tpu.dma_semaphore, #tpu.memory_space<semaphore_mem>>) attributes {dimension_semantics = [#tpu.dimension_semantics<core_parallel>, #tpu.dimension_semantics<subcore_parallel>], iteration_bounds = array<i64: 2, 16>, scalar_prefetch = 0 : i64, scratch_operands = 7 : i64, tpu.core_type = #tpu.core_type<sc_vector_subcore>, window_params = [{transform_indices = #map}, {transform_indices = #map}, {transform_indices = #map}]} {
    %mul3A = arith.constant 2 : i32
    %mul3A_0 = arith.muli %arg1, %mul3A : i32
    %add3A = arith.addi %mul3A_0, %arg0 : i32
    %mul3A_1 = arith.constant 2500 : i32
    %mul3A_2 = arith.muli %add3A, %mul3A_1 : i32
    %jit3A = arith.constant 32 : i32
    %div3A = arith.divsi %mul3A_2, %jit3A : i32
    %sign3A = arith.constant 0 : i32
    %sign3A_3 = arith.cmpi sgt, %mul3A_2, %sign3A : i32
    %sign3A_4 = arith.extui %sign3A_3 : i1 to i32
    %sign3A_5 = arith.constant 0 : i32
    %sign3A_6 = arith.cmpi slt, %mul3A_2, %sign3A_5 : i32
    %sign3A_7 = arith.extui %sign3A_6 : i1 to i32
    %sign3A_8 = arith.subi %sign3A_4, %sign3A_7 : i32
    %sign3A_9 = arith.constant 0 : i32
    %sign3A_10 = arith.cmpi sgt, %jit3A, %sign3A_9 : i32
    %sign3A_11 = arith.extui %sign3A_10 : i1 to i32
    %sign3A_12 = arith.constant 0 : i32
    %sign3A_13 = arith.cmpi slt, %jit3A, %sign3A_12 : i32
    %sign3A_14 = arith.extui %sign3A_13 : i1 to i32
    %sign3A_15 = arith.subi %sign3A_11, %sign3A_14 : i32
    %ne3A = arith.cmpi ne, %sign3A_8, %sign3A_15 : i32
    %rem3A = arith.remsi %mul3A_2, %jit3A : i32
    %ne3A_16 = arith.constant 0 : i32
    %ne3A_17 = arith.cmpi ne, %rem3A, %ne3A_16 : i32
    %and3A = arith.andi %ne3A, %ne3A_17 : i1
    %sub3A = arith.constant 1 : i32
    %sub3A_18 = arith.subi %div3A, %sub3A : i32
    %select_n3A = arith.select %and3A, %sub3A_18, %div3A : i32
    %add3A_19 = arith.constant 1 : i32
    %add3A_20 = arith.addi %add3A, %add3A_19 : i32
    %mul3A_21 = arith.constant 2500 : i32
    %mul3A_22 = arith.muli %add3A_20, %mul3A_21 : i32
    %jit3A_23 = arith.constant 32 : i32
    %div3A_24 = arith.divsi %mul3A_22, %jit3A_23 : i32
    %sign3A_25 = arith.constant 0 : i32
    %sign3A_26 = arith.cmpi sgt, %mul3A_22, %sign3A_25 : i32
    %sign3A_27 = arith.extui %sign3A_26 : i1 to i32
    %sign3A_28 = arith.constant 0 : i32
    %sign3A_29 = arith.cmpi slt, %mul3A_22, %sign3A_28 : i32
    %sign3A_30 = arith.extui %sign3A_29 : i1 to i32
    %sign3A_31 = arith.subi %sign3A_27, %sign3A_30 : i32
    %sign3A_32 = arith.constant 0 : i32
    %sign3A_33 = arith.cmpi sgt, %jit3A_23, %sign3A_32 : i32
    %sign3A_34 = arith.extui %sign3A_33 : i1 to i32
    %sign3A_35 = arith.constant 0 : i32
    %sign3A_36 = arith.cmpi slt, %jit3A_23, %sign3A_35 : i32
    %sign3A_37 = arith.extui %sign3A_36 : i1 to i32
    %sign3A_38 = arith.subi %sign3A_34, %sign3A_37 : i32
    %ne3A_39 = arith.cmpi ne, %sign3A_31, %sign3A_38 : i32
    %rem3A_40 = arith.remsi %mul3A_22, %jit3A_23 : i32
    %ne3A_41 = arith.constant 0 : i32
    %ne3A_42 = arith.cmpi ne, %rem3A_40, %ne3A_41 : i32
    %and3A_43 = arith.andi %ne3A_39, %ne3A_42 : i1
    %sub3A_44 = arith.constant 1 : i32
    %sub3A_45 = arith.subi %div3A_24, %sub3A_44 : i32
    %select_n3A_46 = arith.select %and3A_43, %sub3A_45, %div3A_24 : i32
    %iota3A = tpu.iota {dimensions = array<i32: 0>} : vector<16xi32>
    %broadcast_in_dim3A = arith.constant 0.000000e+00 : f32
    %broadcast_in_dim3A_47 = vector.broadcast %broadcast_in_dim3A : f32 to vector<16xf32>
    %swap3A = arith.constant 0 : index
    %swap3A_48 = tpu.vector_load %arg7[%swap3A] {strides = array<i32>} : memref<256xf32, #tpu.memory_space<vmem>>, vector<16xf32>,
    tpu.vector_store %arg7[%swap3A], %broadcast_in_dim3A_47 {strides = array<i32>} : memref<256xf32, #tpu.memory_space<vmem>>, vector<16xf32>,
    %swap3A_49 = arith.constant 16 : index
    %swap3A_50 = tpu.vector_load %arg7[%swap3A_49] {strides = array<i32>} : memref<256xf32, #tpu.memory_space<vmem>>, vector<16xf32>,
    tpu.vector_store %arg7[%swap3A_49], %broadcast_in_dim3A_47 {strides = array<i32>} : memref<256xf32, #tpu.memory_space<vmem>>, vector<16xf32>,
    %swap3A_51 = arith.constant 32 : index
    %swap3A_52 = tpu.vector_load %arg7[%swap3A_51] {strides = array<i32>} : memref<256xf32, #tpu.memory_space<vmem>>, vector<16xf32>,
    tpu.vector_store %arg7[%swap3A_51], %broadcast_in_dim3A_47 {strides = array<i32>} : memref<256xf32, #tpu.memory_space<vmem>>, vector<16xf32>,
    %swap3A_53 = arith.constant 48 : index
    %swap3A_54 = tpu.vector_load %arg7[%swap3A_53] {strides = array<i32>} : memref<256xf32, #tpu.memory_space<vmem>>, vector<16xf32>,
    tpu.vector_store %arg7[%swap3A_53], %broadcast_in_dim3A_47 {strides = array<i32>} : memref<256xf32, #tpu.memory_space<vmem>>, vector<16xf32>,
    %swap3A_55 = arith.constant 64 : index
    %swap3A_56 = tpu.vector_load %arg7[%swap3A_55] {strides = array<i32>} : memref<256xf32, #tpu.memory_space<vmem>>, vector<16xf32>,
    tpu.vector_store %arg7[%swap3A_55], %broadcast_in_dim3A_47 {strides = array<i32>} : memref<256xf32, #tpu.memory_space<vmem>>, vector<16xf32>,
    %swap3A_57 = arith.constant 80 : index
    %swap3A_58 = tpu.vector_load %arg7[%swap3A_57] {strides = array<i32>} : memref<256xf32, #tpu.memory_space<vmem>>, vector<16xf32>,
    tpu.vector_store %arg7[%swap3A_57], %broadcast_in_dim3A_47 {strides = array<i32>} : memref<256xf32, #tpu.memory_space<vmem>>, vector<16xf32>,
    %swap3A_59 = arith.constant 96 : index
    %swap3A_60 = tpu.vector_load %arg7[%swap3A_59] {strides = array<i32>} : memref<256xf32, #tpu.memory_space<vmem>>, vector<16xf32>,
    tpu.vector_store %arg7[%swap3A_59], %broadcast_in_dim3A_47 {strides = array<i32>} : memref<256xf32, #tpu.memory_space<vmem>>, vector<16xf32>,
    %swap3A_61 = arith.constant 112 : index
    %swap3A_62 = tpu.vector_load %arg7[%swap3A_61] {strides = array<i32>} : memref<256xf32, #tpu.memory_space<vmem>>, vector<16xf32>,
    tpu.vector_store %arg7[%swap3A_61], %broadcast_in_dim3A_47 {strides = array<i32>} : memref<256xf32, #tpu.memory_space<vmem>>, vector<16xf32>,
    %swap3A_63 = arith.constant 128 : index
    %swap3A_64 = tpu.vector_load %arg7[%swap3A_63] {strides = array<i32>} : memref<256xf32, #tpu.memory_space<vmem>>, vector<16xf32>,
    tpu.vector_store %arg7[%swap3A_63], %broadcast_in_dim3A_47 {strides = array<i32>} : memref<256xf32, #tpu.memory_space<vmem>>, vector<16xf32>,
    %swap3A_65 = arith.constant 144 : index
    %swap3A_66 = tpu.vector_load %arg7[%swap3A_65] {strides = array<i32>} : memref<256xf32, #tpu.memory_space<vmem>>, vector<16xf32>,
    tpu.vector_store %arg7[%swap3A_65], %broadcast_in_dim3A_47 {strides = array<i32>} : memref<256xf32, #tpu.memory_space<vmem>>, vector<16xf32>,
    %swap3A_67 = arith.constant 160 : index
    %swap3A_68 = tpu.vector_load %arg7[%swap3A_67] {strides = array<i32>} : memref<256xf32, #tpu.memory_space<vmem>>, vector<16xf32>,
    tpu.vector_store %arg7[%swap3A_67], %broadcast_in_dim3A_47 {strides = array<i32>} : memref<256xf32, #tpu.memory_space<vmem>>, vector<16xf32>,
    %swap3A_69 = arith.constant 176 : index
    %swap3A_70 = tpu.vector_load %arg7[%swap3A_69] {strides = array<i32>} : memref<256xf32, #tpu.memory_space<vmem>>, vector<16xf32>,
    tpu.vector_store %arg7[%swap3A_69], %broadcast_in_dim3A_47 {strides = array<i32>} : memref<256xf32, #tpu.memory_space<vmem>>, vector<16xf32>,
    %swap3A_71 = arith.constant 192 : index
    %swap3A_72 = tpu.vector_load %arg7[%swap3A_71] {strides = array<i32>} : memref<256xf32, #tpu.memory_space<vmem>>, vector<16xf32>,
    tpu.vector_store %arg7[%swap3A_71], %broadcast_in_dim3A_47 {strides = array<i32>} : memref<256xf32, #tpu.memory_space<vmem>>, vector<16xf32>,
    %swap3A_73 = arith.constant 208 : index
    %swap3A_74 = tpu.vector_load %arg7[%swap3A_73] {strides = array<i32>} : memref<256xf32, #tpu.memory_space<vmem>>, vector<16xf32>,
    tpu.vector_store %arg7[%swap3A_73], %broadcast_in_dim3A_47 {strides = array<i32>} : memref<256xf32, #tpu.memory_space<vmem>>, vector<16xf32>,
    %swap3A_75 = arith.constant 224 : index
    %swap3A_76 = tpu.vector_load %arg7[%swap3A_75] {strides = array<i32>} : memref<256xf32, #tpu.memory_space<vmem>>, vector<16xf32>,
    tpu.vector_store %arg7[%swap3A_75], %broadcast_in_dim3A_47 {strides = array<i32>} : memref<256xf32, #tpu.memory_space<vmem>>, vector<16xf32>,
    %swap3A_77 = arith.constant 240 : index
    %swap3A_78 = tpu.vector_load %arg7[%swap3A_77] {strides = array<i32>} : memref<256xf32, #tpu.memory_space<vmem>>, vector<16xf32>,
    tpu.vector_store %arg7[%swap3A_77], %broadcast_in_dim3A_47 {strides = array<i32>} : memref<256xf32, #tpu.memory_space<vmem>>, vector<16xf32>,
    %swap3A_79 = arith.constant 0 : index
    %swap3A_80 = tpu.vector_load %arg8[%swap3A_79] {strides = array<i32>} : memref<256xf32, #tpu.memory_space<vmem>>, vector<16xf32>,
    tpu.vector_store %arg8[%swap3A_79], %broadcast_in_dim3A_47 {strides = array<i32>} : memref<256xf32, #tpu.memory_space<vmem>>, vector<16xf32>,
    %swap3A_81 = arith.constant 16 : index
    %swap3A_82 = tpu.vector_load %arg8[%swap3A_81] {strides = array<i32>} : memref<256xf32, #tpu.memory_space<vmem>>, vector<16xf32>,
    tpu.vector_store %arg8[%swap3A_81], %broadcast_in_dim3A_47 {strides = array<i32>} : memref<256xf32, #tpu.memory_space<vmem>>, vector<16xf32>,
    %swap3A_83 = arith.constant 32 : index
    %swap3A_84 = tpu.vector_load %arg8[%swap3A_83] {strides = array<i32>} : memref<256xf32, #tpu.memory_space<vmem>>, vector<16xf32>,
    tpu.vector_store %arg8[%swap3A_83], %broadcast_in_dim3A_47 {strides = array<i32>} : memref<256xf32, #tpu.memory_space<vmem>>, vector<16xf32>,
    %swap3A_85 = arith.constant 48 : index
    %swap3A_86 = tpu.vector_load %arg8[%swap3A_85] {strides = array<i32>} : memref<256xf32, #tpu.memory_space<vmem>>, vector<16xf32>,
    tpu.vector_store %arg8[%swap3A_85], %broadcast_in_dim3A_47 {strides = array<i32>} : memref<256xf32, #tpu.memory_space<vmem>>, vector<16xf32>,
    %swap3A_87 = arith.constant 64 : index
    %swap3A_88 = tpu.vector_load %arg8[%swap3A_87] {strides = array<i32>} : memref<256xf32, #tpu.memory_space<vmem>>, vector<16xf32>,
    tpu.vector_store %arg8[%swap3A_87], %broadcast_in_dim3A_47 {strides = array<i32>} : memref<256xf32, #tpu.memory_space<vmem>>, vector<16xf32>,
    %swap3A_89 = arith.constant 80 : index
    %swap3A_90 = tpu.vector_load %arg8[%swap3A_89] {strides = array<i32>} : memref<256xf32, #tpu.memory_space<vmem>>, vector<16xf32>,
    tpu.vector_store %arg8[%swap3A_89], %broadcast_in_dim3A_47 {strides = array<i32>} : memref<256xf32, #tpu.memory_space<vmem>>, vector<16xf32>,
    %swap3A_91 = arith.constant 96 : index
    %swap3A_92 = tpu.vector_load %arg8[%swap3A_91] {strides = array<i32>} : memref<256xf32, #tpu.memory_space<vmem>>, vector<16xf32>,
    tpu.vector_store %arg8[%swap3A_91], %broadcast_in_dim3A_47 {strides = array<i32>} : memref<256xf32, #tpu.memory_space<vmem>>, vector<16xf32>,
    %swap3A_93 = arith.constant 112 : index
    %swap3A_94 = tpu.vector_load %arg8[%swap3A_93] {strides = array<i32>} : memref<256xf32, #tpu.memory_space<vmem>>, vector<16xf32>,
    tpu.vector_store %arg8[%swap3A_93], %broadcast_in_dim3A_47 {strides = array<i32>} : memref<256xf32, #tpu.memory_space<vmem>>, vector<16xf32>,
    %swap3A_95 = arith.constant 128 : index
    %swap3A_96 = tpu.vector_load %arg8[%swap3A_95] {strides = array<i32>} : memref<256xf32, #tpu.memory_space<vmem>>, vector<16xf32>,
    tpu.vector_store %arg8[%swap3A_95], %broadcast_in_dim3A_47 {strides = array<i32>} : memref<256xf32, #tpu.memory_space<vmem>>, vector<16xf32>,
    %swap3A_97 = arith.constant 144 : index
    %swap3A_98 = tpu.vector_load %arg8[%swap3A_97] {strides = array<i32>} : memref<256xf32, #tpu.memory_space<vmem>>, vector<16xf32>,
    tpu.vector_store %arg8[%swap3A_97], %broadcast_in_dim3A_47 {strides = array<i32>} : memref<256xf32, #tpu.memory_space<vmem>>, vector<16xf32>,
    %swap3A_99 = arith.constant 160 : index
    %swap3A_100 = tpu.vector_load %arg8[%swap3A_99] {strides = array<i32>} : memref<256xf32, #tpu.memory_space<vmem>>, vector<16xf32>,
    tpu.vector_store %arg8[%swap3A_99], %broadcast_in_dim3A_47 {strides = array<i32>} : memref<256xf32, #tpu.memory_space<vmem>>, vector<16xf32>,
    %swap3A_101 = arith.constant 176 : index
    %swap3A_102 = tpu.vector_load %arg8[%swap3A_101] {strides = array<i32>} : memref<256xf32, #tpu.memory_space<vmem>>, vector<16xf32>,
    tpu.vector_store %arg8[%swap3A_101], %broadcast_in_dim3A_47 {strides = array<i32>} : memref<256xf32, #tpu.memory_space<vmem>>, vector<16xf32>,
    %swap3A_103 = arith.constant 192 : index
    %swap3A_104 = tpu.vector_load %arg8[%swap3A_103] {strides = array<i32>} : memref<256xf32, #tpu.memory_space<vmem>>, vector<16xf32>,
    tpu.vector_store %arg8[%swap3A_103], %broadcast_in_dim3A_47 {strides = array<i32>} : memref<256xf32, #tpu.memory_space<vmem>>, vector<16xf32>,
    %swap3A_105 = arith.constant 208 : index
    %swap3A_106 = tpu.vector_load %arg8[%swap3A_105] {strides = array<i32>} : memref<256xf32, #tpu.memory_space<vmem>>, vector<16xf32>,
    tpu.vector_store %arg8[%swap3A_105], %broadcast_in_dim3A_47 {strides = array<i32>} : memref<256xf32, #tpu.memory_space<vmem>>, vector<16xf32>,
    %swap3A_107 = arith.constant 224 : index
    %swap3A_108 = tpu.vector_load %arg8[%swap3A_107] {strides = array<i32>} : memref<256xf32, #tpu.memory_space<vmem>>, vector<16xf32>,
    tpu.vector_store %arg8[%swap3A_107], %broadcast_in_dim3A_47 {strides = array<i32>} : memref<256xf32, #tpu.memory_space<vmem>>, vector<16xf32>,
    %swap3A_109 = arith.constant 240 : index
    %swap3A_110 = tpu.vector_load %arg8[%swap3A_109] {strides = array<i32>} : memref<256xf32, #tpu.memory_space<vmem>>, vector<16xf32>,
    tpu.vector_store %arg8[%swap3A_109], %broadcast_in_dim3A_47 {strides = array<i32>} : memref<256xf32, #tpu.memory_space<vmem>>, vector<16xf32>,
    %swap3A_111 = arith.constant 0 : index
    %swap3A_112 = tpu.vector_load %arg9[%swap3A_111] {strides = array<i32>} : memref<256xf32, #tpu.memory_space<vmem>>, vector<16xf32>,
    tpu.vector_store %arg9[%swap3A_111], %broadcast_in_dim3A_47 {strides = array<i32>} : memref<256xf32, #tpu.memory_space<vmem>>, vector<16xf32>,
    %swap3A_113 = arith.constant 16 : index
    %swap3A_114 = tpu.vector_load %arg9[%swap3A_113] {strides = array<i32>} : memref<256xf32, #tpu.memory_space<vmem>>, vector<16xf32>,
    tpu.vector_store %arg9[%swap3A_113], %broadcast_in_dim3A_47 {strides = array<i32>} : memref<256xf32, #tpu.memory_space<vmem>>, vector<16xf32>,
    %swap3A_115 = arith.constant 32 : index
    %swap3A_116 = tpu.vector_load %arg9[%swap3A_115] {strides = array<i32>} : memref<256xf32, #tpu.memory_space<vmem>>, vector<16xf32>,
    tpu.vector_store %arg9[%swap3A_115], %broadcast_in_dim3A_47 {strides = array<i32>} : memref<256xf32, #tpu.memory_space<vmem>>, vector<16xf32>,
    %swap3A_117 = arith.constant 48 : index
    %swap3A_118 = tpu.vector_load %arg9[%swap3A_117] {strides = array<i32>} : memref<256xf32, #tpu.memory_space<vmem>>, vector<16xf32>,
    tpu.vector_store %arg9[%swap3A_117], %broadcast_in_dim3A_47 {strides = array<i32>} : memref<256xf32, #tpu.memory_space<vmem>>, vector<16xf32>,
    %swap3A_119 = arith.constant 64 : index
    %swap3A_120 = tpu.vector_load %arg9[%swap3A_119] {strides = array<i32>} : memref<256xf32, #tpu.memory_space<vmem>>, vector<16xf32>,
    tpu.vector_store %arg9[%swap3A_119], %broadcast_in_dim3A_47 {strides = array<i32>} : memref<256xf32, #tpu.memory_space<vmem>>, vector<16xf32>,
    %swap3A_121 = arith.constant 80 : index
    %swap3A_122 = tpu.vector_load %arg9[%swap3A_121] {strides = array<i32>} : memref<256xf32, #tpu.memory_space<vmem>>, vector<16xf32>,
    tpu.vector_store %arg9[%swap3A_121], %broadcast_in_dim3A_47 {strides = array<i32>} : memref<256xf32, #tpu.memory_space<vmem>>, vector<16xf32>,
    %swap3A_123 = arith.constant 96 : index
    %swap3A_124 = tpu.vector_load %arg9[%swap3A_123] {strides = array<i32>} : memref<256xf32, #tpu.memory_space<vmem>>, vector<16xf32>,
    tpu.vector_store %arg9[%swap3A_123], %broadcast_in_dim3A_47 {strides = array<i32>} : memref<256xf32, #tpu.memory_space<vmem>>, vector<16xf32>,
    %swap3A_125 = arith.constant 112 : index
    %swap3A_126 = tpu.vector_load %arg9[%swap3A_125] {strides = array<i32>} : memref<256xf32, #tpu.memory_space<vmem>>, vector<16xf32>,
    tpu.vector_store %arg9[%swap3A_125], %broadcast_in_dim3A_47 {strides = array<i32>} : memref<256xf32, #tpu.memory_space<vmem>>, vector<16xf32>,
    %swap3A_127 = arith.constant 128 : index
    %swap3A_128 = tpu.vector_load %arg9[%swap3A_127] {strides = array<i32>} : memref<256xf32, #tpu.memory_space<vmem>>, vector<16xf32>,
    tpu.vector_store %arg9[%swap3A_127], %broadcast_in_dim3A_47 {strides = array<i32>} : memref<256xf32, #tpu.memory_space<vmem>>, vector<16xf32>,
    %swap3A_129 = arith.constant 144 : index
    %swap3A_130 = tpu.vector_load %arg9[%swap3A_129] {strides = array<i32>} : memref<256xf32, #tpu.memory_space<vmem>>, vector<16xf32>,
    tpu.vector_store %arg9[%swap3A_129], %broadcast_in_dim3A_47 {strides = array<i32>} : memref<256xf32, #tpu.memory_space<vmem>>, vector<16xf32>,
    %swap3A_131 = arith.constant 160 : index
    %swap3A_132 = tpu.vector_load %arg9[%swap3A_131] {strides = array<i32>} : memref<256xf32, #tpu.memory_space<vmem>>, vector<16xf32>,
    tpu.vector_store %arg9[%swap3A_131], %broadcast_in_dim3A_47 {strides = array<i32>} : memref<256xf32, #tpu.memory_space<vmem>>, vector<16xf32>,
    %swap3A_133 = arith.constant 176 : index
    %swap3A_134 = tpu.vector_load %arg9[%swap3A_133] {strides = array<i32>} : memref<256xf32, #tpu.memory_space<vmem>>, vector<16xf32>,
    tpu.vector_store %arg9[%swap3A_133], %broadcast_in_dim3A_47 {strides = array<i32>} : memref<256xf32, #tpu.memory_space<vmem>>, vector<16xf32>,
    %swap3A_135 = arith.constant 192 : index
    %swap3A_136 = tpu.vector_load %arg9[%swap3A_135] {strides = array<i32>} : memref<256xf32, #tpu.memory_space<vmem>>, vector<16xf32>,
    tpu.vector_store %arg9[%swap3A_135], %broadcast_in_dim3A_47 {strides = array<i32>} : memref<256xf32, #tpu.memory_space<vmem>>, vector<16xf32>,
    %swap3A_137 = arith.constant 208 : index
    %swap3A_138 = tpu.vector_load %arg9[%swap3A_137] {strides = array<i32>} : memref<256xf32, #tpu.memory_space<vmem>>, vector<16xf32>,
    tpu.vector_store %arg9[%swap3A_137], %broadcast_in_dim3A_47 {strides = array<i32>} : memref<256xf32, #tpu.memory_space<vmem>>, vector<16xf32>,
    %swap3A_139 = arith.constant 224 : index
    %swap3A_140 = tpu.vector_load %arg9[%swap3A_139] {strides = array<i32>} : memref<256xf32, #tpu.memory_space<vmem>>, vector<16xf32>,
    tpu.vector_store %arg9[%swap3A_139], %broadcast_in_dim3A_47 {strides = array<i32>} : memref<256xf32, #tpu.memory_space<vmem>>, vector<16xf32>,
    %swap3A_141 = arith.constant 240 : index
    %swap3A_142 = tpu.vector_load %arg9[%swap3A_141] {strides = array<i32>} : memref<256xf32, #tpu.memory_space<vmem>>, vector<16xf32>,
    tpu.vector_store %arg9[%swap3A_141], %broadcast_in_dim3A_47 {strides = array<i32>} : memref<256xf32, #tpu.memory_space<vmem>>, vector<16xf32>,
    %broadcast_in_dim3A_143 = arith.constant 1.000000e+00 : f32
    %broadcast_in_dim3A_144 = vector.broadcast %broadcast_in_dim3A_143 : f32 to vector<16xf32>
    %while3A = arith.constant 0 : i32
    %while3A_145 = arith.subi %select_n3A_46, %select_n3A : i32
    %while3A_146 = arith.addi %select_n3A, %while3A_145 : i32
    %while3A_147 = arith.constant 1 : i32
    %while3A_148 = arith.divsi %while3A_145, %while3A_147 : i32
    %while3A_149 = arith.muli %while3A_148, %while3A_147 : i32
    %while3A_150 = arith.addi %select_n3A, %while3A_149 : i32
    %while3A_151 = arith.constant 1 : i32
    %while3A_152 = scf.for %while3A_163 = %select_n3A to %while3A_150 step %while3A_151 iter_args(%while3A_164 = %while3A) -> (i32)  : i32 {
      %mul3A_165 = arith.constant 400 : i32
      %mul3A_166 = arith.muli %while3A_163, %mul3A_165 : i32
      %mul3A_167 = arith.constant 100 : i32
      %mul3A_168 = arith.muli %mul3A_166, %mul3A_167 : i32
      %dma_start3A = tpu.memref_slice %arg2[%mul3A_168] : memref<100000000xf32, #tpu.memory_space<hbm>> -> memref<40000xf32, #tpu.memory_space<hbm>>
      %dma_start3A_169 = tpu.memref_slice %arg2[%mul3A_168] : memref<100000000xf32, #tpu.memory_space<hbm>> -> memref<40000xf32, #tpu.memory_space<hbm>>
      tpu.enqueue_dma source(%dma_start3A_169 : memref<40000xf32, #tpu.memory_space<hbm>>) target(%arg5 : memref<40000xf32, #tpu.memory_space<vmem>>) target_semaphore(%arg10 : memref<!tpu.dma_semaphore, #tpu.memory_space<semaphore_mem>>)
      %dma_start3A_170 = tpu.memref_slice %arg3[%mul3A_166] : memref<1000000xi32, #tpu.memory_space<hbm>> -> memref<400xi32, #tpu.memory_space<hbm>>
      %dma_start3A_171 = tpu.memref_slice %arg3[%mul3A_166] : memref<1000000xi32, #tpu.memory_space<hbm>> -> memref<400xi32, #tpu.memory_space<hbm>>
      tpu.enqueue_dma source(%dma_start3A_171 : memref<400xi32, #tpu.memory_space<hbm>>) target(%arg6 : memref<400xi32, #tpu.memory_space<vmem>>) target_semaphore(%arg11 : memref<!tpu.dma_semaphore, #tpu.memory_space<semaphore_mem>>)
      %dma_wait3A = tpu.memref_slice %arg2[%mul3A_168] : memref<100000000xf32, #tpu.memory_space<hbm>> -> memref<40000xf32, #tpu.memory_space<hbm>>
      %dma_wait3A_172 = tpu.memref_slice %arg2[%mul3A_168] : memref<100000000xf32, #tpu.memory_space<hbm>> -> memref<40000xf32, #tpu.memory_space<hbm>>
      tpu.wait_dma2 semaphore(%arg10 : memref<!tpu.dma_semaphore, #tpu.memory_space<semaphore_mem>>) src(%dma_wait3A_172 : memref<40000xf32, #tpu.memory_space<hbm>>) dst(%arg5 : memref<40000xf32, #tpu.memory_space<vmem>>)
      %dma_wait3A_173 = tpu.memref_slice %arg3[%mul3A_166] : memref<1000000xi32, #tpu.memory_space<hbm>> -> memref<400xi32, #tpu.memory_space<hbm>>
      %dma_wait3A_174 = tpu.memref_slice %arg3[%mul3A_166] : memref<1000000xi32, #tpu.memory_space<hbm>> -> memref<400xi32, #tpu.memory_space<hbm>>
      tpu.wait_dma2 semaphore(%arg11 : memref<!tpu.dma_semaphore, #tpu.memory_space<semaphore_mem>>) src(%dma_wait3A_174 : memref<400xi32, #tpu.memory_space<hbm>>) dst(%arg6 : memref<400xi32, #tpu.memory_space<vmem>>)
      %scan3A = arith.constant 0 : i32
      %scan3A_175 = arith.constant 0 : i32
      %scan3A_176 = arith.constant 25 : i32
      %scan3A_177 = arith.addi %scan3A_175, %scan3A_176 : i32
      %scan3A_178 = arith.constant 1 : i32
      %scan3A_179 = scf.for %scan3A_182 = %scan3A_175 to %scan3A_177 step %scan3A_178 iter_args(%scan3A_183 = %scan3A) -> (i32)  : i32 {
        %mul3A_184 = arith.constant 1600 : i32
        %mul3A_185 = arith.muli %scan3A_182, %mul3A_184 : i32
        %mul3A_186 = arith.constant 100 : i32
        %mul3A_187 = vector.broadcast %mul3A_186 : i32 to vector<16xi32>
        %mul3A_188 = arith.muli %iota3A, %mul3A_187 : vector<16xi32>
        %add3A_189 = vector.broadcast %mul3A_185 : i32 to vector<16xi32>
        %add3A_190 = arith.addi %add3A_189, %mul3A_188 : vector<16xi32>
        %add3A_191 = arith.constant 0 : i32
        %add3A_192 = vector.broadcast %add3A_191 : i32 to vector<16xi32>
        %add3A_193 = arith.addi %add3A_190, %add3A_192 : vector<16xi32>
        %gather3A = tpu.vector_load_idx %arg5[%add3A_193] : memref<40000xf32, #tpu.memory_space<vmem>>[vector<16xi32>], vector<16xf32>,
        %add3A_194 = arith.constant 1 : i32
        %add3A_195 = vector.broadcast %add3A_194 : i32 to vector<16xi32>
        %add3A_196 = arith.addi %add3A_190, %add3A_195 : vector<16xi32>
        %gather3A_197 = tpu.vector_load_idx %arg5[%add3A_196] : memref<40000xf32, #tpu.memory_space<vmem>>[vector<16xi32>], vector<16xf32>,
        %add3A_198 = arith.constant 2 : i32
        %add3A_199 = vector.broadcast %add3A_198 : i32 to vector<16xi32>
        %add3A_200 = arith.addi %add3A_190, %add3A_199 : vector<16xi32>
        %gather3A_201 = tpu.vector_load_idx %arg5[%add3A_200] : memref<40000xf32, #tpu.memory_space<vmem>>[vector<16xi32>], vector<16xf32>,
        %add3A_202 = arith.constant 3 : i32
        %add3A_203 = vector.broadcast %add3A_202 : i32 to vector<16xi32>
        %add3A_204 = arith.addi %add3A_190, %add3A_203 : vector<16xi32>
        %gather3A_205 = tpu.vector_load_idx %arg5[%add3A_204] : memref<40000xf32, #tpu.memory_space<vmem>>[vector<16xi32>], vector<16xf32>,
        %add3A_206 = arith.constant 4 : i32
        %add3A_207 = vector.broadcast %add3A_206 : i32 to vector<16xi32>
        %add3A_208 = arith.addi %add3A_190, %add3A_207 : vector<16xi32>
        %gather3A_209 = tpu.vector_load_idx %arg5[%add3A_208] : memref<40000xf32, #tpu.memory_space<vmem>>[vector<16xi32>], vector<16xf32>,
        %max3A = arith.maximumf %gather3A, %gather3A_209 : vector<16xf32>
        %add3A_210 = arith.constant 5 : i32
        %add3A_211 = vector.broadcast %add3A_210 : i32 to vector<16xi32>
        %add3A_212 = arith.addi %add3A_190, %add3A_211 : vector<16xi32>
        %gather3A_213 = tpu.vector_load_idx %arg5[%add3A_212] : memref<40000xf32, #tpu.memory_space<vmem>>[vector<16xi32>], vector<16xf32>,
        %max3A_214 = arith.maximumf %gather3A_197, %gather3A_213 : vector<16xf32>
        %add3A_215 = arith.constant 6 : i32
        %add3A_216 = vector.broadcast %add3A_215 : i32 to vector<16xi32>
        %add3A_217 = arith.addi %add3A_190, %add3A_216 : vector<16xi32>
        %gather3A_218 = tpu.vector_load_idx %arg5[%add3A_217] : memref<40000xf32, #tpu.memory_space<vmem>>[vector<16xi32>], vector<16xf32>,
        %max3A_219 = arith.maximumf %gather3A_201, %gather3A_218 : vector<16xf32>
        %add3A_220 = arith.constant 7 : i32
        %add3A_221 = vector.broadcast %add3A_220 : i32 to vector<16xi32>
        %add3A_222 = arith.addi %add3A_190, %add3A_221 : vector<16xi32>
        %gather3A_223 = tpu.vector_load_idx %arg5[%add3A_222] : memref<40000xf32, #tpu.memory_space<vmem>>[vector<16xi32>], vector<16xf32>,
        %max3A_224 = arith.maximumf %gather3A_205, %gather3A_223 : vector<16xf32>
        %add3A_225 = arith.constant 8 : i32
        %add3A_226 = vector.broadcast %add3A_225 : i32 to vector<16xi32>
        %add3A_227 = arith.addi %add3A_190, %add3A_226 : vector<16xi32>
        %gather3A_228 = tpu.vector_load_idx %arg5[%add3A_227] : memref<40000xf32, #tpu.memory_space<vmem>>[vector<16xi32>], vector<16xf32>,
        %max3A_229 = arith.maximumf %max3A, %gather3A_228 : vector<16xf32>
        %add3A_230 = arith.constant 9 : i32
        %add3A_231 = vector.broadcast %add3A_230 : i32 to vector<16xi32>
        %add3A_232 = arith.addi %add3A_190, %add3A_231 : vector<16xi32>
        %gather3A_233 = tpu.vector_load_idx %arg5[%add3A_232] : memref<40000xf32, #tpu.memory_space<vmem>>[vector<16xi32>], vector<16xf32>,
        %max3A_234 = arith.maximumf %max3A_214, %gather3A_233 : vector<16xf32>
        %add3A_235 = arith.constant 10 : i32
        %add3A_236 = vector.broadcast %add3A_235 : i32 to vector<16xi32>
        %add3A_237 = arith.addi %add3A_190, %add3A_236 : vector<16xi32>
        %gather3A_238 = tpu.vector_load_idx %arg5[%add3A_237] : memref<40000xf32, #tpu.memory_space<vmem>>[vector<16xi32>], vector<16xf32>,
        %max3A_239 = arith.maximumf %max3A_219, %gather3A_238 : vector<16xf32>
        %add3A_240 = arith.constant 11 : i32
        %add3A_241 = vector.broadcast %add3A_240 : i32 to vector<16xi32>
        %add3A_242 = arith.addi %add3A_190, %add3A_241 : vector<16xi32>
        %gather3A_243 = tpu.vector_load_idx %arg5[%add3A_242] : memref<40000xf32, #tpu.memory_space<vmem>>[vector<16xi32>], vector<16xf32>,
        %max3A_244 = arith.maximumf %max3A_224, %gather3A_243 : vector<16xf32>
        %add3A_245 = arith.constant 12 : i32
        %add3A_246 = vector.broadcast %add3A_245 : i32 to vector<16xi32>
        %add3A_247 = arith.addi %add3A_190, %add3A_246 : vector<16xi32>
        %gather3A_248 = tpu.vector_load_idx %arg5[%add3A_247] : memref<40000xf32, #tpu.memory_space<vmem>>[vector<16xi32>], vector<16xf32>,
        %max3A_249 = arith.maximumf %max3A_229, %gather3A_248 : vector<16xf32>
        %add3A_250 = arith.constant 13 : i32
        %add3A_251 = vector.broadcast %add3A_250 : i32 to vector<16xi32>
        %add3A_252 = arith.addi %add3A_190, %add3A_251 : vector<16xi32>
        %gather3A_253 = tpu.vector_load_idx %arg5[%add3A_252] : memref<40000xf32, #tpu.memory_space<vmem>>[vector<16xi32>], vector<16xf32>,
        %max3A_254 = arith.maximumf %max3A_234, %gather3A_253 : vector<16xf32>
        %add3A_255 = arith.constant 14 : i32
        %add3A_256 = vector.broadcast %add3A_255 : i32 to vector<16xi32>
        %add3A_257 = arith.addi %add3A_190, %add3A_256 : vector<16xi32>
        %gather3A_258 = tpu.vector_load_idx %arg5[%add3A_257] : memref<40000xf32, #tpu.memory_space<vmem>>[vector<16xi32>], vector<16xf32>,
        %max3A_259 = arith.maximumf %max3A_239, %gather3A_258 : vector<16xf32>
        %add3A_260 = arith.constant 15 : i32
        %add3A_261 = vector.broadcast %add3A_260 : i32 to vector<16xi32>
        %add3A_262 = arith.addi %add3A_190, %add3A_261 : vector<16xi32>
        %gather3A_263 = tpu.vector_load_idx %arg5[%add3A_262] : memref<40000xf32, #tpu.memory_space<vmem>>[vector<16xi32>], vector<16xf32>,
        %max3A_264 = arith.maximumf %max3A_244, %gather3A_263 : vector<16xf32>
        %add3A_265 = arith.constant 16 : i32
        %add3A_266 = vector.broadcast %add3A_265 : i32 to vector<16xi32>
        %add3A_267 = arith.addi %add3A_190, %add3A_266 : vector<16xi32>
        %gather3A_268 = tpu.vector_load_idx %arg5[%add3A_267] : memref<40000xf32, #tpu.memory_space<vmem>>[vector<16xi32>], vector<16xf32>,
        %max3A_269 = arith.maximumf %max3A_249, %gather3A_268 : vector<16xf32>
        %add3A_270 = arith.constant 17 : i32
        %add3A_271 = vector.broadcast %add3A_270 : i32 to vector<16xi32>
        %add3A_272 = arith.addi %add3A_190, %add3A_271 : vector<16xi32>
        %gather3A_273 = tpu.vector_load_idx %arg5[%add3A_272] : memref<40000xf32, #tpu.memory_space<vmem>>[vector<16xi32>], vector<16xf32>,
        %max3A_274 = arith.maximumf %max3A_254, %gather3A_273 : vector<16xf32>
        %add3A_275 = arith.constant 18 : i32
        %add3A_276 = vector.broadcast %add3A_275 : i32 to vector<16xi32>
        %add3A_277 = arith.addi %add3A_190, %add3A_276 : vector<16xi32>
        %gather3A_278 = tpu.vector_load_idx %arg5[%add3A_277] : memref<40000xf32, #tpu.memory_space<vmem>>[vector<16xi32>], vector<16xf32>,
        %max3A_279 = arith.maximumf %max3A_259, %gather3A_278 : vector<16xf32>
        %add3A_280 = arith.constant 19 : i32
        %add3A_281 = vector.broadcast %add3A_280 : i32 to vector<16xi32>
        %add3A_282 = arith.addi %add3A_190, %add3A_281 : vector<16xi32>
        %gather3A_283 = tpu.vector_load_idx %arg5[%add3A_282] : memref<40000xf32, #tpu.memory_space<vmem>>[vector<16xi32>], vector<16xf32>,
        %max3A_284 = arith.maximumf %max3A_264, %gather3A_283 : vector<16xf32>
        %add3A_285 = arith.constant 20 : i32
        %add3A_286 = vector.broadcast %add3A_285 : i32 to vector<16xi32>
        %add3A_287 = arith.addi %add3A_190, %add3A_286 : vector<16xi32>
        %gather3A_288 = tpu.vector_load_idx %arg5[%add3A_287] : memref<40000xf32, #tpu.memory_space<vmem>>[vector<16xi32>], vector<16xf32>,
        %max3A_289 = arith.maximumf %max3A_269, %gather3A_288 : vector<16xf32>
        %add3A_290 = arith.constant 21 : i32
        %add3A_291 = vector.broadcast %add3A_290 : i32 to vector<16xi32>
        %add3A_292 = arith.addi %add3A_190, %add3A_291 : vector<16xi32>
        %gather3A_293 = tpu.vector_load_idx %arg5[%add3A_292] : memref<40000xf32, #tpu.memory_space<vmem>>[vector<16xi32>], vector<16xf32>,
        %max3A_294 = arith.maximumf %max3A_274, %gather3A_293 : vector<16xf32>
        %add3A_295 = arith.constant 22 : i32
        %add3A_296 = vector.broadcast %add3A_295 : i32 to vector<16xi32>
        %add3A_297 = arith.addi %add3A_190, %add3A_296 : vector<16xi32>
        %gather3A_298 = tpu.vector_load_idx %arg5[%add3A_297] : memref<40000xf32, #tpu.memory_space<vmem>>[vector<16xi32>], vector<16xf32>,
        %max3A_299 = arith.maximumf %max3A_279, %gather3A_298 : vector<16xf32>
        %add3A_300 = arith.constant 23 : i32
        %add3A_301 = vector.broadcast %add3A_300 : i32 to vector<16xi32>
        %add3A_302 = arith.addi %add3A_190, %add3A_301 : vector<16xi32>
        %gather3A_303 = tpu.vector_load_idx %arg5[%add3A_302] : memref<40000xf32, #tpu.memory_space<vmem>>[vector<16xi32>], vector<16xf32>,
        %max3A_304 = arith.maximumf %max3A_284, %gather3A_303 : vector<16xf32>
        %add3A_305 = arith.constant 24 : i32
        %add3A_306 = vector.broadcast %add3A_305 : i32 to vector<16xi32>
        %add3A_307 = arith.addi %add3A_190, %add3A_306 : vector<16xi32>
        %gather3A_308 = tpu.vector_load_idx %arg5[%add3A_307] : memref<40000xf32, #tpu.memory_space<vmem>>[vector<16xi32>], vector<16xf32>,
        %max3A_309 = arith.maximumf %max3A_289, %gather3A_308 : vector<16xf32>
        %add3A_310 = arith.constant 25 : i32
        %add3A_311 = vector.broadcast %add3A_310 : i32 to vector<16xi32>
        %add3A_312 = arith.addi %add3A_190, %add3A_311 : vector<16xi32>
        %gather3A_313 = tpu.vector_load_idx %arg5[%add3A_312] : memref<40000xf32, #tpu.memory_space<vmem>>[vector<16xi32>], vector<16xf32>,
        %max3A_314 = arith.maximumf %max3A_294, %gather3A_313 : vector<16xf32>
        %add3A_315 = arith.constant 26 : i32
        %add3A_316 = vector.broadcast %add3A_315 : i32 to vector<16xi32>
        %add3A_317 = arith.addi %add3A_190, %add3A_316 : vector<16xi32>
        %gather3A_318 = tpu.vector_load_idx %arg5[%add3A_317] : memref<40000xf32, #tpu.memory_space<vmem>>[vector<16xi32>], vector<16xf32>,
        %max3A_319 = arith.maximumf %max3A_299, %gather3A_318 : vector<16xf32>
        %add3A_320 = arith.constant 27 : i32
        %add3A_321 = vector.broadcast %add3A_320 : i32 to vector<16xi32>
        %add3A_322 = arith.addi %add3A_190, %add3A_321 : vector<16xi32>
        %gather3A_323 = tpu.vector_load_idx %arg5[%add3A_322] : memref<40000xf32, #tpu.memory_space<vmem>>[vector<16xi32>], vector<16xf32>,
        %max3A_324 = arith.maximumf %max3A_304, %gather3A_323 : vector<16xf32>
        %add3A_325 = arith.constant 28 : i32
        %add3A_326 = vector.broadcast %add3A_325 : i32 to vector<16xi32>
        %add3A_327 = arith.addi %add3A_190, %add3A_326 : vector<16xi32>
        %gather3A_328 = tpu.vector_load_idx %arg5[%add3A_327] : memref<40000xf32, #tpu.memory_space<vmem>>[vector<16xi32>], vector<16xf32>,
        %max3A_329 = arith.maximumf %max3A_309, %gather3A_328 : vector<16xf32>
        %add3A_330 = arith.constant 29 : i32
        %add3A_331 = vector.broadcast %add3A_330 : i32 to vector<16xi32>
        %add3A_332 = arith.addi %add3A_190, %add3A_331 : vector<16xi32>
        %gather3A_333 = tpu.vector_load_idx %arg5[%add3A_332] : memref<40000xf32, #tpu.memory_space<vmem>>[vector<16xi32>], vector<16xf32>,
        %max3A_334 = arith.maximumf %max3A_314, %gather3A_333 : vector<16xf32>
        %add3A_335 = arith.constant 30 : i32
        %add3A_336 = vector.broadcast %add3A_335 : i32 to vector<16xi32>
        %add3A_337 = arith.addi %add3A_190, %add3A_336 : vector<16xi32>
        %gather3A_338 = tpu.vector_load_idx %arg5[%add3A_337] : memref<40000xf32, #tpu.memory_space<vmem>>[vector<16xi32>], vector<16xf32>,
        %max3A_339 = arith.maximumf %max3A_319, %gather3A_338 : vector<16xf32>
        %add3A_340 = arith.constant 31 : i32
        %add3A_341 = vector.broadcast %add3A_340 : i32 to vector<16xi32>
        %add3A_342 = arith.addi %add3A_190, %add3A_341 : vector<16xi32>
        %gather3A_343 = tpu.vector_load_idx %arg5[%add3A_342] : memref<40000xf32, #tpu.memory_space<vmem>>[vector<16xi32>], vector<16xf32>,
        %max3A_344 = arith.maximumf %max3A_324, %gather3A_343 : vector<16xf32>
        %add3A_345 = arith.constant 32 : i32
        %add3A_346 = vector.broadcast %add3A_345 : i32 to vector<16xi32>
        %add3A_347 = arith.addi %add3A_190, %add3A_346 : vector<16xi32>
        %gather3A_348 = tpu.vector_load_idx %arg5[%add3A_347] : memref<40000xf32, #tpu.memory_space<vmem>>[vector<16xi32>], vector<16xf32>,
        %max3A_349 = arith.maximumf %max3A_329, %gather3A_348 : vector<16xf32>
        %add3A_350 = arith.constant 33 : i32
        %add3A_351 = vector.broadcast %add3A_350 : i32 to vector<16xi32>
        %add3A_352 = arith.addi %add3A_190, %add3A_351 : vector<16xi32>
        %gather3A_353 = tpu.vector_load_idx %arg5[%add3A_352] : memref<40000xf32, #tpu.memory_space<vmem>>[vector<16xi32>], vector<16xf32>,
        %max3A_354 = arith.maximumf %max3A_334, %gather3A_353 : vector<16xf32>
        %add3A_355 = arith.constant 34 : i32
        %add3A_356 = vector.broadcast %add3A_355 : i32 to vector<16xi32>
        %add3A_357 = arith.addi %add3A_190, %add3A_356 : vector<16xi32>
        %gather3A_358 = tpu.vector_load_idx %arg5[%add3A_357] : memref<40000xf32, #tpu.memory_space<vmem>>[vector<16xi32>], vector<16xf32>,
        %max3A_359 = arith.maximumf %max3A_339, %gather3A_358 : vector<16xf32>
        %add3A_360 = arith.constant 35 : i32
        %add3A_361 = vector.broadcast %add3A_360 : i32 to vector<16xi32>
        %add3A_362 = arith.addi %add3A_190, %add3A_361 : vector<16xi32>
        %gather3A_363 = tpu.vector_load_idx %arg5[%add3A_362] : memref<40000xf32, #tpu.memory_space<vmem>>[vector<16xi32>], vector<16xf32>,
        %max3A_364 = arith.maximumf %max3A_344, %gather3A_363 : vector<16xf32>
        %add3A_365 = arith.constant 36 : i32
        %add3A_366 = vector.broadcast %add3A_365 : i32 to vector<16xi32>
        %add3A_367 = arith.addi %add3A_190, %add3A_366 : vector<16xi32>
        %gather3A_368 = tpu.vector_load_idx %arg5[%add3A_367] : memref<40000xf32, #tpu.memory_space<vmem>>[vector<16xi32>], vector<16xf32>,
        %max3A_369 = arith.maximumf %max3A_349, %gather3A_368 : vector<16xf32>
        %add3A_370 = arith.constant 37 : i32
        %add3A_371 = vector.broadcast %add3A_370 : i32 to vector<16xi32>
        %add3A_372 = arith.addi %add3A_190, %add3A_371 : vector<16xi32>
        %gather3A_373 = tpu.vector_load_idx %arg5[%add3A_372] : memref<40000xf32, #tpu.memory_space<vmem>>[vector<16xi32>], vector<16xf32>,
        %max3A_374 = arith.maximumf %max3A_354, %gather3A_373 : vector<16xf32>
        %add3A_375 = arith.constant 38 : i32
        %add3A_376 = vector.broadcast %add3A_375 : i32 to vector<16xi32>
        %add3A_377 = arith.addi %add3A_190, %add3A_376 : vector<16xi32>
        %gather3A_378 = tpu.vector_load_idx %arg5[%add3A_377] : memref<40000xf32, #tpu.memory_space<vmem>>[vector<16xi32>], vector<16xf32>,
        %max3A_379 = arith.maximumf %max3A_359, %gather3A_378 : vector<16xf32>
        %add3A_380 = arith.constant 39 : i32
        %add3A_381 = vector.broadcast %add3A_380 : i32 to vector<16xi32>
        %add3A_382 = arith.addi %add3A_190, %add3A_381 : vector<16xi32>
        %gather3A_383 = tpu.vector_load_idx %arg5[%add3A_382] : memref<40000xf32, #tpu.memory_space<vmem>>[vector<16xi32>], vector<16xf32>,
        %max3A_384 = arith.maximumf %max3A_364, %gather3A_383 : vector<16xf32>
        %add3A_385 = arith.constant 40 : i32
        %add3A_386 = vector.broadcast %add3A_385 : i32 to vector<16xi32>
        %add3A_387 = arith.addi %add3A_190, %add3A_386 : vector<16xi32>
        %gather3A_388 = tpu.vector_load_idx %arg5[%add3A_387] : memref<40000xf32, #tpu.memory_space<vmem>>[vector<16xi32>], vector<16xf32>,
        %max3A_389 = arith.maximumf %max3A_369, %gather3A_388 : vector<16xf32>
        %add3A_390 = arith.constant 41 : i32
        %add3A_391 = vector.broadcast %add3A_390 : i32 to vector<16xi32>
        %add3A_392 = arith.addi %add3A_190, %add3A_391 : vector<16xi32>
        %gather3A_393 = tpu.vector_load_idx %arg5[%add3A_392] : memref<40000xf32, #tpu.memory_space<vmem>>[vector<16xi32>], vector<16xf32>,
        %max3A_394 = arith.maximumf %max3A_374, %gather3A_393 : vector<16xf32>
        %add3A_395 = arith.constant 42 : i32
        %add3A_396 = vector.broadcast %add3A_395 : i32 to vector<16xi32>
        %add3A_397 = arith.addi %add3A_190, %add3A_396 : vector<16xi32>
        %gather3A_398 = tpu.vector_load_idx %arg5[%add3A_397] : memref<40000xf32, #tpu.memory_space<vmem>>[vector<16xi32>], vector<16xf32>,
        %max3A_399 = arith.maximumf %max3A_379, %gather3A_398 : vector<16xf32>
        %add3A_400 = arith.constant 43 : i32
        %add3A_401 = vector.broadcast %add3A_400 : i32 to vector<16xi32>
        %add3A_402 = arith.addi %add3A_190, %add3A_401 : vector<16xi32>
        %gather3A_403 = tpu.vector_load_idx %arg5[%add3A_402] : memref<40000xf32, #tpu.memory_space<vmem>>[vector<16xi32>], vector<16xf32>,
        %max3A_404 = arith.maximumf %max3A_384, %gather3A_403 : vector<16xf32>
        %add3A_405 = arith.constant 44 : i32
        %add3A_406 = vector.broadcast %add3A_405 : i32 to vector<16xi32>
        %add3A_407 = arith.addi %add3A_190, %add3A_406 : vector<16xi32>
        %gather3A_408 = tpu.vector_load_idx %arg5[%add3A_407] : memref<40000xf32, #tpu.memory_space<vmem>>[vector<16xi32>], vector<16xf32>,
        %max3A_409 = arith.maximumf %max3A_389, %gather3A_408 : vector<16xf32>
        %add3A_410 = arith.constant 45 : i32
        %add3A_411 = vector.broadcast %add3A_410 : i32 to vector<16xi32>
        %add3A_412 = arith.addi %add3A_190, %add3A_411 : vector<16xi32>
        %gather3A_413 = tpu.vector_load_idx %arg5[%add3A_412] : memref<40000xf32, #tpu.memory_space<vmem>>[vector<16xi32>], vector<16xf32>,
        %max3A_414 = arith.maximumf %max3A_394, %gather3A_413 : vector<16xf32>
        %add3A_415 = arith.constant 46 : i32
        %add3A_416 = vector.broadcast %add3A_415 : i32 to vector<16xi32>
        %add3A_417 = arith.addi %add3A_190, %add3A_416 : vector<16xi32>
        %gather3A_418 = tpu.vector_load_idx %arg5[%add3A_417] : memref<40000xf32, #tpu.memory_space<vmem>>[vector<16xi32>], vector<16xf32>,
        %max3A_419 = arith.maximumf %max3A_399, %gather3A_418 : vector<16xf32>
        %add3A_420 = arith.constant 47 : i32
        %add3A_421 = vector.broadcast %add3A_420 : i32 to vector<16xi32>
        %add3A_422 = arith.addi %add3A_190, %add3A_421 : vector<16xi32>
        %gather3A_423 = tpu.vector_load_idx %arg5[%add3A_422] : memref<40000xf32, #tpu.memory_space<vmem>>[vector<16xi32>], vector<16xf32>,
        %max3A_424 = arith.maximumf %max3A_404, %gather3A_423 : vector<16xf32>
        %add3A_425 = arith.constant 48 : i32
        %add3A_426 = vector.broadcast %add3A_425 : i32 to vector<16xi32>
        %add3A_427 = arith.addi %add3A_190, %add3A_426 : vector<16xi32>
        %gather3A_428 = tpu.vector_load_idx %arg5[%add3A_427] : memref<40000xf32, #tpu.memory_space<vmem>>[vector<16xi32>], vector<16xf32>,
        %max3A_429 = arith.maximumf %max3A_409, %gather3A_428 : vector<16xf32>
        %add3A_430 = arith.constant 49 : i32
        %add3A_431 = vector.broadcast %add3A_430 : i32 to vector<16xi32>
        %add3A_432 = arith.addi %add3A_190, %add3A_431 : vector<16xi32>
        %gather3A_433 = tpu.vector_load_idx %arg5[%add3A_432] : memref<40000xf32, #tpu.memory_space<vmem>>[vector<16xi32>], vector<16xf32>,
        %max3A_434 = arith.maximumf %max3A_414, %gather3A_433 : vector<16xf32>
        %add3A_435 = arith.constant 50 : i32
        %add3A_436 = vector.broadcast %add3A_435 : i32 to vector<16xi32>
        %add3A_437 = arith.addi %add3A_190, %add3A_436 : vector<16xi32>
        %gather3A_438 = tpu.vector_load_idx %arg5[%add3A_437] : memref<40000xf32, #tpu.memory_space<vmem>>[vector<16xi32>], vector<16xf32>,
        %max3A_439 = arith.maximumf %max3A_419, %gather3A_438 : vector<16xf32>
        %add3A_440 = arith.constant 51 : i32
        %add3A_441 = vector.broadcast %add3A_440 : i32 to vector<16xi32>
        %add3A_442 = arith.addi %add3A_190, %add3A_441 : vector<16xi32>
        %gather3A_443 = tpu.vector_load_idx %arg5[%add3A_442] : memref<40000xf32, #tpu.memory_space<vmem>>[vector<16xi32>], vector<16xf32>,
        %max3A_444 = arith.maximumf %max3A_424, %gather3A_443 : vector<16xf32>
        %add3A_445 = arith.constant 52 : i32
        %add3A_446 = vector.broadcast %add3A_445 : i32 to vector<16xi32>
        %add3A_447 = arith.addi %add3A_190, %add3A_446 : vector<16xi32>
        %gather3A_448 = tpu.vector_load_idx %arg5[%add3A_447] : memref<40000xf32, #tpu.memory_space<vmem>>[vector<16xi32>], vector<16xf32>,
        %max3A_449 = arith.maximumf %max3A_429, %gather3A_448 : vector<16xf32>
        %add3A_450 = arith.constant 53 : i32
        %add3A_451 = vector.broadcast %add3A_450 : i32 to vector<16xi32>
        %add3A_452 = arith.addi %add3A_190, %add3A_451 : vector<16xi32>
        %gather3A_453 = tpu.vector_load_idx %arg5[%add3A_452] : memref<40000xf32, #tpu.memory_space<vmem>>[vector<16xi32>], vector<16xf32>,
        %max3A_454 = arith.maximumf %max3A_434, %gather3A_453 : vector<16xf32>
        %add3A_455 = arith.constant 54 : i32
        %add3A_456 = vector.broadcast %add3A_455 : i32 to vector<16xi32>
        %add3A_457 = arith.addi %add3A_190, %add3A_456 : vector<16xi32>
        %gather3A_458 = tpu.vector_load_idx %arg5[%add3A_457] : memref<40000xf32, #tpu.memory_space<vmem>>[vector<16xi32>], vector<16xf32>,
        %max3A_459 = arith.maximumf %max3A_439, %gather3A_458 : vector<16xf32>
        %add3A_460 = arith.constant 55 : i32
        %add3A_461 = vector.broadcast %add3A_460 : i32 to vector<16xi32>
        %add3A_462 = arith.addi %add3A_190, %add3A_461 : vector<16xi32>
        %gather3A_463 = tpu.vector_load_idx %arg5[%add3A_462] : memref<40000xf32, #tpu.memory_space<vmem>>[vector<16xi32>], vector<16xf32>,
        %max3A_464 = arith.maximumf %max3A_444, %gather3A_463 : vector<16xf32>
        %add3A_465 = arith.constant 56 : i32
        %add3A_466 = vector.broadcast %add3A_465 : i32 to vector<16xi32>
        %add3A_467 = arith.addi %add3A_190, %add3A_466 : vector<16xi32>
        %gather3A_468 = tpu.vector_load_idx %arg5[%add3A_467] : memref<40000xf32, #tpu.memory_space<vmem>>[vector<16xi32>], vector<16xf32>,
        %max3A_469 = arith.maximumf %max3A_449, %gather3A_468 : vector<16xf32>
        %add3A_470 = arith.constant 57 : i32
        %add3A_471 = vector.broadcast %add3A_470 : i32 to vector<16xi32>
        %add3A_472 = arith.addi %add3A_190, %add3A_471 : vector<16xi32>
        %gather3A_473 = tpu.vector_load_idx %arg5[%add3A_472] : memref<40000xf32, #tpu.memory_space<vmem>>[vector<16xi32>], vector<16xf32>,
        %max3A_474 = arith.maximumf %max3A_454, %gather3A_473 : vector<16xf32>
        %add3A_475 = arith.constant 58 : i32
        %add3A_476 = vector.broadcast %add3A_475 : i32 to vector<16xi32>
        %add3A_477 = arith.addi %add3A_190, %add3A_476 : vector<16xi32>
        %gather3A_478 = tpu.vector_load_idx %arg5[%add3A_477] : memref<40000xf32, #tpu.memory_space<vmem>>[vector<16xi32>], vector<16xf32>,
        %max3A_479 = arith.maximumf %max3A_459, %gather3A_478 : vector<16xf32>
        %add3A_480 = arith.constant 59 : i32
        %add3A_481 = vector.broadcast %add3A_480 : i32 to vector<16xi32>
        %add3A_482 = arith.addi %add3A_190, %add3A_481 : vector<16xi32>
        %gather3A_483 = tpu.vector_load_idx %arg5[%add3A_482] : memref<40000xf32, #tpu.memory_space<vmem>>[vector<16xi32>], vector<16xf32>,
        %max3A_484 = arith.maximumf %max3A_464, %gather3A_483 : vector<16xf32>
        %add3A_485 = arith.constant 60 : i32
        %add3A_486 = vector.broadcast %add3A_485 : i32 to vector<16xi32>
        %add3A_487 = arith.addi %add3A_190, %add3A_486 : vector<16xi32>
        %gather3A_488 = tpu.vector_load_idx %arg5[%add3A_487] : memref<40000xf32, #tpu.memory_space<vmem>>[vector<16xi32>], vector<16xf32>,
        %max3A_489 = arith.maximumf %max3A_469, %gather3A_488 : vector<16xf32>
        %add3A_490 = arith.constant 61 : i32
        %add3A_491 = vector.broadcast %add3A_490 : i32 to vector<16xi32>
        %add3A_492 = arith.addi %add3A_190, %add3A_491 : vector<16xi32>
        %gather3A_493 = tpu.vector_load_idx %arg5[%add3A_492] : memref<40000xf32, #tpu.memory_space<vmem>>[vector<16xi32>], vector<16xf32>,
        %max3A_494 = arith.maximumf %max3A_474, %gather3A_493 : vector<16xf32>
        %add3A_495 = arith.constant 62 : i32
        %add3A_496 = vector.broadcast %add3A_495 : i32 to vector<16xi32>
        %add3A_497 = arith.addi %add3A_190, %add3A_496 : vector<16xi32>
        %gather3A_498 = tpu.vector_load_idx %arg5[%add3A_497] : memref<40000xf32, #tpu.memory_space<vmem>>[vector<16xi32>], vector<16xf32>,
        %max3A_499 = arith.maximumf %max3A_479, %gather3A_498 : vector<16xf32>
        %add3A_500 = arith.constant 63 : i32
        %add3A_501 = vector.broadcast %add3A_500 : i32 to vector<16xi32>
        %add3A_502 = arith.addi %add3A_190, %add3A_501 : vector<16xi32>
        %gather3A_503 = tpu.vector_load_idx %arg5[%add3A_502] : memref<40000xf32, #tpu.memory_space<vmem>>[vector<16xi32>], vector<16xf32>,
        %max3A_504 = arith.maximumf %max3A_484, %gather3A_503 : vector<16xf32>
        %add3A_505 = arith.constant 64 : i32
        %add3A_506 = vector.broadcast %add3A_505 : i32 to vector<16xi32>
        %add3A_507 = arith.addi %add3A_190, %add3A_506 : vector<16xi32>
        %gather3A_508 = tpu.vector_load_idx %arg5[%add3A_507] : memref<40000xf32, #tpu.memory_space<vmem>>[vector<16xi32>], vector<16xf32>,
        %max3A_509 = arith.maximumf %max3A_489, %gather3A_508 : vector<16xf32>
        %add3A_510 = arith.constant 65 : i32
        %add3A_511 = vector.broadcast %add3A_510 : i32 to vector<16xi32>
        %add3A_512 = arith.addi %add3A_190, %add3A_511 : vector<16xi32>
        %gather3A_513 = tpu.vector_load_idx %arg5[%add3A_512] : memref<40000xf32, #tpu.memory_space<vmem>>[vector<16xi32>], vector<16xf32>,
        %max3A_514 = arith.maximumf %max3A_494, %gather3A_513 : vector<16xf32>
        %add3A_515 = arith.constant 66 : i32
        %add3A_516 = vector.broadcast %add3A_515 : i32 to vector<16xi32>
        %add3A_517 = arith.addi %add3A_190, %add3A_516 : vector<16xi32>
        %gather3A_518 = tpu.vector_load_idx %arg5[%add3A_517] : memref<40000xf32, #tpu.memory_space<vmem>>[vector<16xi32>], vector<16xf32>,
        %max3A_519 = arith.maximumf %max3A_499, %gather3A_518 : vector<16xf32>
        %add3A_520 = arith.constant 67 : i32
        %add3A_521 = vector.broadcast %add3A_520 : i32 to vector<16xi32>
        %add3A_522 = arith.addi %add3A_190, %add3A_521 : vector<16xi32>
        %gather3A_523 = tpu.vector_load_idx %arg5[%add3A_522] : memref<40000xf32, #tpu.memory_space<vmem>>[vector<16xi32>], vector<16xf32>,
        %max3A_524 = arith.maximumf %max3A_504, %gather3A_523 : vector<16xf32>
        %add3A_525 = arith.constant 68 : i32
        %add3A_526 = vector.broadcast %add3A_525 : i32 to vector<16xi32>
        %add3A_527 = arith.addi %add3A_190, %add3A_526 : vector<16xi32>
        %gather3A_528 = tpu.vector_load_idx %arg5[%add3A_527] : memref<40000xf32, #tpu.memory_space<vmem>>[vector<16xi32>], vector<16xf32>,
        %max3A_529 = arith.maximumf %max3A_509, %gather3A_528 : vector<16xf32>
        %add3A_530 = arith.constant 69 : i32
        %add3A_531 = vector.broadcast %add3A_530 : i32 to vector<16xi32>
        %add3A_532 = arith.addi %add3A_190, %add3A_531 : vector<16xi32>
        %gather3A_533 = tpu.vector_load_idx %arg5[%add3A_532] : memref<40000xf32, #tpu.memory_space<vmem>>[vector<16xi32>], vector<16xf32>,
        %max3A_534 = arith.maximumf %max3A_514, %gather3A_533 : vector<16xf32>
        %add3A_535 = arith.constant 70 : i32
        %add3A_536 = vector.broadcast %add3A_535 : i32 to vector<16xi32>
        %add3A_537 = arith.addi %add3A_190, %add3A_536 : vector<16xi32>
        %gather3A_538 = tpu.vector_load_idx %arg5[%add3A_537] : memref<40000xf32, #tpu.memory_space<vmem>>[vector<16xi32>], vector<16xf32>,
        %max3A_539 = arith.maximumf %max3A_519, %gather3A_538 : vector<16xf32>
        %add3A_540 = arith.constant 71 : i32
        %add3A_541 = vector.broadcast %add3A_540 : i32 to vector<16xi32>
        %add3A_542 = arith.addi %add3A_190, %add3A_541 : vector<16xi32>
        %gather3A_543 = tpu.vector_load_idx %arg5[%add3A_542] : memref<40000xf32, #tpu.memory_space<vmem>>[vector<16xi32>], vector<16xf32>,
        %max3A_544 = arith.maximumf %max3A_524, %gather3A_543 : vector<16xf32>
        %add3A_545 = arith.constant 72 : i32
        %add3A_546 = vector.broadcast %add3A_545 : i32 to vector<16xi32>
        %add3A_547 = arith.addi %add3A_190, %add3A_546 : vector<16xi32>
        %gather3A_548 = tpu.vector_load_idx %arg5[%add3A_547] : memref<40000xf32, #tpu.memory_space<vmem>>[vector<16xi32>], vector<16xf32>,
        %max3A_549 = arith.maximumf %max3A_529, %gather3A_548 : vector<16xf32>
        %add3A_550 = arith.constant 73 : i32
        %add3A_551 = vector.broadcast %add3A_550 : i32 to vector<16xi32>
        %add3A_552 = arith.addi %add3A_190, %add3A_551 : vector<16xi32>
        %gather3A_553 = tpu.vector_load_idx %arg5[%add3A_552] : memref<40000xf32, #tpu.memory_space<vmem>>[vector<16xi32>], vector<16xf32>,
        %max3A_554 = arith.maximumf %max3A_534, %gather3A_553 : vector<16xf32>
        %add3A_555 = arith.constant 74 : i32
        %add3A_556 = vector.broadcast %add3A_555 : i32 to vector<16xi32>
        %add3A_557 = arith.addi %add3A_190, %add3A_556 : vector<16xi32>
        %gather3A_558 = tpu.vector_load_idx %arg5[%add3A_557] : memref<40000xf32, #tpu.memory_space<vmem>>[vector<16xi32>], vector<16xf32>,
        %max3A_559 = arith.maximumf %max3A_539, %gather3A_558 : vector<16xf32>
        %add3A_560 = arith.constant 75 : i32
        %add3A_561 = vector.broadcast %add3A_560 : i32 to vector<16xi32>
        %add3A_562 = arith.addi %add3A_190, %add3A_561 : vector<16xi32>
        %gather3A_563 = tpu.vector_load_idx %arg5[%add3A_562] : memref<40000xf32, #tpu.memory_space<vmem>>[vector<16xi32>], vector<16xf32>,
        %max3A_564 = arith.maximumf %max3A_544, %gather3A_563 : vector<16xf32>
        %add3A_565 = arith.constant 76 : i32
        %add3A_566 = vector.broadcast %add3A_565 : i32 to vector<16xi32>
        %add3A_567 = arith.addi %add3A_190, %add3A_566 : vector<16xi32>
        %gather3A_568 = tpu.vector_load_idx %arg5[%add3A_567] : memref<40000xf32, #tpu.memory_space<vmem>>[vector<16xi32>], vector<16xf32>,
        %max3A_569 = arith.maximumf %max3A_549, %gather3A_568 : vector<16xf32>
        %add3A_570 = arith.constant 77 : i32
        %add3A_571 = vector.broadcast %add3A_570 : i32 to vector<16xi32>
        %add3A_572 = arith.addi %add3A_190, %add3A_571 : vector<16xi32>
        %gather3A_573 = tpu.vector_load_idx %arg5[%add3A_572] : memref<40000xf32, #tpu.memory_space<vmem>>[vector<16xi32>], vector<16xf32>,
        %max3A_574 = arith.maximumf %max3A_554, %gather3A_573 : vector<16xf32>
        %add3A_575 = arith.constant 78 : i32
        %add3A_576 = vector.broadcast %add3A_575 : i32 to vector<16xi32>
        %add3A_577 = arith.addi %add3A_190, %add3A_576 : vector<16xi32>
        %gather3A_578 = tpu.vector_load_idx %arg5[%add3A_577] : memref<40000xf32, #tpu.memory_space<vmem>>[vector<16xi32>], vector<16xf32>,
        %max3A_579 = arith.maximumf %max3A_559, %gather3A_578 : vector<16xf32>
        %add3A_580 = arith.constant 79 : i32
        %add3A_581 = vector.broadcast %add3A_580 : i32 to vector<16xi32>
        %add3A_582 = arith.addi %add3A_190, %add3A_581 : vector<16xi32>
        %gather3A_583 = tpu.vector_load_idx %arg5[%add3A_582] : memref<40000xf32, #tpu.memory_space<vmem>>[vector<16xi32>], vector<16xf32>,
        %max3A_584 = arith.maximumf %max3A_564, %gather3A_583 : vector<16xf32>
        %add3A_585 = arith.constant 80 : i32
        %add3A_586 = vector.broadcast %add3A_585 : i32 to vector<16xi32>
        %add3A_587 = arith.addi %add3A_190, %add3A_586 : vector<16xi32>
        %gather3A_588 = tpu.vector_load_idx %arg5[%add3A_587] : memref<40000xf32, #tpu.memory_space<vmem>>[vector<16xi32>], vector<16xf32>,
        %max3A_589 = arith.maximumf %max3A_569, %gather3A_588 : vector<16xf32>
        %add3A_590 = arith.constant 81 : i32
        %add3A_591 = vector.broadcast %add3A_590 : i32 to vector<16xi32>
        %add3A_592 = arith.addi %add3A_190, %add3A_591 : vector<16xi32>
        %gather3A_593 = tpu.vector_load_idx %arg5[%add3A_592] : memref<40000xf32, #tpu.memory_space<vmem>>[vector<16xi32>], vector<16xf32>,
        %max3A_594 = arith.maximumf %max3A_574, %gather3A_593 : vector<16xf32>
        %add3A_595 = arith.constant 82 : i32
        %add3A_596 = vector.broadcast %add3A_595 : i32 to vector<16xi32>
        %add3A_597 = arith.addi %add3A_190, %add3A_596 : vector<16xi32>
        %gather3A_598 = tpu.vector_load_idx %arg5[%add3A_597] : memref<40000xf32, #tpu.memory_space<vmem>>[vector<16xi32>], vector<16xf32>,
        %max3A_599 = arith.maximumf %max3A_579, %gather3A_598 : vector<16xf32>
        %add3A_600 = arith.constant 83 : i32
        %add3A_601 = vector.broadcast %add3A_600 : i32 to vector<16xi32>
        %add3A_602 = arith.addi %add3A_190, %add3A_601 : vector<16xi32>
        %gather3A_603 = tpu.vector_load_idx %arg5[%add3A_602] : memref<40000xf32, #tpu.memory_space<vmem>>[vector<16xi32>], vector<16xf32>,
        %max3A_604 = arith.maximumf %max3A_584, %gather3A_603 : vector<16xf32>
        %add3A_605 = arith.constant 84 : i32
        %add3A_606 = vector.broadcast %add3A_605 : i32 to vector<16xi32>
        %add3A_607 = arith.addi %add3A_190, %add3A_606 : vector<16xi32>
        %gather3A_608 = tpu.vector_load_idx %arg5[%add3A_607] : memref<40000xf32, #tpu.memory_space<vmem>>[vector<16xi32>], vector<16xf32>,
        %max3A_609 = arith.maximumf %max3A_589, %gather3A_608 : vector<16xf32>
        %add3A_610 = arith.constant 85 : i32
        %add3A_611 = vector.broadcast %add3A_610 : i32 to vector<16xi32>
        %add3A_612 = arith.addi %add3A_190, %add3A_611 : vector<16xi32>
        %gather3A_613 = tpu.vector_load_idx %arg5[%add3A_612] : memref<40000xf32, #tpu.memory_space<vmem>>[vector<16xi32>], vector<16xf32>,
        %max3A_614 = arith.maximumf %max3A_594, %gather3A_613 : vector<16xf32>
        %add3A_615 = arith.constant 86 : i32
        %add3A_616 = vector.broadcast %add3A_615 : i32 to vector<16xi32>
        %add3A_617 = arith.addi %add3A_190, %add3A_616 : vector<16xi32>
        %gather3A_618 = tpu.vector_load_idx %arg5[%add3A_617] : memref<40000xf32, #tpu.memory_space<vmem>>[vector<16xi32>], vector<16xf32>,
        %max3A_619 = arith.maximumf %max3A_599, %gather3A_618 : vector<16xf32>
        %add3A_620 = arith.constant 87 : i32
        %add3A_621 = vector.broadcast %add3A_620 : i32 to vector<16xi32>
        %add3A_622 = arith.addi %add3A_190, %add3A_621 : vector<16xi32>
        %gather3A_623 = tpu.vector_load_idx %arg5[%add3A_622] : memref<40000xf32, #tpu.memory_space<vmem>>[vector<16xi32>], vector<16xf32>,
        %max3A_624 = arith.maximumf %max3A_604, %gather3A_623 : vector<16xf32>
        %add3A_625 = arith.constant 88 : i32
        %add3A_626 = vector.broadcast %add3A_625 : i32 to vector<16xi32>
        %add3A_627 = arith.addi %add3A_190, %add3A_626 : vector<16xi32>
        %gather3A_628 = tpu.vector_load_idx %arg5[%add3A_627] : memref<40000xf32, #tpu.memory_space<vmem>>[vector<16xi32>], vector<16xf32>,
        %max3A_629 = arith.maximumf %max3A_609, %gather3A_628 : vector<16xf32>
        %add3A_630 = arith.constant 89 : i32
        %add3A_631 = vector.broadcast %add3A_630 : i32 to vector<16xi32>
        %add3A_632 = arith.addi %add3A_190, %add3A_631 : vector<16xi32>
        %gather3A_633 = tpu.vector_load_idx %arg5[%add3A_632] : memref<40000xf32, #tpu.memory_space<vmem>>[vector<16xi32>], vector<16xf32>,
        %max3A_634 = arith.maximumf %max3A_614, %gather3A_633 : vector<16xf32>
        %add3A_635 = arith.constant 90 : i32
        %add3A_636 = vector.broadcast %add3A_635 : i32 to vector<16xi32>
        %add3A_637 = arith.addi %add3A_190, %add3A_636 : vector<16xi32>
        %gather3A_638 = tpu.vector_load_idx %arg5[%add3A_637] : memref<40000xf32, #tpu.memory_space<vmem>>[vector<16xi32>], vector<16xf32>,
        %max3A_639 = arith.maximumf %max3A_619, %gather3A_638 : vector<16xf32>
        %add3A_640 = arith.constant 91 : i32
        %add3A_641 = vector.broadcast %add3A_640 : i32 to vector<16xi32>
        %add3A_642 = arith.addi %add3A_190, %add3A_641 : vector<16xi32>
        %gather3A_643 = tpu.vector_load_idx %arg5[%add3A_642] : memref<40000xf32, #tpu.memory_space<vmem>>[vector<16xi32>], vector<16xf32>,
        %max3A_644 = arith.maximumf %max3A_624, %gather3A_643 : vector<16xf32>
        %add3A_645 = arith.constant 92 : i32
        %add3A_646 = vector.broadcast %add3A_645 : i32 to vector<16xi32>
        %add3A_647 = arith.addi %add3A_190, %add3A_646 : vector<16xi32>
        %gather3A_648 = tpu.vector_load_idx %arg5[%add3A_647] : memref<40000xf32, #tpu.memory_space<vmem>>[vector<16xi32>], vector<16xf32>,
        %max3A_649 = arith.maximumf %max3A_629, %gather3A_648 : vector<16xf32>
        %add3A_650 = arith.constant 93 : i32
        %add3A_651 = vector.broadcast %add3A_650 : i32 to vector<16xi32>
        %add3A_652 = arith.addi %add3A_190, %add3A_651 : vector<16xi32>
        %gather3A_653 = tpu.vector_load_idx %arg5[%add3A_652] : memref<40000xf32, #tpu.memory_space<vmem>>[vector<16xi32>], vector<16xf32>,
        %max3A_654 = arith.maximumf %max3A_634, %gather3A_653 : vector<16xf32>
        %add3A_655 = arith.constant 94 : i32
        %add3A_656 = vector.broadcast %add3A_655 : i32 to vector<16xi32>
        %add3A_657 = arith.addi %add3A_190, %add3A_656 : vector<16xi32>
        %gather3A_658 = tpu.vector_load_idx %arg5[%add3A_657] : memref<40000xf32, #tpu.memory_space<vmem>>[vector<16xi32>], vector<16xf32>,
        %max3A_659 = arith.maximumf %max3A_639, %gather3A_658 : vector<16xf32>
        %add3A_660 = arith.constant 95 : i32
        %add3A_661 = vector.broadcast %add3A_660 : i32 to vector<16xi32>
        %add3A_662 = arith.addi %add3A_190, %add3A_661 : vector<16xi32>
        %gather3A_663 = tpu.vector_load_idx %arg5[%add3A_662] : memref<40000xf32, #tpu.memory_space<vmem>>[vector<16xi32>], vector<16xf32>,
        %max3A_664 = arith.maximumf %max3A_644, %gather3A_663 : vector<16xf32>
        %add3A_665 = arith.constant 96 : i32
        %add3A_666 = vector.broadcast %add3A_665 : i32 to vector<16xi32>
        %add3A_667 = arith.addi %add3A_190, %add3A_666 : vector<16xi32>
        %gather3A_668 = tpu.vector_load_idx %arg5[%add3A_667] : memref<40000xf32, #tpu.memory_space<vmem>>[vector<16xi32>], vector<16xf32>,
        %max3A_669 = arith.maximumf %max3A_649, %gather3A_668 : vector<16xf32>
        %add3A_670 = arith.constant 97 : i32
        %add3A_671 = vector.broadcast %add3A_670 : i32 to vector<16xi32>
        %add3A_672 = arith.addi %add3A_190, %add3A_671 : vector<16xi32>
        %gather3A_673 = tpu.vector_load_idx %arg5[%add3A_672] : memref<40000xf32, #tpu.memory_space<vmem>>[vector<16xi32>], vector<16xf32>,
        %max3A_674 = arith.maximumf %max3A_654, %gather3A_673 : vector<16xf32>
        %add3A_675 = arith.constant 98 : i32
        %add3A_676 = vector.broadcast %add3A_675 : i32 to vector<16xi32>
        %add3A_677 = arith.addi %add3A_190, %add3A_676 : vector<16xi32>
        %gather3A_678 = tpu.vector_load_idx %arg5[%add3A_677] : memref<40000xf32, #tpu.memory_space<vmem>>[vector<16xi32>], vector<16xf32>,
        %max3A_679 = arith.maximumf %max3A_659, %gather3A_678 : vector<16xf32>
        %add3A_680 = arith.constant 99 : i32
        %add3A_681 = vector.broadcast %add3A_680 : i32 to vector<16xi32>
        %add3A_682 = arith.addi %add3A_190, %add3A_681 : vector<16xi32>
        %gather3A_683 = tpu.vector_load_idx %arg5[%add3A_682] : memref<40000xf32, #tpu.memory_space<vmem>>[vector<16xi32>], vector<16xf32>,
        %max3A_684 = arith.maximumf %max3A_664, %gather3A_683 : vector<16xf32>
        %max3A_685 = arith.maximumf %max3A_669, %max3A_674 : vector<16xf32>
        %max3A_686 = arith.maximumf %max3A_679, %max3A_684 : vector<16xf32>
        %max3A_687 = arith.maximumf %max3A_685, %max3A_686 : vector<16xf32>
        %mul3A_688 = arith.constant 16 : i32
        %mul3A_689 = arith.muli %scan3A_182, %mul3A_688 : i32
        %get3A = arith.index_cast %mul3A_689 : i32 to index
        %get3A_690 = tpu.vector_load %arg6[%get3A] {strides = array<i32>} : memref<400xi32, #tpu.memory_space<vmem>>, vector<16xi32>,
        %add3A_691 = arith.addi %add3A_190, %get3A_690 : vector<16xi32>
        %gather3A_692 = tpu.vector_load_idx %arg5[%add3A_691] : memref<40000xf32, #tpu.memory_space<vmem>>[vector<16xi32>], vector<16xf32>,
        %eq3A = arith.cmpf oeq, %gather3A_692, %max3A_687 : vector<16xf32>
        %jit3A_693 = arith.constant 1.000000e+00 : f32
        %jit3A_694 = arith.constant 0.000000e+00 : f32
        %broadcast_in_dim3A_695 = vector.broadcast %jit3A_693 : f32 to vector<16xf32>
        %broadcast_in_dim3A_696 = vector.broadcast %jit3A_694 : f32 to vector<16xf32>
        %select_n3A_697 = arith.select %eq3A, %broadcast_in_dim3A_695, %broadcast_in_dim3A_696 : vector<16xi1>, vector<16xf32>
        %broadcast_in_dim3A_698 = arith.constant 0 : i32
        %broadcast_in_dim3A_699 = vector.broadcast %broadcast_in_dim3A_698 : i32 to vector<16xi32>
        %gt3A = arith.constant 0.000000e+00 : f32
        %gt3A_700 = vector.broadcast %gt3A : f32 to vector<16xf32>
        %gt3A_701 = arith.cmpf ogt, %max3A_687, %gt3A_700 : vector<16xf32>
        %jit3A_702 = arith.constant 1 : i32
        %jit3A_703 = arith.constant 0 : i32
        %broadcast_in_dim3A_704 = vector.broadcast %jit3A_702 : i32 to vector<16xi32>
        %broadcast_in_dim3A_705 = vector.broadcast %jit3A_703 : i32 to vector<16xi32>
        %select_n3A_706 = arith.select %gt3A_701, %broadcast_in_dim3A_704, %broadcast_in_dim3A_705 : vector<16xi1>, vector<16xi32>
        %add3A_707 = arith.addi %broadcast_in_dim3A_699, %select_n3A_706 : vector<16xi32>
        %gt3A_708 = arith.constant 0.0666666701 : f32
        %gt3A_709 = vector.broadcast %gt3A_708 : f32 to vector<16xf32>
        %gt3A_710 = arith.cmpf ogt, %max3A_687, %gt3A_709 : vector<16xf32>
        %jit3A_711 = arith.constant 1 : i32
        %jit3A_712 = arith.constant 0 : i32
        %broadcast_in_dim3A_713 = vector.broadcast %jit3A_711 : i32 to vector<16xi32>
        %broadcast_in_dim3A_714 = vector.broadcast %jit3A_712 : i32 to vector<16xi32>
        %select_n3A_715 = arith.select %gt3A_710, %broadcast_in_dim3A_713, %broadcast_in_dim3A_714 : vector<16xi1>, vector<16xi32>
        %add3A_716 = arith.addi %add3A_707, %select_n3A_715 : vector<16xi32>
        %gt3A_717 = arith.constant 0.13333334 : f32
        %gt3A_718 = vector.broadcast %gt3A_717 : f32 to vector<16xf32>
        %gt3A_719 = arith.cmpf ogt, %max3A_687, %gt3A_718 : vector<16xf32>
        %jit3A_720 = arith.constant 1 : i32
        %jit3A_721 = arith.constant 0 : i32
        %broadcast_in_dim3A_722 = vector.broadcast %jit3A_720 : i32 to vector<16xi32>
        %broadcast_in_dim3A_723 = vector.broadcast %jit3A_721 : i32 to vector<16xi32>
        %select_n3A_724 = arith.select %gt3A_719, %broadcast_in_dim3A_722, %broadcast_in_dim3A_723 : vector<16xi1>, vector<16xi32>
        %add3A_725 = arith.addi %add3A_716, %select_n3A_724 : vector<16xi32>
        %gt3A_726 = arith.constant 0.200000018 : f32
        %gt3A_727 = vector.broadcast %gt3A_726 : f32 to vector<16xf32>
        %gt3A_728 = arith.cmpf ogt, %max3A_687, %gt3A_727 : vector<16xf32>
        %jit3A_729 = arith.constant 1 : i32
        %jit3A_730 = arith.constant 0 : i32
        %broadcast_in_dim3A_731 = vector.broadcast %jit3A_729 : i32 to vector<16xi32>
        %broadcast_in_dim3A_732 = vector.broadcast %jit3A_730 : i32 to vector<16xi32>
        %select_n3A_733 = arith.select %gt3A_728, %broadcast_in_dim3A_731, %broadcast_in_dim3A_732 : vector<16xi1>, vector<16xi32>
        %add3A_734 = arith.addi %add3A_725, %select_n3A_733 : vector<16xi32>
        %gt3A_735 = arith.constant 0.266666681 : f32
        %gt3A_736 = vector.broadcast %gt3A_735 : f32 to vector<16xf32>
        %gt3A_737 = arith.cmpf ogt, %max3A_687, %gt3A_736 : vector<16xf32>
        %jit3A_738 = arith.constant 1 : i32
        %jit3A_739 = arith.constant 0 : i32
        %broadcast_in_dim3A_740 = vector.broadcast %jit3A_738 : i32 to vector<16xi32>
        %broadcast_in_dim3A_741 = vector.broadcast %jit3A_739 : i32 to vector<16xi32>
        %select_n3A_742 = arith.select %gt3A_737, %broadcast_in_dim3A_740, %broadcast_in_dim3A_741 : vector<16xi1>, vector<16xi32>
        %add3A_743 = arith.addi %add3A_734, %select_n3A_742 : vector<16xi32>
        %gt3A_744 = arith.constant 0.333333343 : f32
        %gt3A_745 = vector.broadcast %gt3A_744 : f32 to vector<16xf32>
        %gt3A_746 = arith.cmpf ogt, %max3A_687, %gt3A_745 : vector<16xf32>
        %jit3A_747 = arith.constant 1 : i32
        %jit3A_748 = arith.constant 0 : i32
        %broadcast_in_dim3A_749 = vector.broadcast %jit3A_747 : i32 to vector<16xi32>
        %broadcast_in_dim3A_750 = vector.broadcast %jit3A_748 : i32 to vector<16xi32>
        %select_n3A_751 = arith.select %gt3A_746, %broadcast_in_dim3A_749, %broadcast_in_dim3A_750 : vector<16xi1>, vector<16xi32>
        %add3A_752 = arith.addi %add3A_743, %select_n3A_751 : vector<16xi32>
        %gt3A_753 = arith.constant 0.400000036 : f32
        %gt3A_754 = vector.broadcast %gt3A_753 : f32 to vector<16xf32>
        %gt3A_755 = arith.cmpf ogt, %max3A_687, %gt3A_754 : vector<16xf32>
        %jit3A_756 = arith.constant 1 : i32
        %jit3A_757 = arith.constant 0 : i32
        %broadcast_in_dim3A_758 = vector.broadcast %jit3A_756 : i32 to vector<16xi32>
        %broadcast_in_dim3A_759 = vector.broadcast %jit3A_757 : i32 to vector<16xi32>
        %select_n3A_760 = arith.select %gt3A_755, %broadcast_in_dim3A_758, %broadcast_in_dim3A_759 : vector<16xi1>, vector<16xi32>
        %add3A_761 = arith.addi %add3A_752, %select_n3A_760 : vector<16xi32>
        %gt3A_762 = arith.constant 0.466666698 : f32
        %gt3A_763 = vector.broadcast %gt3A_762 : f32 to vector<16xf32>
        %gt3A_764 = arith.cmpf ogt, %max3A_687, %gt3A_763 : vector<16xf32>
        %jit3A_765 = arith.constant 1 : i32
        %jit3A_766 = arith.constant 0 : i32
        %broadcast_in_dim3A_767 = vector.broadcast %jit3A_765 : i32 to vector<16xi32>
        %broadcast_in_dim3A_768 = vector.broadcast %jit3A_766 : i32 to vector<16xi32>
        %select_n3A_769 = arith.select %gt3A_764, %broadcast_in_dim3A_767, %broadcast_in_dim3A_768 : vector<16xi1>, vector<16xi32>
        %add3A_770 = arith.addi %add3A_761, %select_n3A_769 : vector<16xi32>
        %gt3A_771 = arith.constant 0.533333361 : f32
        %gt3A_772 = vector.broadcast %gt3A_771 : f32 to vector<16xf32>
        %gt3A_773 = arith.cmpf ogt, %max3A_687, %gt3A_772 : vector<16xf32>
        %jit3A_774 = arith.constant 1 : i32
        %jit3A_775 = arith.constant 0 : i32
        %broadcast_in_dim3A_776 = vector.broadcast %jit3A_774 : i32 to vector<16xi32>
        %broadcast_in_dim3A_777 = vector.broadcast %jit3A_775 : i32 to vector<16xi32>
        %select_n3A_778 = arith.select %gt3A_773, %broadcast_in_dim3A_776, %broadcast_in_dim3A_777 : vector<16xi1>, vector<16xi32>
        %add3A_779 = arith.addi %add3A_770, %select_n3A_778 : vector<16xi32>
        %gt3A_780 = arith.constant 6.000000e-01 : f32
        %gt3A_781 = vector.broadcast %gt3A_780 : f32 to vector<16xf32>
        %gt3A_782 = arith.cmpf ogt, %max3A_687, %gt3A_781 : vector<16xf32>
        %jit3A_783 = arith.constant 1 : i32
        %jit3A_784 = arith.constant 0 : i32
        %broadcast_in_dim3A_785 = vector.broadcast %jit3A_783 : i32 to vector<16xi32>
        %broadcast_in_dim3A_786 = vector.broadcast %jit3A_784 : i32 to vector<16xi32>
        %select_n3A_787 = arith.select %gt3A_782, %broadcast_in_dim3A_785, %broadcast_in_dim3A_786 : vector<16xi1>, vector<16xi32>
        %add3A_788 = arith.addi %add3A_779, %select_n3A_787 : vector<16xi32>
        %gt3A_789 = arith.constant 0.666666686 : f32
        %gt3A_790 = vector.broadcast %gt3A_789 : f32 to vector<16xf32>
        %gt3A_791 = arith.cmpf ogt, %max3A_687, %gt3A_790 : vector<16xf32>
        %jit3A_792 = arith.constant 1 : i32
        %jit3A_793 = arith.constant 0 : i32
        %broadcast_in_dim3A_794 = vector.broadcast %jit3A_792 : i32 to vector<16xi32>
        %broadcast_in_dim3A_795 = vector.broadcast %jit3A_793 : i32 to vector<16xi32>
        %select_n3A_796 = arith.select %gt3A_791, %broadcast_in_dim3A_794, %broadcast_in_dim3A_795 : vector<16xi1>, vector<16xi32>
        %add3A_797 = arith.addi %add3A_788, %select_n3A_796 : vector<16xi32>
        %gt3A_798 = arith.constant 0.733333349 : f32
        %gt3A_799 = vector.broadcast %gt3A_798 : f32 to vector<16xf32>
        %gt3A_800 = arith.cmpf ogt, %max3A_687, %gt3A_799 : vector<16xf32>
        %jit3A_801 = arith.constant 1 : i32
        %jit3A_802 = arith.constant 0 : i32
        %broadcast_in_dim3A_803 = vector.broadcast %jit3A_801 : i32 to vector<16xi32>
        %broadcast_in_dim3A_804 = vector.broadcast %jit3A_802 : i32 to vector<16xi32>
        %select_n3A_805 = arith.select %gt3A_800, %broadcast_in_dim3A_803, %broadcast_in_dim3A_804 : vector<16xi1>, vector<16xi32>
        %add3A_806 = arith.addi %add3A_797, %select_n3A_805 : vector<16xi32>
        %gt3A_807 = arith.constant 0.800000071 : f32
        %gt3A_808 = vector.broadcast %gt3A_807 : f32 to vector<16xf32>
        %gt3A_809 = arith.cmpf ogt, %max3A_687, %gt3A_808 : vector<16xf32>
        %jit3A_810 = arith.constant 1 : i32
        %jit3A_811 = arith.constant 0 : i32
        %broadcast_in_dim3A_812 = vector.broadcast %jit3A_810 : i32 to vector<16xi32>
        %broadcast_in_dim3A_813 = vector.broadcast %jit3A_811 : i32 to vector<16xi32>
        %select_n3A_814 = arith.select %gt3A_809, %broadcast_in_dim3A_812, %broadcast_in_dim3A_813 : vector<16xi1>, vector<16xi32>
        %add3A_815 = arith.addi %add3A_806, %select_n3A_814 : vector<16xi32>
        %gt3A_816 = arith.constant 0.866666734 : f32
        %gt3A_817 = vector.broadcast %gt3A_816 : f32 to vector<16xf32>
        %gt3A_818 = arith.cmpf ogt, %max3A_687, %gt3A_817 : vector<16xf32>
        %jit3A_819 = arith.constant 1 : i32
        %jit3A_820 = arith.constant 0 : i32
        %broadcast_in_dim3A_821 = vector.broadcast %jit3A_819 : i32 to vector<16xi32>
        %broadcast_in_dim3A_822 = vector.broadcast %jit3A_820 : i32 to vector<16xi32>
        %select_n3A_823 = arith.select %gt3A_818, %broadcast_in_dim3A_821, %broadcast_in_dim3A_822 : vector<16xi1>, vector<16xi32>
        %add3A_824 = arith.addi %add3A_815, %select_n3A_823 : vector<16xi32>
        %gt3A_825 = arith.constant 0.933333396 : f32
        %gt3A_826 = vector.broadcast %gt3A_825 : f32 to vector<16xf32>
        %gt3A_827 = arith.cmpf ogt, %max3A_687, %gt3A_826 : vector<16xf32>
        %jit3A_828 = arith.constant 1 : i32
        %jit3A_829 = arith.constant 0 : i32
        %broadcast_in_dim3A_830 = vector.broadcast %jit3A_828 : i32 to vector<16xi32>
        %broadcast_in_dim3A_831 = vector.broadcast %jit3A_829 : i32 to vector<16xi32>
        %select_n3A_832 = arith.select %gt3A_827, %broadcast_in_dim3A_830, %broadcast_in_dim3A_831 : vector<16xi1>, vector<16xi32>
        %add3A_833 = arith.addi %add3A_824, %select_n3A_832 : vector<16xi32>
        %ge3A = arith.constant 1 : i32
        %ge3A_834 = vector.broadcast %ge3A : i32 to vector<16xi32>
        %ge3A_835 = arith.cmpi sge, %add3A_833, %ge3A_834 : vector<16xi32>
        %sub3A_836 = arith.constant 1 : i32
        %sub3A_837 = vector.broadcast %sub3A_836 : i32 to vector<16xi32>
        %sub3A_838 = arith.subi %add3A_833, %sub3A_837 : vector<16xi32>
        %max3A_839 = arith.constant 0 : i32
        %max3A_840 = vector.broadcast %max3A_839 : i32 to vector<16xi32>
        %max3A_841 = arith.maxsi %sub3A_838, %max3A_840 : vector<16xi32>
        %mul3A_842 = arith.constant 16 : i32
        %mul3A_843 = vector.broadcast %mul3A_842 : i32 to vector<16xi32>
        %mul3A_844 = arith.muli %max3A_841, %mul3A_843 : vector<16xi32>
        %add3A_845 = arith.addi %mul3A_844, %iota3A : vector<16xi32>
        tpu.vector_store_idx %arg7[%add3A_845], %broadcast_in_dim3A_144 masked %ge3A_835 {add = true} : memref<256xf32, #tpu.memory_space<vmem>>[vector<16xi32>], vector<16xf32>, vector<16xi1>
        tpu.vector_store_idx %arg8[%add3A_845], %max3A_687 masked %ge3A_835 {add = true} : memref<256xf32, #tpu.memory_space<vmem>>[vector<16xi32>], vector<16xf32>, vector<16xi1>
        tpu.vector_store_idx %arg9[%add3A_845], %select_n3A_697 masked %ge3A_835 {add = true} : memref<256xf32, #tpu.memory_space<vmem>>[vector<16xi32>], vector<16xf32>, vector<16xi1>
        %scan3A_846 = arith.constant 0 : i32
        scf.yield %scan3A_846 : i32
      }
      %scan3A_180 = arith.constant 25 : i32
      %while3A_181 = arith.constant 0 : i32
      scf.yield %while3A_181 : i32
    }
    %while3A_153 = arith.constant 1 : i32
    %while3A_154 = scf.for %while3A_163 = %while3A_150 to %while3A_146 step %while3A_153 iter_args(%while3A_164 = %while3A_152) -> (i32)  : i32 {
      %mul3A_165 = arith.constant 400 : i32
      %mul3A_166 = arith.muli %while3A_163, %mul3A_165 : i32
      %mul3A_167 = arith.constant 100 : i32
      %mul3A_168 = arith.muli %mul3A_166, %mul3A_167 : i32
      %dma_start3A = tpu.memref_slice %arg2[%mul3A_168] : memref<100000000xf32, #tpu.memory_space<hbm>> -> memref<40000xf32, #tpu.memory_space<hbm>>
      %dma_start3A_169 = tpu.memref_slice %arg2[%mul3A_168] : memref<100000000xf32, #tpu.memory_space<hbm>> -> memref<40000xf32, #tpu.memory_space<hbm>>
      tpu.enqueue_dma source(%dma_start3A_169 : memref<40000xf32, #tpu.memory_space<hbm>>) target(%arg5 : memref<40000xf32, #tpu.memory_space<vmem>>) target_semaphore(%arg10 : memref<!tpu.dma_semaphore, #tpu.memory_space<semaphore_mem>>)
      %dma_start3A_170 = tpu.memref_slice %arg3[%mul3A_166] : memref<1000000xi32, #tpu.memory_space<hbm>> -> memref<400xi32, #tpu.memory_space<hbm>>
      %dma_start3A_171 = tpu.memref_slice %arg3[%mul3A_166] : memref<1000000xi32, #tpu.memory_space<hbm>> -> memref<400xi32, #tpu.memory_space<hbm>>
      tpu.enqueue_dma source(%dma_start3A_171 : memref<400xi32, #tpu.memory_space<hbm>>) target(%arg6 : memref<400xi32, #tpu.memory_space<vmem>>) target_semaphore(%arg11 : memref<!tpu.dma_semaphore, #tpu.memory_space<semaphore_mem>>)
      %dma_wait3A = tpu.memref_slice %arg2[%mul3A_168] : memref<100000000xf32, #tpu.memory_space<hbm>> -> memref<40000xf32, #tpu.memory_space<hbm>>
      %dma_wait3A_172 = tpu.memref_slice %arg2[%mul3A_168] : memref<100000000xf32, #tpu.memory_space<hbm>> -> memref<40000xf32, #tpu.memory_space<hbm>>
      tpu.wait_dma2 semaphore(%arg10 : memref<!tpu.dma_semaphore, #tpu.memory_space<semaphore_mem>>) src(%dma_wait3A_172 : memref<40000xf32, #tpu.memory_space<hbm>>) dst(%arg5 : memref<40000xf32, #tpu.memory_space<vmem>>)
      %dma_wait3A_173 = tpu.memref_slice %arg3[%mul3A_166] : memref<1000000xi32, #tpu.memory_space<hbm>> -> memref<400xi32, #tpu.memory_space<hbm>>
      %dma_wait3A_174 = tpu.memref_slice %arg3[%mul3A_166] : memref<1000000xi32, #tpu.memory_space<hbm>> -> memref<400xi32, #tpu.memory_space<hbm>>
      tpu.wait_dma2 semaphore(%arg11 : memref<!tpu.dma_semaphore, #tpu.memory_space<semaphore_mem>>) src(%dma_wait3A_174 : memref<400xi32, #tpu.memory_space<hbm>>) dst(%arg6 : memref<400xi32, #tpu.memory_space<vmem>>)
      %scan3A = arith.constant 0 : i32
      %scan3A_175 = arith.constant 0 : i32
      %scan3A_176 = arith.constant 25 : i32
      %scan3A_177 = arith.addi %scan3A_175, %scan3A_176 : i32
      %scan3A_178 = arith.constant 1 : i32
      %scan3A_179 = scf.for %scan3A_182 = %scan3A_175 to %scan3A_177 step %scan3A_178 iter_args(%scan3A_183 = %scan3A) -> (i32)  : i32 {
        %mul3A_184 = arith.constant 1600 : i32
        %mul3A_185 = arith.muli %scan3A_182, %mul3A_184 : i32
        %mul3A_186 = arith.constant 100 : i32
        %mul3A_187 = vector.broadcast %mul3A_186 : i32 to vector<16xi32>
        %mul3A_188 = arith.muli %iota3A, %mul3A_187 : vector<16xi32>
        %add3A_189 = vector.broadcast %mul3A_185 : i32 to vector<16xi32>
        %add3A_190 = arith.addi %add3A_189, %mul3A_188 : vector<16xi32>
        %add3A_191 = arith.constant 0 : i32
        %add3A_192 = vector.broadcast %add3A_191 : i32 to vector<16xi32>
        %add3A_193 = arith.addi %add3A_190, %add3A_192 : vector<16xi32>
        %gather3A = tpu.vector_load_idx %arg5[%add3A_193] : memref<40000xf32, #tpu.memory_space<vmem>>[vector<16xi32>], vector<16xf32>,
        %add3A_194 = arith.constant 1 : i32
        %add3A_195 = vector.broadcast %add3A_194 : i32 to vector<16xi32>
        %add3A_196 = arith.addi %add3A_190, %add3A_195 : vector<16xi32>
        %gather3A_197 = tpu.vector_load_idx %arg5[%add3A_196] : memref<40000xf32, #tpu.memory_space<vmem>>[vector<16xi32>], vector<16xf32>,
        %add3A_198 = arith.constant 2 : i32
        %add3A_199 = vector.broadcast %add3A_198 : i32 to vector<16xi32>
        %add3A_200 = arith.addi %add3A_190, %add3A_199 : vector<16xi32>
        %gather3A_201 = tpu.vector_load_idx %arg5[%add3A_200] : memref<40000xf32, #tpu.memory_space<vmem>>[vector<16xi32>], vector<16xf32>,
        %add3A_202 = arith.constant 3 : i32
        %add3A_203 = vector.broadcast %add3A_202 : i32 to vector<16xi32>
        %add3A_204 = arith.addi %add3A_190, %add3A_203 : vector<16xi32>
        %gather3A_205 = tpu.vector_load_idx %arg5[%add3A_204] : memref<40000xf32, #tpu.memory_space<vmem>>[vector<16xi32>], vector<16xf32>,
        %add3A_206 = arith.constant 4 : i32
        %add3A_207 = vector.broadcast %add3A_206 : i32 to vector<16xi32>
        %add3A_208 = arith.addi %add3A_190, %add3A_207 : vector<16xi32>
        %gather3A_209 = tpu.vector_load_idx %arg5[%add3A_208] : memref<40000xf32, #tpu.memory_space<vmem>>[vector<16xi32>], vector<16xf32>,
        %max3A = arith.maximumf %gather3A, %gather3A_209 : vector<16xf32>
        %add3A_210 = arith.constant 5 : i32
        %add3A_211 = vector.broadcast %add3A_210 : i32 to vector<16xi32>
        %add3A_212 = arith.addi %add3A_190, %add3A_211 : vector<16xi32>
        %gather3A_213 = tpu.vector_load_idx %arg5[%add3A_212] : memref<40000xf32, #tpu.memory_space<vmem>>[vector<16xi32>], vector<16xf32>,
        %max3A_214 = arith.maximumf %gather3A_197, %gather3A_213 : vector<16xf32>
        %add3A_215 = arith.constant 6 : i32
        %add3A_216 = vector.broadcast %add3A_215 : i32 to vector<16xi32>
        %add3A_217 = arith.addi %add3A_190, %add3A_216 : vector<16xi32>
        %gather3A_218 = tpu.vector_load_idx %arg5[%add3A_217] : memref<40000xf32, #tpu.memory_space<vmem>>[vector<16xi32>], vector<16xf32>,
        %max3A_219 = arith.maximumf %gather3A_201, %gather3A_218 : vector<16xf32>
        %add3A_220 = arith.constant 7 : i32
        %add3A_221 = vector.broadcast %add3A_220 : i32 to vector<16xi32>
        %add3A_222 = arith.addi %add3A_190, %add3A_221 : vector<16xi32>
        %gather3A_223 = tpu.vector_load_idx %arg5[%add3A_222] : memref<40000xf32, #tpu.memory_space<vmem>>[vector<16xi32>], vector<16xf32>,
        %max3A_224 = arith.maximumf %gather3A_205, %gather3A_223 : vector<16xf32>
        %add3A_225 = arith.constant 8 : i32
        %add3A_226 = vector.broadcast %add3A_225 : i32 to vector<16xi32>
        %add3A_227 = arith.addi %add3A_190, %add3A_226 : vector<16xi32>
        %gather3A_228 = tpu.vector_load_idx %arg5[%add3A_227] : memref<40000xf32, #tpu.memory_space<vmem>>[vector<16xi32>], vector<16xf32>,
        %max3A_229 = arith.maximumf %max3A, %gather3A_228 : vector<16xf32>
        %add3A_230 = arith.constant 9 : i32
        %add3A_231 = vector.broadcast %add3A_230 : i32 to vector<16xi32>
        %add3A_232 = arith.addi %add3A_190, %add3A_231 : vector<16xi32>
        %gather3A_233 = tpu.vector_load_idx %arg5[%add3A_232] : memref<40000xf32, #tpu.memory_space<vmem>>[vector<16xi32>], vector<16xf32>,
        %max3A_234 = arith.maximumf %max3A_214, %gather3A_233 : vector<16xf32>
        %add3A_235 = arith.constant 10 : i32
        %add3A_236 = vector.broadcast %add3A_235 : i32 to vector<16xi32>
        %add3A_237 = arith.addi %add3A_190, %add3A_236 : vector<16xi32>
        %gather3A_238 = tpu.vector_load_idx %arg5[%add3A_237] : memref<40000xf32, #tpu.memory_space<vmem>>[vector<16xi32>], vector<16xf32>,
        %max3A_239 = arith.maximumf %max3A_219, %gather3A_238 : vector<16xf32>
        %add3A_240 = arith.constant 11 : i32
        %add3A_241 = vector.broadcast %add3A_240 : i32 to vector<16xi32>
        %add3A_242 = arith.addi %add3A_190, %add3A_241 : vector<16xi32>
        %gather3A_243 = tpu.vector_load_idx %arg5[%add3A_242] : memref<40000xf32, #tpu.memory_space<vmem>>[vector<16xi32>], vector<16xf32>,
        %max3A_244 = arith.maximumf %max3A_224, %gather3A_243 : vector<16xf32>
        %add3A_245 = arith.constant 12 : i32
        %add3A_246 = vector.broadcast %add3A_245 : i32 to vector<16xi32>
        %add3A_247 = arith.addi %add3A_190, %add3A_246 : vector<16xi32>
        %gather3A_248 = tpu.vector_load_idx %arg5[%add3A_247] : memref<40000xf32, #tpu.memory_space<vmem>>[vector<16xi32>], vector<16xf32>,
        %max3A_249 = arith.maximumf %max3A_229, %gather3A_248 : vector<16xf32>
        %add3A_250 = arith.constant 13 : i32
        %add3A_251 = vector.broadcast %add3A_250 : i32 to vector<16xi32>
        %add3A_252 = arith.addi %add3A_190, %add3A_251 : vector<16xi32>
        %gather3A_253 = tpu.vector_load_idx %arg5[%add3A_252] : memref<40000xf32, #tpu.memory_space<vmem>>[vector<16xi32>], vector<16xf32>,
        %max3A_254 = arith.maximumf %max3A_234, %gather3A_253 : vector<16xf32>
        %add3A_255 = arith.constant 14 : i32
        %add3A_256 = vector.broadcast %add3A_255 : i32 to vector<16xi32>
        %add3A_257 = arith.addi %add3A_190, %add3A_256 : vector<16xi32>
        %gather3A_258 = tpu.vector_load_idx %arg5[%add3A_257] : memref<40000xf32, #tpu.memory_space<vmem>>[vector<16xi32>], vector<16xf32>,
        %max3A_259 = arith.maximumf %max3A_239, %gather3A_258 : vector<16xf32>
        %add3A_260 = arith.constant 15 : i32
        %add3A_261 = vector.broadcast %add3A_260 : i32 to vector<16xi32>
        %add3A_262 = arith.addi %add3A_190, %add3A_261 : vector<16xi32>
        %gather3A_263 = tpu.vector_load_idx %arg5[%add3A_262] : memref<40000xf32, #tpu.memory_space<vmem>>[vector<16xi32>], vector<16xf32>,
        %max3A_264 = arith.maximumf %max3A_244, %gather3A_263 : vector<16xf32>
        %add3A_265 = arith.constant 16 : i32
        %add3A_266 = vector.broadcast %add3A_265 : i32 to vector<16xi32>
        %add3A_267 = arith.addi %add3A_190, %add3A_266 : vector<16xi32>
        %gather3A_268 = tpu.vector_load_idx %arg5[%add3A_267] : memref<40000xf32, #tpu.memory_space<vmem>>[vector<16xi32>], vector<16xf32>,
        %max3A_269 = arith.maximumf %max3A_249, %gather3A_268 : vector<16xf32>
        %add3A_270 = arith.constant 17 : i32
        %add3A_271 = vector.broadcast %add3A_270 : i32 to vector<16xi32>
        %add3A_272 = arith.addi %add3A_190, %add3A_271 : vector<16xi32>
        %gather3A_273 = tpu.vector_load_idx %arg5[%add3A_272] : memref<40000xf32, #tpu.memory_space<vmem>>[vector<16xi32>], vector<16xf32>,
        %max3A_274 = arith.maximumf %max3A_254, %gather3A_273 : vector<16xf32>
        %add3A_275 = arith.constant 18 : i32
        %add3A_276 = vector.broadcast %add3A_275 : i32 to vector<16xi32>
        %add3A_277 = arith.addi %add3A_190, %add3A_276 : vector<16xi32>
        %gather3A_278 = tpu.vector_load_idx %arg5[%add3A_277] : memref<40000xf32, #tpu.memory_space<vmem>>[vector<16xi32>], vector<16xf32>,
        %max3A_279 = arith.maximumf %max3A_259, %gather3A_278 : vector<16xf32>
        %add3A_280 = arith.constant 19 : i32
        %add3A_281 = vector.broadcast %add3A_280 : i32 to vector<16xi32>
        %add3A_282 = arith.addi %add3A_190, %add3A_281 : vector<16xi32>
        %gather3A_283 = tpu.vector_load_idx %arg5[%add3A_282] : memref<40000xf32, #tpu.memory_space<vmem>>[vector<16xi32>], vector<16xf32>,
        %max3A_284 = arith.maximumf %max3A_264, %gather3A_283 : vector<16xf32>
        %add3A_285 = arith.constant 20 : i32
        %add3A_286 = vector.broadcast %add3A_285 : i32 to vector<16xi32>
        %add3A_287 = arith.addi %add3A_190, %add3A_286 : vector<16xi32>
        %gather3A_288 = tpu.vector_load_idx %arg5[%add3A_287] : memref<40000xf32, #tpu.memory_space<vmem>>[vector<16xi32>], vector<16xf32>,
        %max3A_289 = arith.maximumf %max3A_269, %gather3A_288 : vector<16xf32>
        %add3A_290 = arith.constant 21 : i32
        %add3A_291 = vector.broadcast %add3A_290 : i32 to vector<16xi32>
        %add3A_292 = arith.addi %add3A_190, %add3A_291 : vector<16xi32>
        %gather3A_293 = tpu.vector_load_idx %arg5[%add3A_292] : memref<40000xf32, #tpu.memory_space<vmem>>[vector<16xi32>], vector<16xf32>,
        %max3A_294 = arith.maximumf %max3A_274, %gather3A_293 : vector<16xf32>
        %add3A_295 = arith.constant 22 : i32
        %add3A_296 = vector.broadcast %add3A_295 : i32 to vector<16xi32>
        %add3A_297 = arith.addi %add3A_190, %add3A_296 : vector<16xi32>
        %gather3A_298 = tpu.vector_load_idx %arg5[%add3A_297] : memref<40000xf32, #tpu.memory_space<vmem>>[vector<16xi32>], vector<16xf32>,
        %max3A_299 = arith.maximumf %max3A_279, %gather3A_298 : vector<16xf32>
        %add3A_300 = arith.constant 23 : i32
        %add3A_301 = vector.broadcast %add3A_300 : i32 to vector<16xi32>
        %add3A_302 = arith.addi %add3A_190, %add3A_301 : vector<16xi32>
        %gather3A_303 = tpu.vector_load_idx %arg5[%add3A_302] : memref<40000xf32, #tpu.memory_space<vmem>>[vector<16xi32>], vector<16xf32>,
        %max3A_304 = arith.maximumf %max3A_284, %gather3A_303 : vector<16xf32>
        %add3A_305 = arith.constant 24 : i32
        %add3A_306 = vector.broadcast %add3A_305 : i32 to vector<16xi32>
        %add3A_307 = arith.addi %add3A_190, %add3A_306 : vector<16xi32>
        %gather3A_308 = tpu.vector_load_idx %arg5[%add3A_307] : memref<40000xf32, #tpu.memory_space<vmem>>[vector<16xi32>], vector<16xf32>,
        %max3A_309 = arith.maximumf %max3A_289, %gather3A_308 : vector<16xf32>
        %add3A_310 = arith.constant 25 : i32
        %add3A_311 = vector.broadcast %add3A_310 : i32 to vector<16xi32>
        %add3A_312 = arith.addi %add3A_190, %add3A_311 : vector<16xi32>
        %gather3A_313 = tpu.vector_load_idx %arg5[%add3A_312] : memref<40000xf32, #tpu.memory_space<vmem>>[vector<16xi32>], vector<16xf32>,
        %max3A_314 = arith.maximumf %max3A_294, %gather3A_313 : vector<16xf32>
        %add3A_315 = arith.constant 26 : i32
        %add3A_316 = vector.broadcast %add3A_315 : i32 to vector<16xi32>
        %add3A_317 = arith.addi %add3A_190, %add3A_316 : vector<16xi32>
        %gather3A_318 = tpu.vector_load_idx %arg5[%add3A_317] : memref<40000xf32, #tpu.memory_space<vmem>>[vector<16xi32>], vector<16xf32>,
        %max3A_319 = arith.maximumf %max3A_299, %gather3A_318 : vector<16xf32>
        %add3A_320 = arith.constant 27 : i32
        %add3A_321 = vector.broadcast %add3A_320 : i32 to vector<16xi32>
        %add3A_322 = arith.addi %add3A_190, %add3A_321 : vector<16xi32>
        %gather3A_323 = tpu.vector_load_idx %arg5[%add3A_322] : memref<40000xf32, #tpu.memory_space<vmem>>[vector<16xi32>], vector<16xf32>,
        %max3A_324 = arith.maximumf %max3A_304, %gather3A_323 : vector<16xf32>
        %add3A_325 = arith.constant 28 : i32
        %add3A_326 = vector.broadcast %add3A_325 : i32 to vector<16xi32>
        %add3A_327 = arith.addi %add3A_190, %add3A_326 : vector<16xi32>
        %gather3A_328 = tpu.vector_load_idx %arg5[%add3A_327] : memref<40000xf32, #tpu.memory_space<vmem>>[vector<16xi32>], vector<16xf32>,
        %max3A_329 = arith.maximumf %max3A_309, %gather3A_328 : vector<16xf32>
        %add3A_330 = arith.constant 29 : i32
        %add3A_331 = vector.broadcast %add3A_330 : i32 to vector<16xi32>
        %add3A_332 = arith.addi %add3A_190, %add3A_331 : vector<16xi32>
        %gather3A_333 = tpu.vector_load_idx %arg5[%add3A_332] : memref<40000xf32, #tpu.memory_space<vmem>>[vector<16xi32>], vector<16xf32>,
        %max3A_334 = arith.maximumf %max3A_314, %gather3A_333 : vector<16xf32>
        %add3A_335 = arith.constant 30 : i32
        %add3A_336 = vector.broadcast %add3A_335 : i32 to vector<16xi32>
        %add3A_337 = arith.addi %add3A_190, %add3A_336 : vector<16xi32>
        %gather3A_338 = tpu.vector_load_idx %arg5[%add3A_337] : memref<40000xf32, #tpu.memory_space<vmem>>[vector<16xi32>], vector<16xf32>,
        %max3A_339 = arith.maximumf %max3A_319, %gather3A_338 : vector<16xf32>
        %add3A_340 = arith.constant 31 : i32
        %add3A_341 = vector.broadcast %add3A_340 : i32 to vector<16xi32>
        %add3A_342 = arith.addi %add3A_190, %add3A_341 : vector<16xi32>
        %gather3A_343 = tpu.vector_load_idx %arg5[%add3A_342] : memref<40000xf32, #tpu.memory_space<vmem>>[vector<16xi32>], vector<16xf32>,
        %max3A_344 = arith.maximumf %max3A_324, %gather3A_343 : vector<16xf32>
        %add3A_345 = arith.constant 32 : i32
        %add3A_346 = vector.broadcast %add3A_345 : i32 to vector<16xi32>
        %add3A_347 = arith.addi %add3A_190, %add3A_346 : vector<16xi32>
        %gather3A_348 = tpu.vector_load_idx %arg5[%add3A_347] : memref<40000xf32, #tpu.memory_space<vmem>>[vector<16xi32>], vector<16xf32>,
        %max3A_349 = arith.maximumf %max3A_329, %gather3A_348 : vector<16xf32>
        %add3A_350 = arith.constant 33 : i32
        %add3A_351 = vector.broadcast %add3A_350 : i32 to vector<16xi32>
        %add3A_352 = arith.addi %add3A_190, %add3A_351 : vector<16xi32>
        %gather3A_353 = tpu.vector_load_idx %arg5[%add3A_352] : memref<40000xf32, #tpu.memory_space<vmem>>[vector<16xi32>], vector<16xf32>,
        %max3A_354 = arith.maximumf %max3A_334, %gather3A_353 : vector<16xf32>
        %add3A_355 = arith.constant 34 : i32
        %add3A_356 = vector.broadcast %add3A_355 : i32 to vector<16xi32>
        %add3A_357 = arith.addi %add3A_190, %add3A_356 : vector<16xi32>
        %gather3A_358 = tpu.vector_load_idx %arg5[%add3A_357] : memref<40000xf32, #tpu.memory_space<vmem>>[vector<16xi32>], vector<16xf32>,
        %max3A_359 = arith.maximumf %max3A_339, %gather3A_358 : vector<16xf32>
        %add3A_360 = arith.constant 35 : i32
        %add3A_361 = vector.broadcast %add3A_360 : i32 to vector<16xi32>
        %add3A_362 = arith.addi %add3A_190, %add3A_361 : vector<16xi32>
        %gather3A_363 = tpu.vector_load_idx %arg5[%add3A_362] : memref<40000xf32, #tpu.memory_space<vmem>>[vector<16xi32>], vector<16xf32>,
        %max3A_364 = arith.maximumf %max3A_344, %gather3A_363 : vector<16xf32>
        %add3A_365 = arith.constant 36 : i32
        %add3A_366 = vector.broadcast %add3A_365 : i32 to vector<16xi32>
        %add3A_367 = arith.addi %add3A_190, %add3A_366 : vector<16xi32>
        %gather3A_368 = tpu.vector_load_idx %arg5[%add3A_367] : memref<40000xf32, #tpu.memory_space<vmem>>[vector<16xi32>], vector<16xf32>,
        %max3A_369 = arith.maximumf %max3A_349, %gather3A_368 : vector<16xf32>
        %add3A_370 = arith.constant 37 : i32
        %add3A_371 = vector.broadcast %add3A_370 : i32 to vector<16xi32>
        %add3A_372 = arith.addi %add3A_190, %add3A_371 : vector<16xi32>
        %gather3A_373 = tpu.vector_load_idx %arg5[%add3A_372] : memref<40000xf32, #tpu.memory_space<vmem>>[vector<16xi32>], vector<16xf32>,
        %max3A_374 = arith.maximumf %max3A_354, %gather3A_373 : vector<16xf32>
        %add3A_375 = arith.constant 38 : i32
        %add3A_376 = vector.broadcast %add3A_375 : i32 to vector<16xi32>
        %add3A_377 = arith.addi %add3A_190, %add3A_376 : vector<16xi32>
        %gather3A_378 = tpu.vector_load_idx %arg5[%add3A_377] : memref<40000xf32, #tpu.memory_space<vmem>>[vector<16xi32>], vector<16xf32>,
        %max3A_379 = arith.maximumf %max3A_359, %gather3A_378 : vector<16xf32>
        %add3A_380 = arith.constant 39 : i32
        %add3A_381 = vector.broadcast %add3A_380 : i32 to vector<16xi32>
        %add3A_382 = arith.addi %add3A_190, %add3A_381 : vector<16xi32>
        %gather3A_383 = tpu.vector_load_idx %arg5[%add3A_382] : memref<40000xf32, #tpu.memory_space<vmem>>[vector<16xi32>], vector<16xf32>,
        %max3A_384 = arith.maximumf %max3A_364, %gather3A_383 : vector<16xf32>
        %add3A_385 = arith.constant 40 : i32
        %add3A_386 = vector.broadcast %add3A_385 : i32 to vector<16xi32>
        %add3A_387 = arith.addi %add3A_190, %add3A_386 : vector<16xi32>
        %gather3A_388 = tpu.vector_load_idx %arg5[%add3A_387] : memref<40000xf32, #tpu.memory_space<vmem>>[vector<16xi32>], vector<16xf32>,
        %max3A_389 = arith.maximumf %max3A_369, %gather3A_388 : vector<16xf32>
        %add3A_390 = arith.constant 41 : i32
        %add3A_391 = vector.broadcast %add3A_390 : i32 to vector<16xi32>
        %add3A_392 = arith.addi %add3A_190, %add3A_391 : vector<16xi32>
        %gather3A_393 = tpu.vector_load_idx %arg5[%add3A_392] : memref<40000xf32, #tpu.memory_space<vmem>>[vector<16xi32>], vector<16xf32>,
        %max3A_394 = arith.maximumf %max3A_374, %gather3A_393 : vector<16xf32>
        %add3A_395 = arith.constant 42 : i32
        %add3A_396 = vector.broadcast %add3A_395 : i32 to vector<16xi32>
        %add3A_397 = arith.addi %add3A_190, %add3A_396 : vector<16xi32>
        %gather3A_398 = tpu.vector_load_idx %arg5[%add3A_397] : memref<40000xf32, #tpu.memory_space<vmem>>[vector<16xi32>], vector<16xf32>,
        %max3A_399 = arith.maximumf %max3A_379, %gather3A_398 : vector<16xf32>
        %add3A_400 = arith.constant 43 : i32
        %add3A_401 = vector.broadcast %add3A_400 : i32 to vector<16xi32>
        %add3A_402 = arith.addi %add3A_190, %add3A_401 : vector<16xi32>
        %gather3A_403 = tpu.vector_load_idx %arg5[%add3A_402] : memref<40000xf32, #tpu.memory_space<vmem>>[vector<16xi32>], vector<16xf32>,
        %max3A_404 = arith.maximumf %max3A_384, %gather3A_403 : vector<16xf32>
        %add3A_405 = arith.constant 44 : i32
        %add3A_406 = vector.broadcast %add3A_405 : i32 to vector<16xi32>
        %add3A_407 = arith.addi %add3A_190, %add3A_406 : vector<16xi32>
        %gather3A_408 = tpu.vector_load_idx %arg5[%add3A_407] : memref<40000xf32, #tpu.memory_space<vmem>>[vector<16xi32>], vector<16xf32>,
        %max3A_409 = arith.maximumf %max3A_389, %gather3A_408 : vector<16xf32>
        %add3A_410 = arith.constant 45 : i32
        %add3A_411 = vector.broadcast %add3A_410 : i32 to vector<16xi32>
        %add3A_412 = arith.addi %add3A_190, %add3A_411 : vector<16xi32>
        %gather3A_413 = tpu.vector_load_idx %arg5[%add3A_412] : memref<40000xf32, #tpu.memory_space<vmem>>[vector<16xi32>], vector<16xf32>,
        %max3A_414 = arith.maximumf %max3A_394, %gather3A_413 : vector<16xf32>
        %add3A_415 = arith.constant 46 : i32
        %add3A_416 = vector.broadcast %add3A_415 : i32 to vector<16xi32>
        %add3A_417 = arith.addi %add3A_190, %add3A_416 : vector<16xi32>
        %gather3A_418 = tpu.vector_load_idx %arg5[%add3A_417] : memref<40000xf32, #tpu.memory_space<vmem>>[vector<16xi32>], vector<16xf32>,
        %max3A_419 = arith.maximumf %max3A_399, %gather3A_418 : vector<16xf32>
        %add3A_420 = arith.constant 47 : i32
        %add3A_421 = vector.broadcast %add3A_420 : i32 to vector<16xi32>
        %add3A_422 = arith.addi %add3A_190, %add3A_421 : vector<16xi32>
        %gather3A_423 = tpu.vector_load_idx %arg5[%add3A_422] : memref<40000xf32, #tpu.memory_space<vmem>>[vector<16xi32>], vector<16xf32>,
        %max3A_424 = arith.maximumf %max3A_404, %gather3A_423 : vector<16xf32>
        %add3A_425 = arith.constant 48 : i32
        %add3A_426 = vector.broadcast %add3A_425 : i32 to vector<16xi32>
        %add3A_427 = arith.addi %add3A_190, %add3A_426 : vector<16xi32>
        %gather3A_428 = tpu.vector_load_idx %arg5[%add3A_427] : memref<40000xf32, #tpu.memory_space<vmem>>[vector<16xi32>], vector<16xf32>,
        %max3A_429 = arith.maximumf %max3A_409, %gather3A_428 : vector<16xf32>
        %add3A_430 = arith.constant 49 : i32
        %add3A_431 = vector.broadcast %add3A_430 : i32 to vector<16xi32>
        %add3A_432 = arith.addi %add3A_190, %add3A_431 : vector<16xi32>
        %gather3A_433 = tpu.vector_load_idx %arg5[%add3A_432] : memref<40000xf32, #tpu.memory_space<vmem>>[vector<16xi32>], vector<16xf32>,
        %max3A_434 = arith.maximumf %max3A_414, %gather3A_433 : vector<16xf32>
        %add3A_435 = arith.constant 50 : i32
        %add3A_436 = vector.broadcast %add3A_435 : i32 to vector<16xi32>
        %add3A_437 = arith.addi %add3A_190, %add3A_436 : vector<16xi32>
        %gather3A_438 = tpu.vector_load_idx %arg5[%add3A_437] : memref<40000xf32, #tpu.memory_space<vmem>>[vector<16xi32>], vector<16xf32>,
        %max3A_439 = arith.maximumf %max3A_419, %gather3A_438 : vector<16xf32>
        %add3A_440 = arith.constant 51 : i32
        %add3A_441 = vector.broadcast %add3A_440 : i32 to vector<16xi32>
        %add3A_442 = arith.addi %add3A_190, %add3A_441 : vector<16xi32>
        %gather3A_443 = tpu.vector_load_idx %arg5[%add3A_442] : memref<40000xf32, #tpu.memory_space<vmem>>[vector<16xi32>], vector<16xf32>,
        %max3A_444 = arith.maximumf %max3A_424, %gather3A_443 : vector<16xf32>
        %add3A_445 = arith.constant 52 : i32
        %add3A_446 = vector.broadcast %add3A_445 : i32 to vector<16xi32>
        %add3A_447 = arith.addi %add3A_190, %add3A_446 : vector<16xi32>
        %gather3A_448 = tpu.vector_load_idx %arg5[%add3A_447] : memref<40000xf32, #tpu.memory_space<vmem>>[vector<16xi32>], vector<16xf32>,
        %max3A_449 = arith.maximumf %max3A_429, %gather3A_448 : vector<16xf32>
        %add3A_450 = arith.constant 53 : i32
        %add3A_451 = vector.broadcast %add3A_450 : i32 to vector<16xi32>
        %add3A_452 = arith.addi %add3A_190, %add3A_451 : vector<16xi32>
        %gather3A_453 = tpu.vector_load_idx %arg5[%add3A_452] : memref<40000xf32, #tpu.memory_space<vmem>>[vector<16xi32>], vector<16xf32>,
        %max3A_454 = arith.maximumf %max3A_434, %gather3A_453 : vector<16xf32>
        %add3A_455 = arith.constant 54 : i32
        %add3A_456 = vector.broadcast %add3A_455 : i32 to vector<16xi32>
        %add3A_457 = arith.addi %add3A_190, %add3A_456 : vector<16xi32>
        %gather3A_458 = tpu.vector_load_idx %arg5[%add3A_457] : memref<40000xf32, #tpu.memory_space<vmem>>[vector<16xi32>], vector<16xf32>,
        %max3A_459 = arith.maximumf %max3A_439, %gather3A_458 : vector<16xf32>
        %add3A_460 = arith.constant 55 : i32
        %add3A_461 = vector.broadcast %add3A_460 : i32 to vector<16xi32>
        %add3A_462 = arith.addi %add3A_190, %add3A_461 : vector<16xi32>
        %gather3A_463 = tpu.vector_load_idx %arg5[%add3A_462] : memref<40000xf32, #tpu.memory_space<vmem>>[vector<16xi32>], vector<16xf32>,
        %max3A_464 = arith.maximumf %max3A_444, %gather3A_463 : vector<16xf32>
        %add3A_465 = arith.constant 56 : i32
        %add3A_466 = vector.broadcast %add3A_465 : i32 to vector<16xi32>
        %add3A_467 = arith.addi %add3A_190, %add3A_466 : vector<16xi32>
        %gather3A_468 = tpu.vector_load_idx %arg5[%add3A_467] : memref<40000xf32, #tpu.memory_space<vmem>>[vector<16xi32>], vector<16xf32>,
        %max3A_469 = arith.maximumf %max3A_449, %gather3A_468 : vector<16xf32>
        %add3A_470 = arith.constant 57 : i32
        %add3A_471 = vector.broadcast %add3A_470 : i32 to vector<16xi32>
        %add3A_472 = arith.addi %add3A_190, %add3A_471 : vector<16xi32>
        %gather3A_473 = tpu.vector_load_idx %arg5[%add3A_472] : memref<40000xf32, #tpu.memory_space<vmem>>[vector<16xi32>], vector<16xf32>,
        %max3A_474 = arith.maximumf %max3A_454, %gather3A_473 : vector<16xf32>
        %add3A_475 = arith.constant 58 : i32
        %add3A_476 = vector.broadcast %add3A_475 : i32 to vector<16xi32>
        %add3A_477 = arith.addi %add3A_190, %add3A_476 : vector<16xi32>
        %gather3A_478 = tpu.vector_load_idx %arg5[%add3A_477] : memref<40000xf32, #tpu.memory_space<vmem>>[vector<16xi32>], vector<16xf32>,
        %max3A_479 = arith.maximumf %max3A_459, %gather3A_478 : vector<16xf32>
        %add3A_480 = arith.constant 59 : i32
        %add3A_481 = vector.broadcast %add3A_480 : i32 to vector<16xi32>
        %add3A_482 = arith.addi %add3A_190, %add3A_481 : vector<16xi32>
        %gather3A_483 = tpu.vector_load_idx %arg5[%add3A_482] : memref<40000xf32, #tpu.memory_space<vmem>>[vector<16xi32>], vector<16xf32>,
        %max3A_484 = arith.maximumf %max3A_464, %gather3A_483 : vector<16xf32>
        %add3A_485 = arith.constant 60 : i32
        %add3A_486 = vector.broadcast %add3A_485 : i32 to vector<16xi32>
        %add3A_487 = arith.addi %add3A_190, %add3A_486 : vector<16xi32>
        %gather3A_488 = tpu.vector_load_idx %arg5[%add3A_487] : memref<40000xf32, #tpu.memory_space<vmem>>[vector<16xi32>], vector<16xf32>,
        %max3A_489 = arith.maximumf %max3A_469, %gather3A_488 : vector<16xf32>
        %add3A_490 = arith.constant 61 : i32
        %add3A_491 = vector.broadcast %add3A_490 : i32 to vector<16xi32>
        %add3A_492 = arith.addi %add3A_190, %add3A_491 : vector<16xi32>
        %gather3A_493 = tpu.vector_load_idx %arg5[%add3A_492] : memref<40000xf32, #tpu.memory_space<vmem>>[vector<16xi32>], vector<16xf32>,
        %max3A_494 = arith.maximumf %max3A_474, %gather3A_493 : vector<16xf32>
        %add3A_495 = arith.constant 62 : i32
        %add3A_496 = vector.broadcast %add3A_495 : i32 to vector<16xi32>
        %add3A_497 = arith.addi %add3A_190, %add3A_496 : vector<16xi32>
        %gather3A_498 = tpu.vector_load_idx %arg5[%add3A_497] : memref<40000xf32, #tpu.memory_space<vmem>>[vector<16xi32>], vector<16xf32>,
        %max3A_499 = arith.maximumf %max3A_479, %gather3A_498 : vector<16xf32>
        %add3A_500 = arith.constant 63 : i32
        %add3A_501 = vector.broadcast %add3A_500 : i32 to vector<16xi32>
        %add3A_502 = arith.addi %add3A_190, %add3A_501 : vector<16xi32>
        %gather3A_503 = tpu.vector_load_idx %arg5[%add3A_502] : memref<40000xf32, #tpu.memory_space<vmem>>[vector<16xi32>], vector<16xf32>,
        %max3A_504 = arith.maximumf %max3A_484, %gather3A_503 : vector<16xf32>
        %add3A_505 = arith.constant 64 : i32
        %add3A_506 = vector.broadcast %add3A_505 : i32 to vector<16xi32>
        %add3A_507 = arith.addi %add3A_190, %add3A_506 : vector<16xi32>
        %gather3A_508 = tpu.vector_load_idx %arg5[%add3A_507] : memref<40000xf32, #tpu.memory_space<vmem>>[vector<16xi32>], vector<16xf32>,
        %max3A_509 = arith.maximumf %max3A_489, %gather3A_508 : vector<16xf32>
        %add3A_510 = arith.constant 65 : i32
        %add3A_511 = vector.broadcast %add3A_510 : i32 to vector<16xi32>
        %add3A_512 = arith.addi %add3A_190, %add3A_511 : vector<16xi32>
        %gather3A_513 = tpu.vector_load_idx %arg5[%add3A_512] : memref<40000xf32, #tpu.memory_space<vmem>>[vector<16xi32>], vector<16xf32>,
        %max3A_514 = arith.maximumf %max3A_494, %gather3A_513 : vector<16xf32>
        %add3A_515 = arith.constant 66 : i32
        %add3A_516 = vector.broadcast %add3A_515 : i32 to vector<16xi32>
        %add3A_517 = arith.addi %add3A_190, %add3A_516 : vector<16xi32>
        %gather3A_518 = tpu.vector_load_idx %arg5[%add3A_517] : memref<40000xf32, #tpu.memory_space<vmem>>[vector<16xi32>], vector<16xf32>,
        %max3A_519 = arith.maximumf %max3A_499, %gather3A_518 : vector<16xf32>
        %add3A_520 = arith.constant 67 : i32
        %add3A_521 = vector.broadcast %add3A_520 : i32 to vector<16xi32>
        %add3A_522 = arith.addi %add3A_190, %add3A_521 : vector<16xi32>
        %gather3A_523 = tpu.vector_load_idx %arg5[%add3A_522] : memref<40000xf32, #tpu.memory_space<vmem>>[vector<16xi32>], vector<16xf32>,
        %max3A_524 = arith.maximumf %max3A_504, %gather3A_523 : vector<16xf32>
        %add3A_525 = arith.constant 68 : i32
        %add3A_526 = vector.broadcast %add3A_525 : i32 to vector<16xi32>
        %add3A_527 = arith.addi %add3A_190, %add3A_526 : vector<16xi32>
        %gather3A_528 = tpu.vector_load_idx %arg5[%add3A_527] : memref<40000xf32, #tpu.memory_space<vmem>>[vector<16xi32>], vector<16xf32>,
        %max3A_529 = arith.maximumf %max3A_509, %gather3A_528 : vector<16xf32>
        %add3A_530 = arith.constant 69 : i32
        %add3A_531 = vector.broadcast %add3A_530 : i32 to vector<16xi32>
        %add3A_532 = arith.addi %add3A_190, %add3A_531 : vector<16xi32>
        %gather3A_533 = tpu.vector_load_idx %arg5[%add3A_532] : memref<40000xf32, #tpu.memory_space<vmem>>[vector<16xi32>], vector<16xf32>,
        %max3A_534 = arith.maximumf %max3A_514, %gather3A_533 : vector<16xf32>
        %add3A_535 = arith.constant 70 : i32
        %add3A_536 = vector.broadcast %add3A_535 : i32 to vector<16xi32>
        %add3A_537 = arith.addi %add3A_190, %add3A_536 : vector<16xi32>
        %gather3A_538 = tpu.vector_load_idx %arg5[%add3A_537] : memref<40000xf32, #tpu.memory_space<vmem>>[vector<16xi32>], vector<16xf32>,
        %max3A_539 = arith.maximumf %max3A_519, %gather3A_538 : vector<16xf32>
        %add3A_540 = arith.constant 71 : i32
        %add3A_541 = vector.broadcast %add3A_540 : i32 to vector<16xi32>
        %add3A_542 = arith.addi %add3A_190, %add3A_541 : vector<16xi32>
        %gather3A_543 = tpu.vector_load_idx %arg5[%add3A_542] : memref<40000xf32, #tpu.memory_space<vmem>>[vector<16xi32>], vector<16xf32>,
        %max3A_544 = arith.maximumf %max3A_524, %gather3A_543 : vector<16xf32>
        %add3A_545 = arith.constant 72 : i32
        %add3A_546 = vector.broadcast %add3A_545 : i32 to vector<16xi32>
        %add3A_547 = arith.addi %add3A_190, %add3A_546 : vector<16xi32>
        %gather3A_548 = tpu.vector_load_idx %arg5[%add3A_547] : memref<40000xf32, #tpu.memory_space<vmem>>[vector<16xi32>], vector<16xf32>,
        %max3A_549 = arith.maximumf %max3A_529, %gather3A_548 : vector<16xf32>
        %add3A_550 = arith.constant 73 : i32
        %add3A_551 = vector.broadcast %add3A_550 : i32 to vector<16xi32>
        %add3A_552 = arith.addi %add3A_190, %add3A_551 : vector<16xi32>
        %gather3A_553 = tpu.vector_load_idx %arg5[%add3A_552] : memref<40000xf32, #tpu.memory_space<vmem>>[vector<16xi32>], vector<16xf32>,
        %max3A_554 = arith.maximumf %max3A_534, %gather3A_553 : vector<16xf32>
        %add3A_555 = arith.constant 74 : i32
        %add3A_556 = vector.broadcast %add3A_555 : i32 to vector<16xi32>
        %add3A_557 = arith.addi %add3A_190, %add3A_556 : vector<16xi32>
        %gather3A_558 = tpu.vector_load_idx %arg5[%add3A_557] : memref<40000xf32, #tpu.memory_space<vmem>>[vector<16xi32>], vector<16xf32>,
        %max3A_559 = arith.maximumf %max3A_539, %gather3A_558 : vector<16xf32>
        %add3A_560 = arith.constant 75 : i32
        %add3A_561 = vector.broadcast %add3A_560 : i32 to vector<16xi32>
        %add3A_562 = arith.addi %add3A_190, %add3A_561 : vector<16xi32>
        %gather3A_563 = tpu.vector_load_idx %arg5[%add3A_562] : memref<40000xf32, #tpu.memory_space<vmem>>[vector<16xi32>], vector<16xf32>,
        %max3A_564 = arith.maximumf %max3A_544, %gather3A_563 : vector<16xf32>
        %add3A_565 = arith.constant 76 : i32
        %add3A_566 = vector.broadcast %add3A_565 : i32 to vector<16xi32>
        %add3A_567 = arith.addi %add3A_190, %add3A_566 : vector<16xi32>
        %gather3A_568 = tpu.vector_load_idx %arg5[%add3A_567] : memref<40000xf32, #tpu.memory_space<vmem>>[vector<16xi32>], vector<16xf32>,
        %max3A_569 = arith.maximumf %max3A_549, %gather3A_568 : vector<16xf32>
        %add3A_570 = arith.constant 77 : i32
        %add3A_571 = vector.broadcast %add3A_570 : i32 to vector<16xi32>
        %add3A_572 = arith.addi %add3A_190, %add3A_571 : vector<16xi32>
        %gather3A_573 = tpu.vector_load_idx %arg5[%add3A_572] : memref<40000xf32, #tpu.memory_space<vmem>>[vector<16xi32>], vector<16xf32>,
        %max3A_574 = arith.maximumf %max3A_554, %gather3A_573 : vector<16xf32>
        %add3A_575 = arith.constant 78 : i32
        %add3A_576 = vector.broadcast %add3A_575 : i32 to vector<16xi32>
        %add3A_577 = arith.addi %add3A_190, %add3A_576 : vector<16xi32>
        %gather3A_578 = tpu.vector_load_idx %arg5[%add3A_577] : memref<40000xf32, #tpu.memory_space<vmem>>[vector<16xi32>], vector<16xf32>,
        %max3A_579 = arith.maximumf %max3A_559, %gather3A_578 : vector<16xf32>
        %add3A_580 = arith.constant 79 : i32
        %add3A_581 = vector.broadcast %add3A_580 : i32 to vector<16xi32>
        %add3A_582 = arith.addi %add3A_190, %add3A_581 : vector<16xi32>
        %gather3A_583 = tpu.vector_load_idx %arg5[%add3A_582] : memref<40000xf32, #tpu.memory_space<vmem>>[vector<16xi32>], vector<16xf32>,
        %max3A_584 = arith.maximumf %max3A_564, %gather3A_583 : vector<16xf32>
        %add3A_585 = arith.constant 80 : i32
        %add3A_586 = vector.broadcast %add3A_585 : i32 to vector<16xi32>
        %add3A_587 = arith.addi %add3A_190, %add3A_586 : vector<16xi32>
        %gather3A_588 = tpu.vector_load_idx %arg5[%add3A_587] : memref<40000xf32, #tpu.memory_space<vmem>>[vector<16xi32>], vector<16xf32>,
        %max3A_589 = arith.maximumf %max3A_569, %gather3A_588 : vector<16xf32>
        %add3A_590 = arith.constant 81 : i32
        %add3A_591 = vector.broadcast %add3A_590 : i32 to vector<16xi32>
        %add3A_592 = arith.addi %add3A_190, %add3A_591 : vector<16xi32>
        %gather3A_593 = tpu.vector_load_idx %arg5[%add3A_592] : memref<40000xf32, #tpu.memory_space<vmem>>[vector<16xi32>], vector<16xf32>,
        %max3A_594 = arith.maximumf %max3A_574, %gather3A_593 : vector<16xf32>
        %add3A_595 = arith.constant 82 : i32
        %add3A_596 = vector.broadcast %add3A_595 : i32 to vector<16xi32>
        %add3A_597 = arith.addi %add3A_190, %add3A_596 : vector<16xi32>
        %gather3A_598 = tpu.vector_load_idx %arg5[%add3A_597] : memref<40000xf32, #tpu.memory_space<vmem>>[vector<16xi32>], vector<16xf32>,
        %max3A_599 = arith.maximumf %max3A_579, %gather3A_598 : vector<16xf32>
        %add3A_600 = arith.constant 83 : i32
        %add3A_601 = vector.broadcast %add3A_600 : i32 to vector<16xi32>
        %add3A_602 = arith.addi %add3A_190, %add3A_601 : vector<16xi32>
        %gather3A_603 = tpu.vector_load_idx %arg5[%add3A_602] : memref<40000xf32, #tpu.memory_space<vmem>>[vector<16xi32>], vector<16xf32>,
        %max3A_604 = arith.maximumf %max3A_584, %gather3A_603 : vector<16xf32>
        %add3A_605 = arith.constant 84 : i32
        %add3A_606 = vector.broadcast %add3A_605 : i32 to vector<16xi32>
        %add3A_607 = arith.addi %add3A_190, %add3A_606 : vector<16xi32>
        %gather3A_608 = tpu.vector_load_idx %arg5[%add3A_607] : memref<40000xf32, #tpu.memory_space<vmem>>[vector<16xi32>], vector<16xf32>,
        %max3A_609 = arith.maximumf %max3A_589, %gather3A_608 : vector<16xf32>
        %add3A_610 = arith.constant 85 : i32
        %add3A_611 = vector.broadcast %add3A_610 : i32 to vector<16xi32>
        %add3A_612 = arith.addi %add3A_190, %add3A_611 : vector<16xi32>
        %gather3A_613 = tpu.vector_load_idx %arg5[%add3A_612] : memref<40000xf32, #tpu.memory_space<vmem>>[vector<16xi32>], vector<16xf32>,
        %max3A_614 = arith.maximumf %max3A_594, %gather3A_613 : vector<16xf32>
        %add3A_615 = arith.constant 86 : i32
        %add3A_616 = vector.broadcast %add3A_615 : i32 to vector<16xi32>
        %add3A_617 = arith.addi %add3A_190, %add3A_616 : vector<16xi32>
        %gather3A_618 = tpu.vector_load_idx %arg5[%add3A_617] : memref<40000xf32, #tpu.memory_space<vmem>>[vector<16xi32>], vector<16xf32>,
        %max3A_619 = arith.maximumf %max3A_599, %gather3A_618 : vector<16xf32>
        %add3A_620 = arith.constant 87 : i32
        %add3A_621 = vector.broadcast %add3A_620 : i32 to vector<16xi32>
        %add3A_622 = arith.addi %add3A_190, %add3A_621 : vector<16xi32>
        %gather3A_623 = tpu.vector_load_idx %arg5[%add3A_622] : memref<40000xf32, #tpu.memory_space<vmem>>[vector<16xi32>], vector<16xf32>,
        %max3A_624 = arith.maximumf %max3A_604, %gather3A_623 : vector<16xf32>
        %add3A_625 = arith.constant 88 : i32
        %add3A_626 = vector.broadcast %add3A_625 : i32 to vector<16xi32>
        %add3A_627 = arith.addi %add3A_190, %add3A_626 : vector<16xi32>
        %gather3A_628 = tpu.vector_load_idx %arg5[%add3A_627] : memref<40000xf32, #tpu.memory_space<vmem>>[vector<16xi32>], vector<16xf32>,
        %max3A_629 = arith.maximumf %max3A_609, %gather3A_628 : vector<16xf32>
        %add3A_630 = arith.constant 89 : i32
        %add3A_631 = vector.broadcast %add3A_630 : i32 to vector<16xi32>
        %add3A_632 = arith.addi %add3A_190, %add3A_631 : vector<16xi32>
        %gather3A_633 = tpu.vector_load_idx %arg5[%add3A_632] : memref<40000xf32, #tpu.memory_space<vmem>>[vector<16xi32>], vector<16xf32>,
        %max3A_634 = arith.maximumf %max3A_614, %gather3A_633 : vector<16xf32>
        %add3A_635 = arith.constant 90 : i32
        %add3A_636 = vector.broadcast %add3A_635 : i32 to vector<16xi32>
        %add3A_637 = arith.addi %add3A_190, %add3A_636 : vector<16xi32>
        %gather3A_638 = tpu.vector_load_idx %arg5[%add3A_637] : memref<40000xf32, #tpu.memory_space<vmem>>[vector<16xi32>], vector<16xf32>,
        %max3A_639 = arith.maximumf %max3A_619, %gather3A_638 : vector<16xf32>
        %add3A_640 = arith.constant 91 : i32
        %add3A_641 = vector.broadcast %add3A_640 : i32 to vector<16xi32>
        %add3A_642 = arith.addi %add3A_190, %add3A_641 : vector<16xi32>
        %gather3A_643 = tpu.vector_load_idx %arg5[%add3A_642] : memref<40000xf32, #tpu.memory_space<vmem>>[vector<16xi32>], vector<16xf32>,
        %max3A_644 = arith.maximumf %max3A_624, %gather3A_643 : vector<16xf32>
        %add3A_645 = arith.constant 92 : i32
        %add3A_646 = vector.broadcast %add3A_645 : i32 to vector<16xi32>
        %add3A_647 = arith.addi %add3A_190, %add3A_646 : vector<16xi32>
        %gather3A_648 = tpu.vector_load_idx %arg5[%add3A_647] : memref<40000xf32, #tpu.memory_space<vmem>>[vector<16xi32>], vector<16xf32>,
        %max3A_649 = arith.maximumf %max3A_629, %gather3A_648 : vector<16xf32>
        %add3A_650 = arith.constant 93 : i32
        %add3A_651 = vector.broadcast %add3A_650 : i32 to vector<16xi32>
        %add3A_652 = arith.addi %add3A_190, %add3A_651 : vector<16xi32>
        %gather3A_653 = tpu.vector_load_idx %arg5[%add3A_652] : memref<40000xf32, #tpu.memory_space<vmem>>[vector<16xi32>], vector<16xf32>,
        %max3A_654 = arith.maximumf %max3A_634, %gather3A_653 : vector<16xf32>
        %add3A_655 = arith.constant 94 : i32
        %add3A_656 = vector.broadcast %add3A_655 : i32 to vector<16xi32>
        %add3A_657 = arith.addi %add3A_190, %add3A_656 : vector<16xi32>
        %gather3A_658 = tpu.vector_load_idx %arg5[%add3A_657] : memref<40000xf32, #tpu.memory_space<vmem>>[vector<16xi32>], vector<16xf32>,
        %max3A_659 = arith.maximumf %max3A_639, %gather3A_658 : vector<16xf32>
        %add3A_660 = arith.constant 95 : i32
        %add3A_661 = vector.broadcast %add3A_660 : i32 to vector<16xi32>
        %add3A_662 = arith.addi %add3A_190, %add3A_661 : vector<16xi32>
        %gather3A_663 = tpu.vector_load_idx %arg5[%add3A_662] : memref<40000xf32, #tpu.memory_space<vmem>>[vector<16xi32>], vector<16xf32>,
        %max3A_664 = arith.maximumf %max3A_644, %gather3A_663 : vector<16xf32>
        %add3A_665 = arith.constant 96 : i32
        %add3A_666 = vector.broadcast %add3A_665 : i32 to vector<16xi32>
        %add3A_667 = arith.addi %add3A_190, %add3A_666 : vector<16xi32>
        %gather3A_668 = tpu.vector_load_idx %arg5[%add3A_667] : memref<40000xf32, #tpu.memory_space<vmem>>[vector<16xi32>], vector<16xf32>,
        %max3A_669 = arith.maximumf %max3A_649, %gather3A_668 : vector<16xf32>
        %add3A_670 = arith.constant 97 : i32
        %add3A_671 = vector.broadcast %add3A_670 : i32 to vector<16xi32>
        %add3A_672 = arith.addi %add3A_190, %add3A_671 : vector<16xi32>
        %gather3A_673 = tpu.vector_load_idx %arg5[%add3A_672] : memref<40000xf32, #tpu.memory_space<vmem>>[vector<16xi32>], vector<16xf32>,
        %max3A_674 = arith.maximumf %max3A_654, %gather3A_673 : vector<16xf32>
        %add3A_675 = arith.constant 98 : i32
        %add3A_676 = vector.broadcast %add3A_675 : i32 to vector<16xi32>
        %add3A_677 = arith.addi %add3A_190, %add3A_676 : vector<16xi32>
        %gather3A_678 = tpu.vector_load_idx %arg5[%add3A_677] : memref<40000xf32, #tpu.memory_space<vmem>>[vector<16xi32>], vector<16xf32>,
        %max3A_679 = arith.maximumf %max3A_659, %gather3A_678 : vector<16xf32>
        %add3A_680 = arith.constant 99 : i32
        %add3A_681 = vector.broadcast %add3A_680 : i32 to vector<16xi32>
        %add3A_682 = arith.addi %add3A_190, %add3A_681 : vector<16xi32>
        %gather3A_683 = tpu.vector_load_idx %arg5[%add3A_682] : memref<40000xf32, #tpu.memory_space<vmem>>[vector<16xi32>], vector<16xf32>,
        %max3A_684 = arith.maximumf %max3A_664, %gather3A_683 : vector<16xf32>
        %max3A_685 = arith.maximumf %max3A_669, %max3A_674 : vector<16xf32>
        %max3A_686 = arith.maximumf %max3A_679, %max3A_684 : vector<16xf32>
        %max3A_687 = arith.maximumf %max3A_685, %max3A_686 : vector<16xf32>
        %mul3A_688 = arith.constant 16 : i32
        %mul3A_689 = arith.muli %scan3A_182, %mul3A_688 : i32
        %get3A = arith.index_cast %mul3A_689 : i32 to index
        %get3A_690 = tpu.vector_load %arg6[%get3A] {strides = array<i32>} : memref<400xi32, #tpu.memory_space<vmem>>, vector<16xi32>,
        %add3A_691 = arith.addi %add3A_190, %get3A_690 : vector<16xi32>
        %gather3A_692 = tpu.vector_load_idx %arg5[%add3A_691] : memref<40000xf32, #tpu.memory_space<vmem>>[vector<16xi32>], vector<16xf32>,
        %eq3A = arith.cmpf oeq, %gather3A_692, %max3A_687 : vector<16xf32>
        %jit3A_693 = arith.constant 1.000000e+00 : f32
        %jit3A_694 = arith.constant 0.000000e+00 : f32
        %broadcast_in_dim3A_695 = vector.broadcast %jit3A_693 : f32 to vector<16xf32>
        %broadcast_in_dim3A_696 = vector.broadcast %jit3A_694 : f32 to vector<16xf32>
        %select_n3A_697 = arith.select %eq3A, %broadcast_in_dim3A_695, %broadcast_in_dim3A_696 : vector<16xi1>, vector<16xf32>
        %broadcast_in_dim3A_698 = arith.constant 0 : i32
        %broadcast_in_dim3A_699 = vector.broadcast %broadcast_in_dim3A_698 : i32 to vector<16xi32>
        %gt3A = arith.constant 0.000000e+00 : f32
        %gt3A_700 = vector.broadcast %gt3A : f32 to vector<16xf32>
        %gt3A_701 = arith.cmpf ogt, %max3A_687, %gt3A_700 : vector<16xf32>
        %jit3A_702 = arith.constant 1 : i32
        %jit3A_703 = arith.constant 0 : i32
        %broadcast_in_dim3A_704 = vector.broadcast %jit3A_702 : i32 to vector<16xi32>
        %broadcast_in_dim3A_705 = vector.broadcast %jit3A_703 : i32 to vector<16xi32>
        %select_n3A_706 = arith.select %gt3A_701, %broadcast_in_dim3A_704, %broadcast_in_dim3A_705 : vector<16xi1>, vector<16xi32>
        %add3A_707 = arith.addi %broadcast_in_dim3A_699, %select_n3A_706 : vector<16xi32>
        %gt3A_708 = arith.constant 0.0666666701 : f32
        %gt3A_709 = vector.broadcast %gt3A_708 : f32 to vector<16xf32>
        %gt3A_710 = arith.cmpf ogt, %max3A_687, %gt3A_709 : vector<16xf32>
        %jit3A_711 = arith.constant 1 : i32
        %jit3A_712 = arith.constant 0 : i32
        %broadcast_in_dim3A_713 = vector.broadcast %jit3A_711 : i32 to vector<16xi32>
        %broadcast_in_dim3A_714 = vector.broadcast %jit3A_712 : i32 to vector<16xi32>
        %select_n3A_715 = arith.select %gt3A_710, %broadcast_in_dim3A_713, %broadcast_in_dim3A_714 : vector<16xi1>, vector<16xi32>
        %add3A_716 = arith.addi %add3A_707, %select_n3A_715 : vector<16xi32>
        %gt3A_717 = arith.constant 0.13333334 : f32
        %gt3A_718 = vector.broadcast %gt3A_717 : f32 to vector<16xf32>
        %gt3A_719 = arith.cmpf ogt, %max3A_687, %gt3A_718 : vector<16xf32>
        %jit3A_720 = arith.constant 1 : i32
        %jit3A_721 = arith.constant 0 : i32
        %broadcast_in_dim3A_722 = vector.broadcast %jit3A_720 : i32 to vector<16xi32>
        %broadcast_in_dim3A_723 = vector.broadcast %jit3A_721 : i32 to vector<16xi32>
        %select_n3A_724 = arith.select %gt3A_719, %broadcast_in_dim3A_722, %broadcast_in_dim3A_723 : vector<16xi1>, vector<16xi32>
        %add3A_725 = arith.addi %add3A_716, %select_n3A_724 : vector<16xi32>
        %gt3A_726 = arith.constant 0.200000018 : f32
        %gt3A_727 = vector.broadcast %gt3A_726 : f32 to vector<16xf32>
        %gt3A_728 = arith.cmpf ogt, %max3A_687, %gt3A_727 : vector<16xf32>
        %jit3A_729 = arith.constant 1 : i32
        %jit3A_730 = arith.constant 0 : i32
        %broadcast_in_dim3A_731 = vector.broadcast %jit3A_729 : i32 to vector<16xi32>
        %broadcast_in_dim3A_732 = vector.broadcast %jit3A_730 : i32 to vector<16xi32>
        %select_n3A_733 = arith.select %gt3A_728, %broadcast_in_dim3A_731, %broadcast_in_dim3A_732 : vector<16xi1>, vector<16xi32>
        %add3A_734 = arith.addi %add3A_725, %select_n3A_733 : vector<16xi32>
        %gt3A_735 = arith.constant 0.266666681 : f32
        %gt3A_736 = vector.broadcast %gt3A_735 : f32 to vector<16xf32>
        %gt3A_737 = arith.cmpf ogt, %max3A_687, %gt3A_736 : vector<16xf32>
        %jit3A_738 = arith.constant 1 : i32
        %jit3A_739 = arith.constant 0 : i32
        %broadcast_in_dim3A_740 = vector.broadcast %jit3A_738 : i32 to vector<16xi32>
        %broadcast_in_dim3A_741 = vector.broadcast %jit3A_739 : i32 to vector<16xi32>
        %select_n3A_742 = arith.select %gt3A_737, %broadcast_in_dim3A_740, %broadcast_in_dim3A_741 : vector<16xi1>, vector<16xi32>
        %add3A_743 = arith.addi %add3A_734, %select_n3A_742 : vector<16xi32>
        %gt3A_744 = arith.constant 0.333333343 : f32
        %gt3A_745 = vector.broadcast %gt3A_744 : f32 to vector<16xf32>
        %gt3A_746 = arith.cmpf ogt, %max3A_687, %gt3A_745 : vector<16xf32>
        %jit3A_747 = arith.constant 1 : i32
        %jit3A_748 = arith.constant 0 : i32
        %broadcast_in_dim3A_749 = vector.broadcast %jit3A_747 : i32 to vector<16xi32>
        %broadcast_in_dim3A_750 = vector.broadcast %jit3A_748 : i32 to vector<16xi32>
        %select_n3A_751 = arith.select %gt3A_746, %broadcast_in_dim3A_749, %broadcast_in_dim3A_750 : vector<16xi1>, vector<16xi32>
        %add3A_752 = arith.addi %add3A_743, %select_n3A_751 : vector<16xi32>
        %gt3A_753 = arith.constant 0.400000036 : f32
        %gt3A_754 = vector.broadcast %gt3A_753 : f32 to vector<16xf32>
        %gt3A_755 = arith.cmpf ogt, %max3A_687, %gt3A_754 : vector<16xf32>
        %jit3A_756 = arith.constant 1 : i32
        %jit3A_757 = arith.constant 0 : i32
        %broadcast_in_dim3A_758 = vector.broadcast %jit3A_756 : i32 to vector<16xi32>
        %broadcast_in_dim3A_759 = vector.broadcast %jit3A_757 : i32 to vector<16xi32>
        %select_n3A_760 = arith.select %gt3A_755, %broadcast_in_dim3A_758, %broadcast_in_dim3A_759 : vector<16xi1>, vector<16xi32>
        %add3A_761 = arith.addi %add3A_752, %select_n3A_760 : vector<16xi32>
        %gt3A_762 = arith.constant 0.466666698 : f32
        %gt3A_763 = vector.broadcast %gt3A_762 : f32 to vector<16xf32>
        %gt3A_764 = arith.cmpf ogt, %max3A_687, %gt3A_763 : vector<16xf32>
        %jit3A_765 = arith.constant 1 : i32
        %jit3A_766 = arith.constant 0 : i32
        %broadcast_in_dim3A_767 = vector.broadcast %jit3A_765 : i32 to vector<16xi32>
        %broadcast_in_dim3A_768 = vector.broadcast %jit3A_766 : i32 to vector<16xi32>
        %select_n3A_769 = arith.select %gt3A_764, %broadcast_in_dim3A_767, %broadcast_in_dim3A_768 : vector<16xi1>, vector<16xi32>
        %add3A_770 = arith.addi %add3A_761, %select_n3A_769 : vector<16xi32>
        %gt3A_771 = arith.constant 0.533333361 : f32
        %gt3A_772 = vector.broadcast %gt3A_771 : f32 to vector<16xf32>
        %gt3A_773 = arith.cmpf ogt, %max3A_687, %gt3A_772 : vector<16xf32>
        %jit3A_774 = arith.constant 1 : i32
        %jit3A_775 = arith.constant 0 : i32
        %broadcast_in_dim3A_776 = vector.broadcast %jit3A_774 : i32 to vector<16xi32>
        %broadcast_in_dim3A_777 = vector.broadcast %jit3A_775 : i32 to vector<16xi32>
        %select_n3A_778 = arith.select %gt3A_773, %broadcast_in_dim3A_776, %broadcast_in_dim3A_777 : vector<16xi1>, vector<16xi32>
        %add3A_779 = arith.addi %add3A_770, %select_n3A_778 : vector<16xi32>
        %gt3A_780 = arith.constant 6.000000e-01 : f32
        %gt3A_781 = vector.broadcast %gt3A_780 : f32 to vector<16xf32>
        %gt3A_782 = arith.cmpf ogt, %max3A_687, %gt3A_781 : vector<16xf32>
        %jit3A_783 = arith.constant 1 : i32
        %jit3A_784 = arith.constant 0 : i32
        %broadcast_in_dim3A_785 = vector.broadcast %jit3A_783 : i32 to vector<16xi32>
        %broadcast_in_dim3A_786 = vector.broadcast %jit3A_784 : i32 to vector<16xi32>
        %select_n3A_787 = arith.select %gt3A_782, %broadcast_in_dim3A_785, %broadcast_in_dim3A_786 : vector<16xi1>, vector<16xi32>
        %add3A_788 = arith.addi %add3A_779, %select_n3A_787 : vector<16xi32>
        %gt3A_789 = arith.constant 0.666666686 : f32
        %gt3A_790 = vector.broadcast %gt3A_789 : f32 to vector<16xf32>
        %gt3A_791 = arith.cmpf ogt, %max3A_687, %gt3A_790 : vector<16xf32>
        %jit3A_792 = arith.constant 1 : i32
        %jit3A_793 = arith.constant 0 : i32
        %broadcast_in_dim3A_794 = vector.broadcast %jit3A_792 : i32 to vector<16xi32>
        %broadcast_in_dim3A_795 = vector.broadcast %jit3A_793 : i32 to vector<16xi32>
        %select_n3A_796 = arith.select %gt3A_791, %broadcast_in_dim3A_794, %broadcast_in_dim3A_795 : vector<16xi1>, vector<16xi32>
        %add3A_797 = arith.addi %add3A_788, %select_n3A_796 : vector<16xi32>
        %gt3A_798 = arith.constant 0.733333349 : f32
        %gt3A_799 = vector.broadcast %gt3A_798 : f32 to vector<16xf32>
        %gt3A_800 = arith.cmpf ogt, %max3A_687, %gt3A_799 : vector<16xf32>
        %jit3A_801 = arith.constant 1 : i32
        %jit3A_802 = arith.constant 0 : i32
        %broadcast_in_dim3A_803 = vector.broadcast %jit3A_801 : i32 to vector<16xi32>
        %broadcast_in_dim3A_804 = vector.broadcast %jit3A_802 : i32 to vector<16xi32>
        %select_n3A_805 = arith.select %gt3A_800, %broadcast_in_dim3A_803, %broadcast_in_dim3A_804 : vector<16xi1>, vector<16xi32>
        %add3A_806 = arith.addi %add3A_797, %select_n3A_805 : vector<16xi32>
        %gt3A_807 = arith.constant 0.800000071 : f32
        %gt3A_808 = vector.broadcast %gt3A_807 : f32 to vector<16xf32>
        %gt3A_809 = arith.cmpf ogt, %max3A_687, %gt3A_808 : vector<16xf32>
        %jit3A_810 = arith.constant 1 : i32
        %jit3A_811 = arith.constant 0 : i32
        %broadcast_in_dim3A_812 = vector.broadcast %jit3A_810 : i32 to vector<16xi32>
        %broadcast_in_dim3A_813 = vector.broadcast %jit3A_811 : i32 to vector<16xi32>
        %select_n3A_814 = arith.select %gt3A_809, %broadcast_in_dim3A_812, %broadcast_in_dim3A_813 : vector<16xi1>, vector<16xi32>
        %add3A_815 = arith.addi %add3A_806, %select_n3A_814 : vector<16xi32>
        %gt3A_816 = arith.constant 0.866666734 : f32
        %gt3A_817 = vector.broadcast %gt3A_816 : f32 to vector<16xf32>
        %gt3A_818 = arith.cmpf ogt, %max3A_687, %gt3A_817 : vector<16xf32>
        %jit3A_819 = arith.constant 1 : i32
        %jit3A_820 = arith.constant 0 : i32
        %broadcast_in_dim3A_821 = vector.broadcast %jit3A_819 : i32 to vector<16xi32>
        %broadcast_in_dim3A_822 = vector.broadcast %jit3A_820 : i32 to vector<16xi32>
        %select_n3A_823 = arith.select %gt3A_818, %broadcast_in_dim3A_821, %broadcast_in_dim3A_822 : vector<16xi1>, vector<16xi32>
        %add3A_824 = arith.addi %add3A_815, %select_n3A_823 : vector<16xi32>
        %gt3A_825 = arith.constant 0.933333396 : f32
        %gt3A_826 = vector.broadcast %gt3A_825 : f32 to vector<16xf32>
        %gt3A_827 = arith.cmpf ogt, %max3A_687, %gt3A_826 : vector<16xf32>
        %jit3A_828 = arith.constant 1 : i32
        %jit3A_829 = arith.constant 0 : i32
        %broadcast_in_dim3A_830 = vector.broadcast %jit3A_828 : i32 to vector<16xi32>
        %broadcast_in_dim3A_831 = vector.broadcast %jit3A_829 : i32 to vector<16xi32>
        %select_n3A_832 = arith.select %gt3A_827, %broadcast_in_dim3A_830, %broadcast_in_dim3A_831 : vector<16xi1>, vector<16xi32>
        %add3A_833 = arith.addi %add3A_824, %select_n3A_832 : vector<16xi32>
        %ge3A = arith.constant 1 : i32
        %ge3A_834 = vector.broadcast %ge3A : i32 to vector<16xi32>
        %ge3A_835 = arith.cmpi sge, %add3A_833, %ge3A_834 : vector<16xi32>
        %sub3A_836 = arith.constant 1 : i32
        %sub3A_837 = vector.broadcast %sub3A_836 : i32 to vector<16xi32>
        %sub3A_838 = arith.subi %add3A_833, %sub3A_837 : vector<16xi32>
        %max3A_839 = arith.constant 0 : i32
        %max3A_840 = vector.broadcast %max3A_839 : i32 to vector<16xi32>
        %max3A_841 = arith.maxsi %sub3A_838, %max3A_840 : vector<16xi32>
        %mul3A_842 = arith.constant 16 : i32
        %mul3A_843 = vector.broadcast %mul3A_842 : i32 to vector<16xi32>
        %mul3A_844 = arith.muli %max3A_841, %mul3A_843 : vector<16xi32>
        %add3A_845 = arith.addi %mul3A_844, %iota3A : vector<16xi32>
        tpu.vector_store_idx %arg7[%add3A_845], %broadcast_in_dim3A_144 masked %ge3A_835 {add = true} : memref<256xf32, #tpu.memory_space<vmem>>[vector<16xi32>], vector<16xf32>, vector<16xi1>
        tpu.vector_store_idx %arg8[%add3A_845], %max3A_687 masked %ge3A_835 {add = true} : memref<256xf32, #tpu.memory_space<vmem>>[vector<16xi32>], vector<16xf32>, vector<16xi1>
        tpu.vector_store_idx %arg9[%add3A_845], %select_n3A_697 masked %ge3A_835 {add = true} : memref<256xf32, #tpu.memory_space<vmem>>[vector<16xi32>], vector<16xf32>, vector<16xi1>
        %scan3A_846 = arith.constant 0 : i32
        scf.yield %scan3A_846 : i32
      }
      %scan3A_180 = arith.constant 25 : i32
      %while3A_181 = arith.constant 0 : i32
      scf.yield %while3A_181 : i32
    }
    %mul3A_155 = arith.constant 3 : i32
    %mul3A_156 = arith.muli %add3A, %mul3A_155 : i32
    %mul3A_157 = arith.constant 256 : i32
    %mul3A_158 = arith.muli %mul3A_156, %mul3A_157 : i32
    "tpu.region"() ({
      %run_scoped3A = tpu.sem_alloc : memref<!tpu.dma_semaphore, #tpu.memory_space<semaphore_mem>>
      %dma_start3A = tpu.memref_slice %arg4[%mul3A_158] : memref<24576xf32, #tpu.memory_space<hbm>> -> memref<256xf32, #tpu.memory_space<hbm>>
      %dma_start3A_163 = tpu.memref_slice %arg4[%mul3A_158] : memref<24576xf32, #tpu.memory_space<hbm>> -> memref<256xf32, #tpu.memory_space<hbm>>
      tpu.enqueue_dma source(%arg7 : memref<256xf32, #tpu.memory_space<vmem>>) target(%dma_start3A_163 : memref<256xf32, #tpu.memory_space<hbm>>) target_semaphore(%run_scoped3A : memref<!tpu.dma_semaphore, #tpu.memory_space<semaphore_mem>>)
      %dma_wait3A = tpu.memref_slice %arg4[%mul3A_158] : memref<24576xf32, #tpu.memory_space<hbm>> -> memref<256xf32, #tpu.memory_space<hbm>>
      %dma_wait3A_164 = tpu.memref_slice %arg4[%mul3A_158] : memref<24576xf32, #tpu.memory_space<hbm>> -> memref<256xf32, #tpu.memory_space<hbm>>
      tpu.wait_dma2 semaphore(%run_scoped3A : memref<!tpu.dma_semaphore, #tpu.memory_space<semaphore_mem>>) src(%arg7 : memref<256xf32, #tpu.memory_space<vmem>>) dst(%dma_wait3A_164 : memref<256xf32, #tpu.memory_space<hbm>>)
      tpu.yield
    }) : () -> ()
    %add3A_159 = arith.constant 256 : i32
    %add3A_160 = arith.addi %mul3A_158, %add3A_159 : i32
    "tpu.region"() ({
      %run_scoped3A = tpu.sem_alloc : memref<!tpu.dma_semaphore, #tpu.memory_space<semaphore_mem>>
      %dma_start3A = tpu.memref_slice %arg4[%add3A_160] : memref<24576xf32, #tpu.memory_space<hbm>> -> memref<256xf32, #tpu.memory_space<hbm>>
      %dma_start3A_163 = tpu.memref_slice %arg4[%add3A_160] : memref<24576xf32, #tpu.memory_space<hbm>> -> memref<256xf32, #tpu.memory_space<hbm>>
      tpu.enqueue_dma source(%arg8 : memref<256xf32, #tpu.memory_space<vmem>>) target(%dma_start3A_163 : memref<256xf32, #tpu.memory_space<hbm>>) target_semaphore(%run_scoped3A : memref<!tpu.dma_semaphore, #tpu.memory_space<semaphore_mem>>)
      %dma_wait3A = tpu.memref_slice %arg4[%add3A_160] : memref<24576xf32, #tpu.memory_space<hbm>> -> memref<256xf32, #tpu.memory_space<hbm>>
      %dma_wait3A_164 = tpu.memref_slice %arg4[%add3A_160] : memref<24576xf32, #tpu.memory_space<hbm>> -> memref<256xf32, #tpu.memory_space<hbm>>
      tpu.wait_dma2 semaphore(%run_scoped3A : memref<!tpu.dma_semaphore, #tpu.memory_space<semaphore_mem>>) src(%arg8 : memref<256xf32, #tpu.memory_space<vmem>>) dst(%dma_wait3A_164 : memref<256xf32, #tpu.memory_space<hbm>>)
      tpu.yield
    }) : () -> ()
    %add3A_161 = arith.constant 512 : i32
    %add3A_162 = arith.addi %mul3A_158, %add3A_161 : i32
    "tpu.region"() ({
      %run_scoped3A = tpu.sem_alloc : memref<!tpu.dma_semaphore, #tpu.memory_space<semaphore_mem>>
      %dma_start3A = tpu.memref_slice %arg4[%add3A_162] : memref<24576xf32, #tpu.memory_space<hbm>> -> memref<256xf32, #tpu.memory_space<hbm>>
      %dma_start3A_163 = tpu.memref_slice %arg4[%add3A_162] : memref<24576xf32, #tpu.memory_space<hbm>> -> memref<256xf32, #tpu.memory_space<hbm>>
      tpu.enqueue_dma source(%arg9 : memref<256xf32, #tpu.memory_space<vmem>>) target(%dma_start3A_163 : memref<256xf32, #tpu.memory_space<hbm>>) target_semaphore(%run_scoped3A : memref<!tpu.dma_semaphore, #tpu.memory_space<semaphore_mem>>)
      %dma_wait3A = tpu.memref_slice %arg4[%add3A_162] : memref<24576xf32, #tpu.memory_space<hbm>> -> memref<256xf32, #tpu.memory_space<hbm>>
      %dma_wait3A_164 = tpu.memref_slice %arg4[%add3A_162] : memref<24576xf32, #tpu.memory_space<hbm>> -> memref<256xf32, #tpu.memory_space<hbm>>
      tpu.wait_dma2 semaphore(%run_scoped3A : memref<!tpu.dma_semaphore, #tpu.memory_space<semaphore_mem>>) src(%arg9 : memref<256xf32, #tpu.memory_space<vmem>>) dst(%dma_wait3A_164 : memref<256xf32, #tpu.memory_space<hbm>>)
      tpu.yield
    }) : () -> ()
    return
  }
}

</mosaic_0001>

<sc_bundles>
// kernel: kernel.3.cloned.1.call-start
scs
__scs_entry_jumppad:
0x0: {  	(pc) =	sbr.rel $0x88, $3  }
0x1: {  	(tag) =	ssettag $0x0;
	lr =	simm.s32 $0x1  }
0x2: {  	[smem:$0x3F9F] =	sst lr;
	_ =	strace $0xD0000000  }
0x3: {  	_ = 	snop  }
0x4: {  	_ = 	snop  }
0x5: {  	_ = 	snop  }
0x6: {  	_ = 	snop  }
0x7: {  	_ = 	snop  }
__scs_overlays_trampoline_lowered:
0x8: {  	[smem:$0x3FAE] =	sst s0  }
0x9: {  	[smem:$0x3FAF] =	sst s1  }
0xa: {  	[smem:$0x3FB0] =	sst s2  }
0xb: {  	[smem:$0x3FB1] =	sst s3  }
0xc: {  	[smem:$0x3FB2] =	sst s4  }
0xd: {  	[smem:$0x3FB3] =	sst s5  }
0xe: {  	[smem:$0x3FB4] =	sst s6  }
0xf: {  	[smem:$0x3FB5] =	sst s7  }
0x10: {  	[smem:$0x3FB6] =	sst s8  }
0x11: {  	[smem:$0x3FB7] =	sst s9;
	s0 =	simm.s32 @!p0 $0x0  }
0x12: {  	s1 =	sld [smem:$0x3F9D];
	s0 =	simm.s32 @p0 $0x1  }
0x13: {  	[smem:$0x3FB8] =	sst s0;
	s0 =	simm.s32 @!p1 $0x0  }
0x14: {  	s2 =	sld [smem:$0x3F9C];
	s0 =	simm.s32 @p1 $0x1  }
0x15: {  	[smem:$0x3FB9] =	sst s0;
	s0 =	simm.s32 @!p2 $0x0  }
0x16: {  	s3 =	sld [smem:$0x3FDB];
	s0 =	simm.s32 @p2 $0x1  }
0x17: {  	s4 =	simm.s32 $0x1BF5;
	[smem:$0x3FBB] =	sst s0  }
0x18: {  	s0 =	sld [smem:$0x3F9E];
	_ =	swait.ge [sflag:s4], $0x0  }
0x19: {  	s7 =	sld [smem:$0x3F9F]  }
0x1a: {  	s8 =	sadd.s32 $0xFFFFE003, lr  }
0x1b: {  	s9 =	sadd.s32 $0xFFFFFEF7, lr;
	s5 =	simm.s32 $0xFFFFFFFF;
	p2 =	slt.u32 s8, $0xFFFFF086  }
0x1c: {  	p1 =	slt.u32 s9, $0xF7A;
	s5 =	simm.s32 @!p2 $0x0  }
0x1d: {  	s5 =	simm.s32 @p1 $0x1;
	p0 =	seq.s32 s7, s2  }
0x1e: {  	s7 =	smul.u32 @!p0 $0xF7A, s2;
	p2 =	seq.s32 @!p0 s5, $0x0  }
0x1f: {  	s9 =	smul.u32 $0xF7A, s1;
	s8 =	simm.s32 @!p0 $0x1BF5;
	p2 =	por !p2, p0  }
0x20: {  	[sflag:s8] =	ssyncset.s32 @!p0 $0xFFFFF086;
	s6 =	sadd.s32 @!p0 s3, s7;
	s7 =	simm.s32 @!p0 $0x108  }
0x21: {  	s3 =	sadd.s32 s3, s9;
	s6 =	sadd.s32 @!p0 $0x88, s6;
	s7 =	simm.s32 @p2 $0x1082  }
0x22: {  	[simem:s7], [sflag:s8] =	dma.local @!p0 [hbm:s6], $0xF7A  }
0x23: {  	s9 =	sor.u32 $0xD0000000, s2;
	s6 =	simm.s32 $0x108;
	_ =	swait.ge @!p0 [sflag:s8], $0x0  }
0x24: {  	s3 =	sadd.s32 $0x88, s3;
	s6 =	simm.s32 @!p1 $0x1082;
	[sflag:s4] =	ssyncset.s32 $0xFFFFF086  }
0x25: {  	[simem:s6], [sflag:s4] =	dma.local [hbm:s3], $0xF7A  }
0x26: {  	[smem:$0x3F9F] =	sst s1;
	(tag) =	ssettag s2;
	_ =	strace s9  }
0x27: {  	s1 =	sld [smem:$0x3FAF]  }
0x28: {  	s2 =	sld [smem:$0x3FB0]  }
0x29: {  	s4 =	sld [smem:$0x3FB2]  }
0x2a: {  	p0 =	seq.s32 s5, $0x0;
	s5 =	sld [smem:$0x3FB3]  }
0x2b: {  	s6 =	sld [smem:$0x3FB4]  }
0x2c: {  	s7 =	sld [smem:$0x3FB5]  }
0x2d: {  	s3 =	simm.s32 $0x108;
	s8 =	sld [smem:$0x3FB6]  }
0x2e: {  	s3 =	simm.s32 @!p0 $0x1082;
	s9 =	sld [smem:$0x3FB7]  }
0x2f: {  	lr =	sadd.s32 s0, s3;
	s0 =	sld [smem:$0x3FAE]  }
0x30: {  	s3 =	sld [smem:$0x3FB1]  }
0x31: {  	[smem:$0x3FBA] =	sst s10  }
0x32: {  	s10 =	sld [smem:$0x3FB8];
	_ =	sdelay $0x3  }
0x33: {  	p0 =	seq.s32 s10, $0x1;
	s10 =	sld [smem:$0x3FBA];
	_ =	sdelay $0x3  }
0x34: {  	[smem:$0x3FBA] =	sst s10  }
0x35: {  	s10 =	sld [smem:$0x3FB9];
	_ =	sdelay $0x3  }
0x36: {  	p1 =	seq.s32 s10, $0x1;
	s10 =	sld [smem:$0x3FBA];
	_ =	sdelay $0x3  }
0x37: {  	[smem:$0x3FBA] =	sst s10  }
0x38: {  	s10 =	sld [smem:$0x3FBB]  }
0x39: {  	_ = 	snop;
	(pc) =	sbr.ind lr, $3  }
0x3a: {  	_ = 	snop  }
0x3b: {  	_ = 	snop  }
0x3c: {  	p2 =	seq.s32 s10, $0x1;
	s10 =	sld [smem:$0x3FBA]  }
0x3d: {  	_ =	shalt  }
0x3e: {  	_ =	shalt  }
0x3f: {  	_ =	shalt  }
0x40: {  	_ =	shalt  }
0x41: {  	_ =	shalt  }
0x42: {  	_ =	shalt  }
0x43: {  	_ =	shalt  }
0x44: {  	_ =	shalt  }
0x45: {  	_ =	shalt  }
0x46: {  	_ =	shalt  }
0x47: {  	_ =	shalt  }
0x48: {  	_ =	shalt  }
0x49: {  	_ =	shalt  }
0x4a: {  	_ =	shalt  }
0x4b: {  	_ =	shalt  }
0x4c: {  	_ =	shalt  }
0x4d: {  	_ =	shalt  }
0x4e: {  	_ =	shalt  }
0x4f: {  	_ =	shalt  }
0x50: {  	_ =	shalt  }
0x51: {  	_ =	shalt  }
0x52: {  	_ =	shalt  }
0x53: {  	_ =	shalt  }
0x54: {  	_ =	shalt  }
0x55: {  	_ =	shalt  }
0x56: {  	_ =	shalt  }
0x57: {  	_ =	shalt  }
0x58: {  	_ =	shalt  }
0x59: {  	_ =	shalt  }
0x5a: {  	_ =	shalt  }
0x5b: {  	_ =	shalt  }
0x5c: {  	_ =	shalt  }
0x5d: {  	_ =	shalt  }
0x5e: {  	_ =	shalt  }
0x5f: {  	_ =	shalt  }
0x60: {  	_ =	shalt  }
0x61: {  	_ =	shalt  }
0x62: {  	_ =	shalt  }
0x63: {  	_ =	shalt  }
0x64: {  	_ =	shalt  }
0x65: {  	_ =	shalt  }
0x66: {  	_ =	shalt  }
0x67: {  	_ =	shalt  }
0x68: {  	_ =	shalt  }
0x69: {  	_ =	shalt  }
0x6a: {  	_ =	shalt  }
0x6b: {  	_ =	shalt  }
0x6c: {  	_ =	shalt  }
0x6d: {  	_ =	shalt  }
0x6e: {  	_ =	shalt  }
0x6f: {  	_ =	shalt  }
0x70: {  	_ =	shalt  }
0x71: {  	_ =	shalt  }
0x72: {  	_ =	shalt  }
0x73: {  	_ =	shalt  }
0x74: {  	_ =	shalt  }
0x75: {  	_ =	shalt  }
0x76: {  	_ =	shalt  }
0x77: {  	_ =	shalt  }
0x78: {  	_ =	shalt  }
0x79: {  	_ =	shalt  }
0x7a: {  	_ =	shalt  }
0x7b: {  	_ =	shalt  }
0x7c: {  	_ =	shalt  }
0x7d: {  	_ =	shalt  }
0x7e: {  	_ =	shalt  }
0x7f: {  	_ =	shalt  }
0x80: {  	_ =	shalt  }
0x81: {  	_ =	shalt  }
0x82: {  	_ =	shalt  }
0x83: {  	_ =	shalt  }
0x84: {  	_ =	shalt  }
0x85: {  	_ =	shalt  }
0x86: {  	_ =	shalt  }
0x87: {  	_ =	shalt  }
.Lfunc_end0:
.L_simem_size_0:
called_computation_lowered:
.L_overlay_start_0:
0x88: {  	s2 =	sld [smem:$0x3FD9]  }
0x89: {  	s3 =	sld [smem:$0x3FFE];
	_ =	sdelay $0x1  }
0x8a: {  	s1 =	srdreg.scid  }
0x8b: {  	s0 =	sand.u32 $0x1, s1  }
0x8c: {  	s17 =	sshll.u32 s0, $0xA;
	s2 =	sadd.s32 s3, s2  }
0x8d: {  	s2 =	sadd.s32 s2, s17  }
0x8e: {  	[smem:$0x3FC6] =	sst s2  }
0x8f: {  	_ = 	snop  }
0x90: {  	s2 =	sld [smem:$0x3FC8];
	(tm) =	ssettm $0x1  }
0x91: {  	s18 =	sld [smem:$0x3FFB];
	_ =	sdelay $0x3  }
0x92: {  	_ =	strace s18  }
0x93: {  	s3 =	sld [smem:$0x3FFC];
	_ =	sdelay $0x3  }
0x94: {  	_ =	strace s3  }
0x95: {  	s3 =	sld [smem:$0x3FFD];
	_ =	sdelay $0x3  }
0x96: {  	_ =	strace s3  }
0x97: {  	_ =	strace $0x8FFFFFFF  }
0x98: {  	s19 =	sld [smem:$0x3FDB];
	_ =	sdelay $0x1  }
0x99: {  	s4 =	simm.s32 $_scs_section_size  }
0x9a: {  	s5 =	simm.s32 $_size__tile_overlayer_lowered;
	s6 =	simm.s32 $_tile_overlayer_lowered  }
0x9b: {  	s22 =	simm.s32 $0x1BFF;
	s21 =	sshll.u32 s6, $0x1;
	s3 =	sadd.s32 s4, s19  }
0x9c: {  	s7 =	simm.s32 $0x0;
	s20 =	sshll.u32 s5, $0x1;
	s5 =	sadd.s32 s21, s3  }
0x9d: {  	[timem:s7], [sflag:s22] =	dma.local [hbm:s5], s20  }
0x9e: {  	_ =	swait.ge [sflag:s22], s20  }
0x9f: {  	s4 =	ssub.s32 $0x0, s20;
	[sflag:s22] =	ssyncset.done $0x0  }
0xa0: {  	[sflag:s22] =	ssyncadd.s32 s4;
	_ =	sdelay $0x1  }
0xa1: {  	s23 =	simm.s32 $0x1B8B  }
0xa2: {  	_ =	swait.ge [sflag:s23], $0x1  }
0xa3: {  	[sflag:s23] =	ssyncset.done $0x0  }
0xa4: {  	s25 =	simm.s32 $0x1B8E;
	s24 =	sld [smem:$0x3FFE];
	[sflag:s23] =	ssyncadd.s32 $0xFFFFFFFF  }
0xa5: {  	s26 =	simm.s32 $execute0_lowered;
	[smem:$0x3FD2] =	sst s25  }
0xa6: {  	s5 =	sshll.u32 s26, $0x1;
	_ =	strace $0x80000046;
	[dreg:$0x1] =	wrdreg $0xFFFFFFFF  }
0xa7: {  	s28 =	simm.s32 $_size_execute0_lowered;
	s3 =	sadd.s32 s3, s5;
	[dreg:$0x0] =	wrdreg $0x0  }
0xa8: {  	s5 =	sshll.u32 s28, $0x1;
	[dreg:$0x2] =	wrdreg s3  }
0xa9: {  	[dreg:$0x3] =	wrdreg s5  }
0xaa: {  	[dreg:$0x4] =	wrdreg $0xC0  }
0xab: {  	_ =	task [dreg:s7], $0x5FFFF  }
0xac: {  	[dreg:$0x1] =	wrdreg $0xFFFFFFFF  }
0xad: {  	[dreg:$0x0] =	wrdreg $0x60  }
0xae: {  	[dreg:$0x2] =	wrdreg s24  }
0xaf: {  	[dreg:$0x3] =	wrdreg s2  }
0xb0: {  	[dreg:$0x4] =	wrdreg $0x9  }
0xb1: {  	_ =	task.clear_ibuf [dreg:s7], $0x5FFFF;
	_ =	strace $0x90000046  }
0xb2: {  	s29 =	simm.s32 $0x9;
	_ =	strace $0x80000048  }
0xb3: {  	_ =	swait.ge [sflag:s29], $0x1  }
0xb4: {  	[sflag:s29] =	ssyncadd.s32 $0xFFFFFFFF  }
0xb5: {  	_ =	strace $0x90000048  }
0xb6: {  	_ =	sfence  }
0xb7: {  	s30 =	sld [smem:$0x0];
	_ =	sdelay $0x2  }
0xb8: {  	s31 =	sshll.u32 s1, $0xD;
	s1 =	sshrl.u32 s1, $0x2  }
0xb9: {  	s3 =	sand.u32 $0x4000, s31;
	s1 =	sadd.s32 s1, s30  }
0xba: {  	s0 =	sor.u32 s3, s0;
	s1 =	sshll.u32 s1, $0x11  }
0xbb: {  	s0 =	sor.u32 s1, s0  }
0xbc: {  	s0 =	sadd.s32 $0x8F2B, s0  }
0xbd: {  	[sflag:s0] =	ssyncadd.remote.s32 $0x1  }
0xbe: {  	_ =	sfence.sel $0xFFFF  }
0xbf: {  	[dreg:$0x0] =	wrdreg $0xFFFFFFFF;
	(pc) =	sbr.abs _section_cstart, $3  }
0xc0: {  	[dreg:$0x1] =	wrdreg $0xFFFFFFFF  }
0xc1: {  	_ =	task.clear_ibuf [dreg:s7], $0x2FFFF;
	_ =	strace $0x9FFFFFFF  }
0xc2: {  	(tm) =	ssettm $0x7FFFFFFF  }
0xc3: {  	_ =	shalt  }
tec
execute0_lowered:
.L_overlay_start_1:
0x0: {  	(tag) =	ssettag $0x1  }
0x1: {  	v57 =	vlaneseq.u32  }
0x2: {  	v61 =	vmul.u32 $0x64, v57;
	_ =	sdelay $0x1  }
0x3: {  	v0 =	vadd.s32 $0x10, v61  }
0x4: {  	v49 =	vadd.s32 $0x14, v61;
	[tilespmem:$0x1FC40] =	vst v0  }
0x5: {  	v50 =	vadd.s32 $0x18, v61;
	[tilespmem:$0x1FC50] =	vst v49  }
0x6: {  	v51 =	vadd.s32 $0x19, v61;
	[tilespmem:$0x1FC60] =	vst v50  }
0x7: {  	v52 =	vadd.s32 $0x1C, v61;
	[tilespmem:$0x1FC70] =	vst v51  }
0x8: {  	v53 =	vadd.s32 $0x1D, v61;
	[tilespmem:$0x1FC80] =	vst v52  }
0x9: {  	v55 =	vadd.s32 $0x1E, v61;
	[tilespmem:$0x1FC90] =	vst v53  }
0xa: {  	v4 =	vadd.s32 $0x20, v61;
	[tilespmem:$0x1FCA0] =	vst v55  }
0xb: {  	v5 =	vadd.s32 $0x21, v61;
	[tilespmem:$0x1FCB0] =	vst v4  }
0xc: {  	v6 =	vadd.s32 $0x22, v61;
	[tilespmem:$0x1FCC0] =	vst v5  }
0xd: {  	v7 =	vadd.s32 $0x24, v61;
	[tilespmem:$0x1FCD0] =	vst v6  }
0xe: {  	v39 =	vadd.s32 $0x25, v61;
	[tilespmem:$0x1FCE0] =	vst v7  }
0xf: {  	v40 =	vadd.s32 $0x27, v61;
	[tilespmem:$0x1FCF0] =	vst v39  }
0x10: {  	s6 =	rddreg [dreg:$0x0];
	v41 =	vadd.s32 $0x28, v61;
	[tilespmem:$0x1FD00] =	vst v40  }
0x11: {  	s2 =	rddreg [dreg:$0x1];
	s3 =	simm.s32 $0x0;
	v42 =	vadd.s32 $0x29, v61;
	[tilespmem:$0x1FD10] =	vst v41  }
0x12: {  	s1 =	srdreg.scid;
	[smem:$0x7FF] =	sst s3;
	v43 =	vadd.s32 $0x2C, v61;
	[tilespmem:$0x1FD20] =	vst v42  }
0x13: {  	s4 =	sand.u32 $0x1, s1;
	s1 =	rddreg [dreg:$0x2];
	v44 =	vadd.s32 $0x2D, v61;
	_ =	strace $0x80000047;
	[tilespmem:$0x1FD30] =	vst v43  }
0x14: {  	v45 =	vadd.s32 $0x30, v61;
	[tilespmem:$0x1FD40] =	vst v44  }
0x15: {  	v46 =	vadd.s32 $0x31, v61;
	[tilespmem:$0x1FD50] =	vst v45  }
0x16: {  	v47 =	vadd.s32 $0x34, v61;
	[tilespmem:$0x1FD60] =	vst v46  }
0x17: {  	v48 =	vadd.s32 $0x35, v61;
	[tilespmem:$0x1FD70] =	vst v47  }
0x18: {  	v49 =	vadd.s32 $0x38, v61;
	[tilespmem:$0x1FD80] =	vst v48  }
0x19: {  	v50 =	vadd.s32 $0x39, v61;
	[tilespmem:$0x1FD90] =	vst v49  }
0x1a: {  	v51 =	vadd.s32 $0x3C, v61;
	[tilespmem:$0x1FDA0] =	vst v50  }
0x1b: {  	v52 =	vadd.s32 $0x3D, v61;
	[tilespmem:$0x1FDB0] =	vst v51  }
0x1c: {  	v11 =	vadd.s32 $0x3A, v61;
	[tilespmem:$0x1FDC0] =	vst v52  }
0x1d: {  	v12 =	vadd.s32 $0x3B, v61;
	[tilespmem:$0x1FDD0] =	vst v11  }
0x1e: {  	v13 =	vadd.s32 $0x36, v61;
	[tilespmem:$0x1FDE0] =	vst v12  }
0x1f: {  	v14 =	vadd.s32 $0x37, v61;
	[tilespmem:$0x1FDF0] =	vst v13  }
0x20: {  	v15 =	vadd.s32 $0x32, v61;
	[tilespmem:$0x1FE00] =	vst v14  }
0x21: {  	v16 =	vadd.s32 $0x33, v61;
	[tilespmem:$0x1FE10] =	vst v15  }
0x22: {  	v17 =	vadd.s32 $0x2E, v61;
	[tilespmem:$0x1FE20] =	vst v16  }
0x23: {  	v18 =	vadd.s32 $0x2F, v61;
	[tilespmem:$0x1FE30] =	vst v17  }
0x24: {  	v19 =	vadd.s32 $0x2A, v61;
	[tilespmem:$0x1FE40] =	vst v18  }
0x25: {  	v20 =	vadd.s32 $0x2B, v61;
	[tilespmem:$0x1FE50] =	vst v19  }
0x26: {  	v21 =	vadd.s32 $0x1A, v61;
	[tilespmem:$0x1FE60] =	vst v20  }
0x27: {  	v22 =	vadd.s32 $0x1B, v61;
	[tilespmem:$0x1FE70] =	vst v21  }
0x28: {  	v23 =	vadd.s32 $0x17, v61;
	[tilespmem:$0x1FE80] =	vst v22  }
0x29: {  	v24 =	vadd.s32 $0x12, v61;
	[tilespmem:$0x1FE90] =	vst v23  }
0x2a: {  	v25 =	vadd.s32 $0x13, v61;
	[tilespmem:$0x1FEA0] =	vst v24  }
0x2b: {  	v26 =	vadd.s32 $0xF, v61;
	[tilespmem:$0x1FEB0] =	vst v25  }
0x2c: {  	v27 =	vadd.s32 $0xA, v61;
	[tilespmem:$0x1FEC0] =	vst v26  }
0x2d: {  	v28 =	vadd.s32 $0xC, v61;
	[tilespmem:$0x1FED0] =	vst v27  }
0x2e: {  	v29 =	vadd.s32 $0xB, v61;
	[tilespmem:$0x1FEE0] =	vst v28  }
0x2f: {  	v30 =	vadd.s32 $0x6, v61;
	[tilespmem:$0x1FEF0] =	vst v29  }
0x30: {  	v31 =	vadd.s32 $0x8, v61;
	[tilespmem:$0x1FF00] =	vst v30  }
0x31: {  	v53 =	vadd.s32 $0x23, v61;
	[tilespmem:$0x1FF10] =	vst v31  }
0x32: {  	v32 =	vadd.s32 $0x7, v61;
	[tilespmem:$0x1FF20] =	vst v53  }
0x33: {  	v33 =	vadd.s32 $0x4, v61;
	[tilespmem:$0x1FF30] =	vst v32  }
0x34: {  	v34 =	vor.u32 $0x3, v61;
	[tilespmem:$0x1FF40] =	vst v33  }
0x35: {  	v37 =	vadd.s32 $0x1F, v61;
	[tilespmem:$0x1FF50] =	vst v34  }
0x36: {  	s0 =	stileid.u32;
	v55 =	vadd.s32 $0x26, v61;
	[tilespmem:$0x1FF60] =	vst v37  }
0x37: {  	s5 =	sshll.u32 s0, $0x1;
	v35 =	vor.u32 $0x2, v61;
	[tilespmem:$0x1FF70] =	vst v55  }
0x38: {  	s12 =	simm.s32 $0x2;
	s13 =	simm.s32 $0x9E80;
	s5 =	sor.u32 s4, s5;
	v36 =	vadd.s32 $0x5, v61;
	[tilespmem:$0x1FF80] =	vst v35  }
0x39: {  	s14 =	simm.s32 $0x9F80;
	s15 =	simm.s32 $0xA080;
	v54 =	vadd.s32 $0xE, v61;
	s8 =	smul.u32 $0x300, s5;
	[tilespmem:$0x1FF90] =	vst v36  }
0x3a: {  	s16 =	simm.s32 $0x3;
	s7 =	ssub.s32 $0x2, s4;
	v38 =	vadd.s32 $0x9, v61;
	s10 =	smul.u32 $0x9C4, s5;
	[tilespmem:$0x1FFA0] =	vst v54  }
.Ltmp0:
0x3b: {  	s17 =	simm.s32 $0x0;
	v56 =	vadd.s32 $0xD, v61;
	s9 =	sshrl.u32 s7, $0x1;
	[tilespmem:$0x1FFB0] =	vst v38;
	(pc) =	sbr.rel .LBB2_1-.Ltmp0, $4  }
0x3c: {  	s4 =	sadd.s32 $0xF42400, s6;
	v58 =	vadd.s32 $0x11, v61;
	s11 =	ssub.s32 s7, s9;
	s30 =	sshrl.u32 s8, $0x3;
	[tilespmem:$0x1FFC0] =	vst v56  }
0x3d: {  	v59 =	vadd.s32 $0x16, v61;
	s5 =	sshrl.u32 s10, $0x5;
	s31 =	sadd.s32 $0x9C4, s10;
	s10 =	smax.u32 s11, $0x1;
	[tilespmem:$0x1FFD0] =	vst v58  }
0x3e: {  	v60 =	vadd.s32 $0x15, v61;
	s11 =	simm.s32 $0x1;
	[tilespmem:$0x1FFE0] =	vst v59;
	s6 =	sadd.s32 s6, s30;
	s7 =	sshrl.u32 s31, $0x5  }
0x3f: {  	v62 =	vimm.f32 $0.0e+00;
	v63 =	vor.u32 $0x1, v61;
	[tilespmem:$0x1FFF0] =	vst v60;
	s8 =	sadd.s32 $0x20, s6;
	s9 =	sadd.s32 $0x40, s6;
	p0 =	sge.u32 s5, s7  }
.LBB2_5:
0x40: {  	[hbm4b:s6+s3] =	stream.linear.scatter [tilespmem:s13], [sflag:$0x3], $0x100, $0x38;
	[tilespmem:$0xA180] =	vst v63  }
0x41: {  	_ =	swait.ge [sflag:s16], $0x100  }
0x42: {  	[sflag:s16] =	ssyncset.done $0x0  }
0x43: {  	[sflag:s16] =	ssyncadd.s32 $0xFFFFFF00  }
0x44: {  	[hbm4b:s8+s3] =	stream.linear.scatter [tilespmem:s14], [sflag:$0x3], $0x100, $0x38;
	[tilespmem:$0xA180] =	vst v63  }
0x45: {  	s17 =	sadd.s32 $0x1, s17;
	_ =	swait.ge [sflag:s16], $0x100  }
0x46: {  	p1 =	sne.s32 s17, s10;
	[sflag:s16] =	ssyncset.done $0x0  }
.Ltmp1:
0x47: {  	[sflag:s16] =	ssyncadd.s32 $0xFFFFFF00;
	(pc) =	sbr.rel @!p1 .LBB2_6-.Ltmp1, $4  }
0x48: {  	[hbm4b:s9+s3] =	stream.linear.scatter [tilespmem:s15], [sflag:$0x3], $0x100, $0x38;
	[tilespmem:$0xA180] =	vst v63  }
0x49: {  	_ =	swait.ge [sflag:s16], $0x100  }
0x4a: {  	[sflag:s16] =	ssyncset.done $0x0  }
0x4b: {  	[sflag:s16] =	ssyncadd.s32 $0xFFFFFF00  }
.LBB2_1:
0x4c: {  	[tilespmem:$0x9E80] =	vst v62  }
0x4d: {  	[tilespmem:$0x9E90] =	vst v62  }
0x4e: {  	[tilespmem:$0x9EA0] =	vst v62  }
0x4f: {  	[tilespmem:$0x9EB0] =	vst v62  }
0x50: {  	[tilespmem:$0x9EC0] =	vst v62  }
0x51: {  	[tilespmem:$0x9ED0] =	vst v62  }
0x52: {  	[tilespmem:$0x9EE0] =	vst v62  }
0x53: {  	[tilespmem:$0x9EF0] =	vst v62  }
0x54: {  	[tilespmem:$0x9F00] =	vst v62  }
0x55: {  	[tilespmem:$0x9F10] =	vst v62  }
0x56: {  	[tilespmem:$0x9F20] =	vst v62  }
0x57: {  	[tilespmem:$0x9F30] =	vst v62  }
0x58: {  	[tilespmem:$0x9F40] =	vst v62  }
0x59: {  	[tilespmem:$0x9F50] =	vst v62  }
0x5a: {  	[tilespmem:$0x9F60] =	vst v62  }
0x5b: {  	[tilespmem:$0x9F70] =	vst v62  }
0x5c: {  	[tilespmem:$0x9F80] =	vst v62  }
0x5d: {  	[tilespmem:$0x9F90] =	vst v62  }
0x5e: {  	[tilespmem:$0x9FA0] =	vst v62  }
0x5f: {  	[tilespmem:$0x9FB0] =	vst v62  }
0x60: {  	[tilespmem:$0x9FC0] =	vst v62  }
0x61: {  	[tilespmem:$0x9FD0] =	vst v62  }
0x62: {  	[tilespmem:$0x9FE0] =	vst v62  }
0x63: {  	[tilespmem:$0x9FF0] =	vst v62  }
0x64: {  	[tilespmem:$0xA000] =	vst v62  }
0x65: {  	[tilespmem:$0xA010] =	vst v62  }
0x66: {  	[tilespmem:$0xA020] =	vst v62  }
0x67: {  	[tilespmem:$0xA030] =	vst v62  }
0x68: {  	[tilespmem:$0xA040] =	vst v62  }
0x69: {  	[tilespmem:$0xA050] =	vst v62  }
0x6a: {  	[tilespmem:$0xA060] =	vst v62  }
0x6b: {  	[tilespmem:$0xA070] =	vst v62  }
0x6c: {  	[tilespmem:$0xA080] =	vst v62  }
0x6d: {  	[tilespmem:$0xA090] =	vst v62  }
0x6e: {  	[tilespmem:$0xA0A0] =	vst v62  }
0x6f: {  	[tilespmem:$0xA0B0] =	vst v62  }
0x70: {  	[tilespmem:$0xA0C0] =	vst v62  }
0x71: {  	[tilespmem:$0xA0D0] =	vst v62  }
0x72: {  	[tilespmem:$0xA0E0] =	vst v62  }
0x73: {  	[tilespmem:$0xA0F0] =	vst v62  }
0x74: {  	[tilespmem:$0xA100] =	vst v62  }
0x75: {  	[tilespmem:$0xA110] =	vst v62  }
0x76: {  	[tilespmem:$0xA120] =	vst v62  }
.Ltmp2:
0x77: {  	[tilespmem:$0xA130] =	vst v62;
	(pc) =	sbr.rel @p0 .LBB2_5-.Ltmp2, $4  }
0x78: {  	[tilespmem:$0xA140] =	vst v62  }
0x79: {  	[tilespmem:$0xA150] =	vst v62  }
0x7a: {  	[tilespmem:$0xA160] =	vst v62  }
0x7b: {  	[tilespmem:$0xA170] =	vst v62;
	s18 =	smov.u32 s5  }
.LBB2_2:
0x7c: {  	s19 =	smul.u32 $0x1388, s18;
	_ =	sdelay $0x1  }
0x7d: {  	s20 =	simm.s32 $0x0;
	s21 =	smul.u32 $0x32, s18;
	s19 =	sadd.s32 s4, s19  }
0x7e: {  	[tilespmem:s20], [sflag:$0x1] =	stream.linear.gather [hbm4b:s19+s20], $0x9C40, $0x38;
	[tilespmem:$0xA180] =	vst v63  }
0x7f: {  	s21 =	sadd.s32 s2, s21;
	s19 =	simm.s32 $0x9C80  }
0x80: {  	[tilespmem:s19], [sflag:$0x2] =	stream.linear.gather [hbm4b:s21+s20], $0x190, $0x38;
	[tilespmem:$0xA180] =	vst v63  }
0x81: {  	v0 =	vadd.s32 $0x61, v61;
	_ =	swait.ge [sflag:s11], $0x9C40  }
0x82: {  	v1 =	vadd.s32 $0x63, v61;
	[sflag:s11] =	ssyncset.done $0x0;
	[tilespmem:$0x1F9E0] =	vst v0;
	v0 =	vadd.s32 s20, v0  }
0x83: {  	v2 =	vadd.s32 $0x62, v61;
	[tilespmem:$0x1F9F0] =	vst v1;
	v1 =	vadd.s32 s20, v1;
	[sflag:s11] =	ssyncadd.s32 $0xFFFF63C0  }
0x84: {  	v3 =	vadd.s32 s20, v2;
	_ =	swait.ge [sflag:s12], $0x190  }
0x85: {  	v19 =	vadd.s32 s20, v19;
	[sflag:s12] =	ssyncset.done $0x0  }
0x86: {  	v20 =	vadd.s32 s20, v20;
	[tilespmem:$0x1FA00] =	vst v2;
	v2 =	vadd.s32 $0x59, v61;
	[sflag:s12] =	ssyncadd.s32 $0xFFFFFE70  }
0x87: {  	v21 =	vadd.s32 s20, v21;
	[tilespmem:$0x1FA20] =	vst v2;
	v5 =	vadd.s32 s20, v2;
	v2 =	vadd.s32 $0x5F, v61;
	v39 =	vld.idx.msk [tilespmem:v0+s3+$0x0], $0xffff  }
0x88: {  	v22 =	vadd.s32 s20, v22;
	[tilespmem:$0x1FA30] =	vst v2;
	v6 =	vadd.s32 s20, v2;
	v2 =	vld.idx.msk [tilespmem:v1+s3+$0x0], $0xffff  }
0x89: {  	v23 =	vadd.s32 s20, v23;
	v41 =	vld.idx.msk [tilespmem:v3+s3+$0x0], $0xffff  }
0x8a: {  	v24 =	vadd.s32 s20, v24;
	v19 =	vld.idx.msk [tilespmem:v19+s3+$0x0], $0xffff  }
0x8b: {  	v25 =	vadd.s32 s20, v25;
	v20 =	vld.idx.msk [tilespmem:v20+s3+$0x0], $0xffff  }
0x8c: {  	v26 =	vadd.s32 s20, v26;
	v21 =	vld.idx.msk [tilespmem:v21+s3+$0x0], $0xffff  }
0x8d: {  	v27 =	vadd.s32 s20, v27;
	v22 =	vld.idx.msk [tilespmem:v22+s3+$0x0], $0xffff  }
0x8e: {  	v28 =	vadd.s32 s20, v28;
	v23 =	vld.idx.msk [tilespmem:v23+s3+$0x0], $0xffff  }
0x8f: {  	v29 =	vadd.s32 s20, v29;
	v24 =	vld.idx.msk [tilespmem:v24+s3+$0x0], $0xffff  }
0x90: {  	v30 =	vadd.s32 s20, v30;
	v25 =	vld.idx.msk [tilespmem:v25+s3+$0x0], $0xffff  }
0x91: {  	v31 =	vadd.s32 s20, v31;
	v26 =	vld.idx.msk [tilespmem:v26+s3+$0x0], $0xffff  }
0x92: {  	v32 =	vadd.s32 s20, v32;
	v27 =	vld.idx.msk [tilespmem:v27+s3+$0x0], $0xffff  }
0x93: {  	v33 =	vadd.s32 s20, v33;
	v28 =	vld.idx.msk [tilespmem:v28+s3+$0x0], $0xffff  }
0x94: {  	v34 =	vadd.s32 s20, v34;
	v29 =	vld.idx.msk [tilespmem:v29+s3+$0x0], $0xffff  }
0x95: {  	v35 =	vadd.s32 s20, v35;
	v30 =	vld.idx.msk [tilespmem:v30+s3+$0x0], $0xffff  }
0x96: {  	v36 =	vadd.s32 s20, v36;
	v31 =	vld.idx.msk [tilespmem:v31+s3+$0x0], $0xffff  }
0x97: {  	v4 =	vadd.s32 $0x5E, v61;
	v38 =	vadd.s32 s20, v38;
	v32 =	vld.idx.msk [tilespmem:v32+s3+$0x0], $0xffff  }
0x98: {  	[tilespmem:$0x1FA10] =	vst v4;
	v4 =	vadd.s32 s20, v4;
	v33 =	vld.idx.msk [tilespmem:v33+s3+$0x0], $0xffff  }
0x99: {  	v34 =	vld.idx.msk [tilespmem:v34+s3+$0x0], $0xffff  }
0x9a: {  	v7 =	vadd.s32 $0x5A, v61;
	v35 =	vld.idx.msk [tilespmem:v35+s3+$0x0], $0xffff  }
0x9b: {  	v8 =	vadd.s32 $0x56, v61;
	v0 =	vadd.s32 s20, v7;
	v36 =	vld.idx.msk [tilespmem:v36+s3+$0x0], $0xffff  }
0x9c: {  	v3 =	vadd.s32 s20, v8;
	v38 =	vld.idx.msk [tilespmem:v38+s3+$0x0], $0xffff  }
0x9d: {  	v54 =	vadd.s32 s20, v54;
	v40 =	vld.idx.msk [tilespmem:v4+s3+$0x0], $0xffff  }
0x9e: {  	[tilespmem:$0x1FA40] =	vst v7;
	v7 =	vadd.s32 $0x5B, v61;
	v42 =	vld.idx.msk [tilespmem:v5+s3+$0x0], $0xffff  }
0x9f: {  	[tilespmem:$0x1FA60] =	vst v8;
	v1 =	vadd.s32 s20, v7;
	v43 =	vld.idx.msk [tilespmem:v6+s3+$0x0], $0xffff  }
0xa0: {  	v49 =	vadd.s32 $0x52, v61;
	v59 =	vadd.s32 s20, v59;
	[tilespmem:$0x1FA50] =	vst v7;
	v7 =	vadd.s32 $0x57, v61;
	v44 =	vld.idx.msk [tilespmem:v0+s3+$0x0], $0xffff  }
0xa1: {  	v50 =	vadd.s32 $0x4E, v61;
	[tilespmem:$0x1FA80] =	vst v49;
	v4 =	vadd.s32 s20, v7;
	v46 =	vld.idx.msk [tilespmem:v3+s3+$0x0], $0xffff  }
0xa2: {  	[tilespmem:$0x1FA70] =	vst v7;
	v7 =	vadd.s32 $0x53, v61;
	v5 =	vadd.s32 s20, v49;
	v32 =	vmax.f32 v34, v32;
	v34 =	vld.idx.msk [tilespmem:v54+s3+$0x0], $0xffff  }
0xa3: {  	v51 =	vadd.s32 $0x4A, v61;
	[tilespmem:$0x1FAA0] =	vst v50;
	v6 =	vadd.s32 s20, v7;
	v54 =	vld [tilespmem:$0x1FC70]  }
0xa4: {  	[tilespmem:$0x1FAC0] =	vst v51;
	v0 =	vadd.s32 s20, v50;
	v30 =	vmax.f32 v35, v30;
	v45 =	vld.idx.msk [tilespmem:v1+s3+$0x0], $0xffff  }
0xa5: {  	[tilespmem:$0x1FA90] =	vst v7;
	v7 =	vadd.s32 $0x4F, v61;
	v3 =	vadd.s32 s20, v51;
	v27 =	vmax.f32 v30, v27;
	v30 =	vld.idx.msk [tilespmem:v59+s3+$0x0], $0xffff  }
0xa6: {  	v52 =	vadd.s32 $0x46, v61;
	[tilespmem:$0x1FAB0] =	vst v7;
	v1 =	vadd.s32 s20, v7;
	v7 =	vadd.s32 $0x4B, v61;
	v47 =	vld.idx.msk [tilespmem:v4+s3+$0x0], $0xffff  }
0xa7: {  	[tilespmem:$0x1FAE0] =	vst v52;
	v4 =	vadd.s32 s20, v7;
	v48 =	vld.idx.msk [tilespmem:v5+s3+$0x0], $0xffff  }
0xa8: {  	[tilespmem:$0x1FAD0] =	vst v7;
	v7 =	vadd.s32 $0x47, v61;
	v5 =	vadd.s32 s20, v52;
	v49 =	vld.idx.msk [tilespmem:v6+s3+$0x0], $0xffff  }
0xa9: {  	v52 =	vadd.s32 $0x42, v61;
	[tilespmem:$0x1FAF0] =	vst v7;
	v6 =	vadd.s32 s20, v7;
	v50 =	vld.idx.msk [tilespmem:v0+s3+$0x0], $0xffff  }
0xaa: {  	[tilespmem:$0x1FB00] =	vst v52;
	v7 =	vadd.s32 s20, v52;
	v0 =	vadd.s32 $0x43, v61;
	v52 =	vld.idx.msk [tilespmem:v3+s3+$0x0], $0xffff  }
0xab: {  	v54 =	vadd.s32 s20, v54;
	v51 =	vld.idx.msk [tilespmem:v1+s3+$0x0], $0xffff;
	v1 =	vadd.s32 $0x3E, v61;
	[tilespmem:$0x1FB10] =	vst v0  }
0xac: {  	v8 =	vadd.s32 s20, v0;
	[tilespmem:$0x1FB20] =	vst v1;
	v9 =	vadd.s32 s20, v1;
	v1 =	vadd.s32 $0x3F, v61;
	v0 =	vld.idx.msk [tilespmem:v4+s3+$0x0], $0xffff  }
0xad: {  	[tilespmem:$0x1FB30] =	vst v1;
	v10 =	vadd.s32 s20, v1;
	v1 =	vld.idx.msk [tilespmem:v5+s3+$0x0], $0xffff  }
0xae: {  	v29 =	vmax.f32 v32, v29;
	v3 =	vld.idx.msk [tilespmem:v6+s3+$0x0], $0xffff  }
0xaf: {  	v13 =	vadd.s32 s20, v13;
	v26 =	vmax.f32 v29, v26;
	v4 =	vld.idx.msk [tilespmem:v7+s3+$0x0], $0xffff  }
0xb0: {  	v16 =	vadd.s32 s20, v16;
	v25 =	vmax.f32 v26, v25;
	v26 =	vld.idx.msk [tilespmem:v54+s3+$0x0], $0xffff  }
0xb1: {  	v11 =	vadd.s32 s20, v11;
	v54 =	vld [tilespmem:$0x1FCC0]  }
0xb2: {  	v14 =	vadd.s32 s20, v14;
	v5 =	vld.idx.msk [tilespmem:v8+s3+$0x0], $0xffff  }
0xb3: {  	v17 =	vadd.s32 s20, v17;
	v7 =	vld.idx.msk [tilespmem:v10+s3+$0x0], $0xffff  }
0xb4: {  	v18 =	vadd.s32 s20, v18;
	v10 =	vld.idx.msk [tilespmem:v13+s3+$0x0], $0xffff  }
0xb5: {  	v13 =	vld.idx.msk [tilespmem:v16+s3+$0x0], $0xffff;
	v16 =	vadd.s32 s20, v53;
	v53 =	vadd.s32 s20, v37  }
0xb6: {  	v8 =	vld.idx.msk [tilespmem:v11+s3+$0x0], $0xffff;
	v37 =	vadd.s32 s20, v63  }
0xb7: {  	v11 =	vld.idx.msk [tilespmem:v14+s3+$0x0], $0xffff  }
0xb8: {  	v12 =	vadd.s32 s20, v12;
	v14 =	vld.idx.msk [tilespmem:v17+s3+$0x0], $0xffff  }
0xb9: {  	v15 =	vadd.s32 s20, v15;
	v17 =	vld.idx.msk [tilespmem:v18+s3+$0x0], $0xffff  }
0xba: {  	v18 =	vld.idx.msk [tilespmem:v53+s3+$0x0], $0xffff  }
0xbb: {  	v53 =	vadd.s32 s20, v61;
	v37 =	vld.idx.msk [tilespmem:v37+s3+$0x0], $0xffff  }
0xbc: {  	v60 =	vadd.s32 s20, v60;
	v6 =	vld.idx.msk [tilespmem:v9+s3+$0x0], $0xffff  }
0xbd: {  	v9 =	vld.idx.msk [tilespmem:v12+s3+$0x0], $0xffff  }
0xbe: {  	v12 =	vld.idx.msk [tilespmem:v15+s3+$0x0], $0xffff;
	v15 =	vadd.s32 s20, v55  }
0xbf: {  	v27 =	vmax.f32 v27, v34;
	v34 =	vadd.s32 s20, v54;
	v54 =	vld [tilespmem:$0x1FD80]  }
0xc0: {  	v55 =	vld.idx.msk [tilespmem:v53+s3+$0x0], $0xffff;
	v36 =	vmax.f32 v37, v36  }
0xc1: {  	v56 =	vadd.s32 s20, v56;
	v59 =	vmax.f32 v36, v38;
	v36 =	vld.idx.msk [tilespmem:v60+s3+$0x0], $0xffff  }
0xc2: {  	v60 =	vld [tilespmem:$0x1FD00]  }
0xc3: {  	v58 =	vadd.s32 s20, v58;
	v15 =	vld.idx.msk [tilespmem:v15+s3+$0x0], $0xffff  }
0xc4: {  	v16 =	vld.idx.msk [tilespmem:v16+s3+$0x0], $0xffff  }
0xc5: {  	v33 =	vmax.f32 v55, v33;
	v55 =	vld [tilespmem:$0x1FCA0]  }
0xc6: {  	v31 =	vmax.f32 v33, v31;
	v33 =	vld.idx.msk [tilespmem:v56+s3+$0x0], $0xffff  }
0xc7: {  	v56 =	vld [tilespmem:$0x1FC90];
	v38 =	vadd.s32 s20, v60  }
0xc8: {  	v28 =	vmax.f32 v31, v28;
	v31 =	vld.idx.msk [tilespmem:v58+s3+$0x0], $0xffff  }
0xc9: {  	v58 =	vld [tilespmem:$0x1FCD0]  }
0xca: {  	v24 =	vmax.f32 v27, v24;
	v35 =	vadd.s32 s20, v55;
	v55 =	vld [tilespmem:$0x1FCF0]  }
0xcb: {  	v24 =	vmax.f32 v24, v30;
	v29 =	vmax.f32 v59, v33;
	v59 =	vld [tilespmem:$0x1FD20]  }
0xcc: {  	v21 =	vmax.f32 v24, v21;
	v24 =	vld.idx.msk [tilespmem:v38+s3+$0x0], $0xffff  }
0xcd: {  	v32 =	vadd.s32 s20, v56;
	v38 =	vld.idx.msk [tilespmem:v34+s3+$0x0], $0xffff;
	v56 =	vmax.f32 v29, v31  }
0xce: {  	v23 =	vmax.f32 v25, v23;
	v25 =	vmax.f32 v56, v36;
	v36 =	vld [tilespmem:$0x1FD60]  }
0xcf: {  	v37 =	vadd.s32 s20, v58;
	v56 =	vld [tilespmem:$0x1FDC0]  }
0xd0: {  	v27 =	vld.idx.msk [tilespmem:v35+s3+$0x0], $0xffff;
	v33 =	vadd.s32 s20, v55  }
0xd1: {  	v35 =	vld [tilespmem:$0x1FD40]  }
0xd2: {  	v55 =	vld [tilespmem:$0x1FDA0];
	v31 =	vadd.s32 s20, v59  }
0xd3: {  	v22 =	vmax.f32 v23, v22;
	v58 =	vld.idx.msk [tilespmem:v32+s3+$0x0], $0xffff  }
0xd4: {  	v18 =	vmax.f32 v22, v18;
	v60 =	vld.idx.msk [tilespmem:v37+s3+$0x0], $0xffff;
	v37 =	vmax.f32 v25, v26;
	v26 =	vadd.s32 s20, v54  }
0xd5: {  	v16 =	vmax.f32 v18, v16;
	v32 =	vadd.s32 s20, v36;
	v36 =	vadd.s32 $0x49, v61;
	v18 =	vld.idx.msk [tilespmem:v33+s3+$0x0], $0xffff  }
0xd6: {  	v59 =	vadd.s32 $0x45, v61;
	v54 =	vadd.s32 s20, v36;
	v30 =	vadd.s32 s20, v35;
	v35 =	vld [tilespmem:$0x1FC40]  }
0xd7: {  	[tilespmem:$0x1FB50] =	vst v59;
	v21 =	vmax.f32 v21, v27;
	v27 =	vadd.s32 s20, v55;
	v55 =	vadd.s32 $0x51, v61;
	v29 =	vld.idx.msk [tilespmem:v31+s3+$0x0], $0xffff  }
0xd8: {  	v22 =	vmax.f32 v37, v58;
	v37 =	vadd.s32 s20, v59;
	[tilespmem:$0x1FB80] =	vst v55;
	v59 =	vadd.s32 s20, v55;
	v55 =	vld [tilespmem:$0x1FC80]  }
0xd9: {  	v25 =	vld.idx.msk [tilespmem:v26+s3+$0x0], $0xffff  }
0xda: {  	v16 =	vmax.f32 v16, v24;
	v21 =	vmax.f32 v21, v60;
	v24 =	vld.idx.msk [tilespmem:v32+s3+$0x0], $0xffff  }
0xdb: {  	v31 =	vadd.s32 s20, v56;
	v15 =	vmax.f32 v21, v15;
	v23 =	vld.idx.msk [tilespmem:v30+s3+$0x0], $0xffff  }
0xdc: {  	v15 =	vmax.f32 v15, v19;
	v21 =	vld.idx.msk [tilespmem:v27+s3+$0x0], $0xffff  }
0xdd: {  	v14 =	vmax.f32 v15, v14;
	v15 =	vld.idx.msk [tilespmem:v54+s3+$0x0], $0xffff  }
0xde: {  	v54 =	vld [tilespmem:$0x1FC50]  }
0xdf: {  	v27 =	vld [tilespmem:$0x1FD70]  }
0xe0: {  	v16 =	vmax.f32 v16, v20;
	v58 =	vadd.s32 $0x41, v61;
	v20 =	vld.idx.msk [tilespmem:v31+s3+$0x0], $0xffff  }
0xe1: {  	v16 =	vmax.f32 v16, v17;
	v60 =	vadd.s32 s20, v58;
	v12 =	vmax.f32 v14, v12;
	v14 =	vld [tilespmem:$0x1FC60]  }
0xe2: {  	v13 =	vmax.f32 v16, v13;
	v22 =	vmax.f32 v22, v38;
	v38 =	vadd.s32 $0x4D, v61;
	v17 =	vld.idx.msk [tilespmem:v37+s3+$0x0], $0xffff  }
0xe3: {  	v11 =	vmax.f32 v13, v11;
	v56 =	vadd.s32 s20, v38;
	v13 =	vld.idx.msk [tilespmem:v59+s3+$0x0], $0xffff  }
0xe4: {  	[tilespmem:$0x1FB60] =	vst v36;
	v18 =	vmax.f32 v22, v18;
	v36 =	vadd.s32 s20, v35;
	v59 =	vld [tilespmem:$0x1FCE0]  }
0xe5: {  	v18 =	vmax.f32 v18, v29;
	v29 =	vld [tilespmem:$0x1FDB0]  }
0xe6: {  	[tilespmem:$0x1FB40] =	vst v58;
	v58 =	vadd.s32 $0x55, v61;
	v19 =	vld.idx.msk [tilespmem:v60+s3+$0x0], $0xffff;
	v14 =	vadd.s32 s20, v14  }
0xe7: {  	[tilespmem:$0x1FB90] =	vst v58;
	v60 =	vadd.s32 s20, v58;
	v58 =	vld [tilespmem:$0x1FCB0];
	v16 =	vmax.f32 v18, v23  }
0xe8: {  	v18 =	vld.idx.msk [tilespmem:v56+s3+$0x0], $0xffff;
	v16 =	vmax.f32 v16, v24  }
0xe9: {  	v56 =	vmax.f32 v16, v25;
	v16 =	vld.idx.msk [tilespmem:v36+s3+$0x0], $0xffff  }
0xea: {  	v9 =	vmax.f32 v11, v9;
	v10 =	vmax.f32 v12, v10;
	v25 =	vld [tilespmem:$0x1FD10]  }
0xeb: {  	v7 =	vmax.f32 v9, v7;
	v8 =	vmax.f32 v10, v8;
	v23 =	vadd.s32 s20, v54;
	v26 =	vld.idx.msk [tilespmem:v14+s3+$0x0], $0xffff  }
0xec: {  	v37 =	vadd.s32 $0x5D, v61;
	v22 =	vadd.s32 s20, v55;
	v6 =	vmax.f32 v8, v6;
	v14 =	vld [tilespmem:$0x1FD30]  }
0xed: {  	[tilespmem:$0x1FB70] =	vst v38;
	v5 =	vmax.f32 v7, v5;
	v38 =	vadd.s32 s20, v37;
	v4 =	vmax.f32 v6, v4;
	v6 =	vld [tilespmem:$0x1FD50]  }
0xee: {  	v3 =	vmax.f32 v5, v3;
	v12 =	vld.idx.msk [tilespmem:v60+s3+$0x0], $0xffff;
	v24 =	vadd.s32 s20, v58  }
0xef: {  	v0 =	vmax.f32 v3, v0;
	v10 =	vadd.s32 s20, v59;
	v3 =	vmax.f32 v28, v16;
	v16 =	vld [tilespmem:$0x1FD90]  }
0xf0: {  	v11 =	vmax.f32 v56, v21;
	v60 =	vld.idx.msk [tilespmem:v23+s3+$0x0], $0xffff;
	v21 =	vadd.s32 s20, v25  }
0xf1: {  	v5 =	vld.idx.msk [tilespmem:v22+s3+$0x0], $0xffff;
	v14 =	vadd.s32 s20, v14  }
0xf2: {  	v33 =	vadd.s32 $0x48, v61;
	v9 =	vld.idx.msk [tilespmem:v38+s3+$0x0], $0xffff;
	v7 =	vmax.f32 v11, v20;
	v6 =	vadd.s32 s20, v6  }
0xf3: {  	v4 =	vmax.f32 v4, v1;
	v7 =	vmax.f32 v7, v19;
	v19 =	vadd.s32 s20, v27;
	v1 =	vld.idx.msk [tilespmem:v24+s3+$0x0], $0xffff  }
0xf4: {  	v34 =	vadd.s32 s20, v33;
	v10 =	vld.idx.msk [tilespmem:v10+s3+$0x0], $0xffff;
	v16 =	vadd.s32 s20, v16  }
0xf5: {  	v30 =	vadd.s32 $0x40, v61;
	v20 =	vadd.s32 s20, v29;
	v3 =	vmax.f32 v3, v60;
	v28 =	vld.idx.msk [tilespmem:v21+s3+$0x0], $0xffff  }
0xf6: {  	v32 =	vadd.s32 $0x44, v61;
	v3 =	vmax.f32 v3, v26;
	v31 =	vld.idx.msk [tilespmem:v14+s3+$0x0], $0xffff;
	v14 =	vadd.s32 s20, v30  }
0xf7: {  	v35 =	vadd.s32 $0x4C, v61;
	v3 =	vmax.f32 v3, v5;
	v5 =	vld.idx.msk [tilespmem:v6+s3+$0x0], $0xffff;
	v6 =	vadd.s32 s20, v32  }
0xf8: {  	v0 =	vmax.f32 v0, v51;
	[tilespmem:$0x1FBA0] =	vst v37;
	v37 =	vadd.s32 $0x50, v61;
	v1 =	vmax.f32 v3, v1;
	v3 =	vld.idx.msk [tilespmem:v19+s3+$0x0], $0xffff  }
0xf9: {  	v0 =	vmax.f32 v0, v49;
	v1 =	vmax.f32 v1, v10;
	v36 =	vld.idx.msk [tilespmem:v16+s3+$0x0], $0xffff;
	v16 =	vadd.s32 s20, v35  }
0xfa: {  	v20 =	vld.idx.msk [tilespmem:v20+s3+$0x0], $0xffff;
	v21 =	vadd.s32 s20, v37;
	v8 =	vmax.f32 v1, v28;
	v1 =	vadd.s32 $0x54, v61  }
0xfb: {  	[tilespmem:$0x1FC00] =	vst v1;
	v8 =	vmax.f32 v8, v31;
	v38 =	vld.idx.msk [tilespmem:v14+s3+$0x0], $0xffff;
	v14 =	vadd.s32 s20, v1;
	v1 =	vadd.s32 $0x58, v61  }
0xfc: {  	v6 =	vld.idx.msk [tilespmem:v6+s3+$0x0], $0xffff;
	v5 =	vmax.f32 v8, v5;
	[tilespmem:$0x1FC10] =	vst v1;
	v54 =	vadd.s32 s20, v1;
	v1 =	vadd.s32 $0x5C, v61  }
0xfd: {  	v3 =	vmax.f32 v5, v3;
	v5 =	vld.idx.msk [tilespmem:v34+s3+$0x0], $0xffff;
	[tilespmem:$0x1FC20] =	vst v1;
	v55 =	vadd.s32 s20, v1;
	v1 =	vadd.s32 $0x60, v61  }
0xfe: {  	v0 =	vmax.f32 v0, v47;
	v56 =	vld.idx.msk [tilespmem:v16+s3+$0x0], $0xffff;
	v3 =	vmax.f32 v3, v36;
	v16 =	vadd.s32 s20, v1  }
0xff: {  	v0 =	vmax.f32 v0, v45;
	v7 =	vmax.f32 v7, v17;
	v17 =	vld.idx.msk [tilespmem:v21+s3+$0x0], $0xffff;
	v3 =	vmax.f32 v3, v20  }
0x100: {  	v0 =	vmax.f32 v0, v43;
	v3 =	vmax.f32 v3, v38;
	v58 =	vld.idx.msk [tilespmem:v14+s3+$0x0], $0xffff  }
0x101: {  	v0 =	vmax.f32 v0, v2;
	v3 =	vmax.f32 v3, v6;
	v6 =	vld.idx.msk [tilespmem:v54+s3+$0x0], $0xffff  }
0x102: {  	v4 =	vmax.f32 v4, v52;
	v7 =	vmax.f32 v7, v15;
	v3 =	vmax.f32 v3, v5;
	v5 =	vld.idx.msk [tilespmem:v55+s3+$0x0], $0xffff  }
0x103: {  	v4 =	vmax.f32 v4, v50;
	v7 =	vmax.f32 v7, v18;
	v3 =	vmax.f32 v3, v56;
	v59 =	vld.idx.msk [tilespmem:v16+s3+$0x0], $0xffff  }
0x104: {  	v4 =	vmax.f32 v4, v48;
	v7 =	vmax.f32 v7, v13;
	v3 =	vmax.f32 v3, v17  }
0x105: {  	v4 =	vmax.f32 v4, v46;
	v7 =	vmax.f32 v7, v12;
	v60 =	vld [tilespmem:s19+$0x0];
	v3 =	vmax.f32 v3, v58  }
0x106: {  	v4 =	vmax.f32 v4, v44;
	v7 =	vmax.f32 v7, v42;
	v3 =	vmax.f32 v3, v6  }
0x107: {  	v4 =	vmax.f32 v4, v40;
	v6 =	vmax.f32 v7, v9;
	v3 =	vmax.f32 v3, v5  }
0x108: {  	[tilespmem:$0x1FBD0] =	vst v33;
	v4 =	vmax.f32 v4, v41;
	v5 =	vmax.f32 v6, v39;
	v3 =	vmax.f32 v3, v59  }
0x109: {  	[tilespmem:$0x1FBC0] =	vst v32;
	v0 =	vmax.f32 v4, v0;
	v3 =	vmax.f32 v3, v5  }
0x10a: {  	[tilespmem:$0x1FBB0] =	vst v30;
	v15 =	vadd.s32 v53, v60;
	v5 =	vimm.s32 $0x0;
	v0 =	vmax.f32 v3, v0  }
0x10b: {  	[tilespmem:$0x1FBE0] =	vst v35;
	vm0 =	vgt.f32 v0, $0.0e+00;
	vm1 =	vgt.f32 v0, $6.666667010e-02;
	vm2 =	vgt.f32 v0, $1.333333400e-01  }
0x10c: {  	[tilespmem:$0x1FBF0] =	vst v37;
	v3 =	vsel vm0, $0x1, v5;
	v4 =	vsel vm1, $0x1, v5;
	vm0 =	vgt.f32 v0, $9.333333960e-01  }
0x10d: {  	[tilespmem:$0x1FC30] =	vst v1;
	s20 =	simm.s32 $0x640;
	vm1 =	vgt.f32 v0, $2.000000180e-01;
	v3 =	vadd.s32 v4, v3;
	v4 =	vsel vm2, $0x1, v5  }
.LBB2_3:
0x10e: {  	v3 =	vadd.s32 v4, v3  }
0x10f: {  	v4 =	vsel vm1, $0x1, v5;
	vm1 =	vgt.f32 v0, $2.666666810e-01;
	v1 =	vimm.s32 $0x0  }
0x110: {  	v3 =	vadd.s32 v4, v3;
	v4 =	vsel vm1, $0x1, v5;
	vm1 =	vgt.f32 v0, $3.333333430e-01  }
0x111: {  	v3 =	vadd.s32 v4, v3;
	v4 =	vsel vm1, $0x1, v5;
	vm1 =	vgt.f32 v0, $4.000000360e-01  }
0x112: {  	v3 =	vadd.s32 v4, v3;
	v4 =	vsel vm1, $0x1, v5;
	vm1 =	vgt.f32 v0, $4.666666980e-01  }
0x113: {  	v3 =	vadd.s32 v4, v3;
	v4 =	vsel vm1, $0x1, v1;
	vm1 =	vgt.f32 v0, $5.333333610e-01  }
0x114: {  	v3 =	vadd.s32 v4, v3;
	v4 =	vsel vm1, $0x1, v1;
	vm1 =	vgt.f32 v0, $6.000000240e-01  }
0x115: {  	v3 =	vadd.s32 v4, v3;
	v4 =	vsel vm1, $0x1, v1;
	vm1 =	vgt.f32 v0, $6.666666860e-01  }
0x116: {  	v3 =	vadd.s32 v4, v3;
	v4 =	vsel vm1, $0x1, v1;
	vm1 =	vgt.f32 v0, $7.333333490e-01  }
0x117: {  	v3 =	vadd.s32 v4, v3;
	v4 =	vsel vm1, $0x1, v1;
	vm1 =	vgt.f32 v0, $8.000000710e-01  }
0x118: {  	v3 =	vadd.s32 v4, v3;
	v4 =	vsel vm1, $0x1, v1;
	vm1 =	vgt.f32 v0, $8.666667340e-01  }
0x119: {  	v3 =	vadd.s32 v4, v3;
	v4 =	vsel vm1, $0x1, v1  }
0x11a: {  	v3 =	vadd.s32 v4, v3;
	v4 =	vsel vm0, $0x1, v1  }
0x11b: {  	v3 =	vadd.s32 v4, v3  }
0x11c: {  	v4 =	vmax.u32 v3, $0x1  }
0x11d: {  	v1 =	vor.u32 $0xFFFFFFF0, v57;
	vm0 =	vne.s32 v3, $0x0;
	v3 =	vshll.u32 v4, $0x4  }
0x11e: {  	[tilespmem:$0x1F800] =	vst v1;
	v3 =	vadd.s32 v1, v3;
	v1 =	vld [tilespmem:$0x1F9E0];
	_ =	sdelay $0x3  }
0x11f: {  	s21 =	smov.u32 s20;
	v5 =	vld.idx.msk [tilespmem:v15+s3+$0x0], $0xffff  }
0x120: {  	v4 =	vadd.s32 s21, v1;
	v1 =	vld [tilespmem:$0x1F9F0];
	_ =	sdelay $0x4  }
0x121: {  	vm2 =	veq.f32 v5, v0;
	v5 =	vadd.s32 s21, v1;
	v1 =	vimm.f32 $1.000000000e+00  }
0x122: {  	[tilespmem:v3+s13+$0x0] =	vst.idx.add.f32.msk vm0, v1  }
0x123: {  	v1 =	vld [tilespmem:$0x1FA00];
	_ =	sdelay $0x4  }
0x124: {  	v6 =	vadd.s32 s21, v1;
	v1 =	vld [tilespmem:$0x1FA20];
	_ =	sdelay $0x2  }
0x125: {  	v7 =	vsel vm2, $0x3F800000, v62;
	[tilespmem:v3+s14+$0x0] =	vst.idx.add.f32.msk vm0, v0  }
0x126: {  	[tilespmem:v3+s15+$0x0] =	vst.idx.add.f32.msk vm0, v7  }
0x127: {  	v3 =	vadd.s32 s21, v1;
	v1 =	vld [tilespmem:$0x1FA30];
	_ =	sdelay $0x4  }
0x128: {  	v7 =	vadd.s32 s21, v1;
	v1 =	vld.idx.msk [tilespmem:v4+s3+$0x0], $0xffff;
	_ =	sdelay $0x4  }
0x129: {  	[tilespmem:$0x1F980] =	vst v1;
	v1 =	vld [tilespmem:$0x1FA40];
	_ =	sdelay $0x4  }
0x12a: {  	v4 =	vadd.s32 s21, v1;
	v1 =	vld.idx.msk [tilespmem:v5+s3+$0x0], $0xffff;
	_ =	sdelay $0x4  }
0x12b: {  	[tilespmem:$0x1F970] =	vst v1;
	v1 =	vld [tilespmem:$0x1FA50];
	_ =	sdelay $0x4  }
0x12c: {  	v5 =	vadd.s32 s21, v1;
	v1 =	vld.idx.msk [tilespmem:v6+s3+$0x0], $0xffff;
	_ =	sdelay $0x4  }
0x12d: {  	[tilespmem:$0x1F960] =	vst v1;
	v1 =	vld [tilespmem:$0x1FA60];
	_ =	sdelay $0x4  }
0x12e: {  	v6 =	vadd.s32 s21, v1;
	v1 =	vld.idx.msk [tilespmem:v3+s3+$0x0], $0xffff;
	_ =	sdelay $0x4  }
0x12f: {  	[tilespmem:$0x1F940] =	vst v1;
	v1 =	vld [tilespmem:$0x1FA80];
	_ =	sdelay $0x4  }
0x130: {  	v3 =	vadd.s32 s21, v1;
	v1 =	vld.idx.msk [tilespmem:v7+s3+$0x0], $0xffff;
	_ =	sdelay $0x4  }
0x131: {  	[tilespmem:$0x1F930] =	vst v1;
	v1 =	vld [tilespmem:$0x1FA90];
	_ =	sdelay $0x4  }
0x132: {  	v7 =	vadd.s32 s21, v1;
	v1 =	vld.idx.msk [tilespmem:v4+s3+$0x0], $0xffff;
	_ =	sdelay $0x4  }
0x133: {  	[tilespmem:$0x1F920] =	vst v1;
	v1 =	vld [tilespmem:$0x1FAA0];
	_ =	sdelay $0x4  }
0x134: {  	v4 =	vadd.s32 s21, v1;
	v1 =	vld.idx.msk [tilespmem:v5+s3+$0x0], $0xffff;
	_ =	sdelay $0x4  }
0x135: {  	[tilespmem:$0x1F910] =	vst v1;
	v1 =	vld [tilespmem:$0x1FAB0];
	_ =	sdelay $0x4  }
0x136: {  	v5 =	vadd.s32 s21, v1;
	v1 =	vld.idx.msk [tilespmem:v6+s3+$0x0], $0xffff;
	_ =	sdelay $0x4  }
0x137: {  	[tilespmem:$0x1F900] =	vst v1;
	v1 =	vld [tilespmem:$0x1FAC0];
	_ =	sdelay $0x4  }
0x138: {  	v6 =	vadd.s32 s21, v1;
	v1 =	vld.idx.msk [tilespmem:v3+s3+$0x0], $0xffff;
	_ =	sdelay $0x4  }
0x139: {  	[tilespmem:$0x1F8E0] =	vst v1;
	v1 =	vld [tilespmem:$0x1FAE0]  }
0x13a: {  	v0 =	vld [tilespmem:$0x1FA10];
	_ =	sdelay $0x3  }
0x13b: {  	v3 =	vadd.s32 s21, v1;
	v1 =	vld.idx.msk [tilespmem:v7+s3+$0x0], $0xffff  }
0x13c: {  	v0 =	vadd.s32 s21, v0;
	_ =	sdelay $0x3  }
0x13d: {  	[tilespmem:$0x1F8D0] =	vst v1;
	v1 =	vld [tilespmem:$0x1FAF0]  }
0x13e: {  	v0 =	vld.idx.msk [tilespmem:v0+s3+$0x0], $0xffff;
	_ =	sdelay $0x3  }
0x13f: {  	v7 =	vadd.s32 s21, v1;
	v1 =	vld.idx.msk [tilespmem:v4+s3+$0x0], $0xffff  }
0x140: {  	[tilespmem:$0x1F950] =	vst v0;
	v0 =	vld [tilespmem:$0x1FA70];
	_ =	sdelay $0x3  }
0x141: {  	[tilespmem:$0x1F8C0] =	vst v1;
	v1 =	vld [tilespmem:$0x1FB00]  }
0x142: {  	v0 =	vadd.s32 s21, v0;
	_ =	sdelay $0x3  }
0x143: {  	v4 =	vadd.s32 s21, v1;
	v1 =	vld.idx.msk [tilespmem:v5+s3+$0x0], $0xffff  }
0x144: {  	v0 =	vld.idx.msk [tilespmem:v0+s3+$0x0], $0xffff;
	_ =	sdelay $0x3  }
0x145: {  	[tilespmem:$0x1F8B0] =	vst v1;
	v1 =	vld [tilespmem:$0x1FB10]  }
0x146: {  	[tilespmem:$0x1F8F0] =	vst v0;
	v0 =	vld [tilespmem:$0x1FAD0];
	_ =	sdelay $0x3  }
0x147: {  	v5 =	vadd.s32 s21, v1;
	v1 =	vld.idx.msk [tilespmem:v6+s3+$0x0], $0xffff  }
0x148: {  	v0 =	vadd.s32 s21, v0;
	_ =	sdelay $0x3  }
0x149: {  	[tilespmem:$0x1F8A0] =	vst v1;
	v1 =	vld [tilespmem:$0x1FB20]  }
0x14a: {  	v0 =	vld.idx.msk [tilespmem:v0+s3+$0x0], $0xffff;
	_ =	sdelay $0x3  }
0x14b: {  	v6 =	vadd.s32 s21, v1;
	v1 =	vld.idx.msk [tilespmem:v3+s3+$0x0], $0xffff  }
0x14c: {  	[tilespmem:$0x1F890] =	vst v0;
	v0 =	vld [tilespmem:$0x1FB30];
	_ =	sdelay $0x3  }
0x14d: {  	[tilespmem:$0x1F880] =	vst v1;
	v1 =	vld [tilespmem:$0x1FDD0]  }
0x14e: {  	v0 =	vadd.s32 s21, v0;
	_ =	sdelay $0x3  }
0x14f: {  	v3 =	vadd.s32 s21, v1;
	v1 =	vld.idx.msk [tilespmem:v7+s3+$0x0], $0xffff  }
0x150: {  	v0 =	vld.idx.msk [tilespmem:v0+s3+$0x0], $0xffff;
	_ =	sdelay $0x3  }
0x151: {  	[tilespmem:$0x1F870] =	vst v1;
	v1 =	vld [tilespmem:$0x1FDE0]  }
0x152: {  	[tilespmem:$0x1F830] =	vst v0;
	v0 =	vld [tilespmem:$0x1FE20];
	_ =	sdelay $0x3  }
0x153: {  	v7 =	vadd.s32 s21, v1;
	v1 =	vld.idx.msk [tilespmem:v4+s3+$0x0], $0xffff  }
0x154: {  	v10 =	vadd.s32 s21, v0;
	v0 =	vld.idx.msk [tilespmem:v3+s3+$0x0], $0xffff;
	_ =	sdelay $0x3  }
0x155: {  	[tilespmem:$0x1F860] =	vst v1;
	v1 =	vld [tilespmem:$0x1FDF0]  }
0x156: {  	[tilespmem:$0x1F820] =	vst v0;
	v0 =	vld [tilespmem:$0x1FE30];
	_ =	sdelay $0x3  }
0x157: {  	v8 =	vadd.s32 s21, v1;
	v1 =	vld.idx.msk [tilespmem:v5+s3+$0x0], $0xffff  }
0x158: {  	v3 =	vadd.s32 s21, v0;
	v0 =	vld.idx.msk [tilespmem:v7+s3+$0x0], $0xffff;
	_ =	sdelay $0x3  }
0x159: {  	[tilespmem:$0x1F850] =	vst v1;
	v1 =	vld [tilespmem:$0x1FE00]  }
0x15a: {  	[tilespmem:$0x1F810] =	vst v0;
	v0 =	vld [tilespmem:$0x1FE40];
	_ =	sdelay $0x3  }
0x15b: {  	v9 =	vadd.s32 s21, v1;
	v1 =	vld.idx.msk [tilespmem:v6+s3+$0x0], $0xffff  }
0x15c: {  	v14 =	vadd.s32 s21, v0;
	v0 =	vld [tilespmem:$0x1FE50];
	_ =	sdelay $0x3  }
0x15d: {  	[tilespmem:$0x1F840] =	vst v1;
	v1 =	vld [tilespmem:$0x1FE10]  }
0x15e: {  	v43 =	vadd.s32 s21, v0;
	v0 =	vld [tilespmem:$0x1FE60];
	_ =	sdelay $0x3  }
0x15f: {  	v6 =	vadd.s32 s21, v1  }
0x160: {  	v15 =	vadd.s32 s21, v0;
	v0 =	vld [tilespmem:$0x1FF70];
	_ =	sdelay $0x3  }
0x161: {  	v11 =	vld.idx.msk [tilespmem:v6+s3+$0x0], $0xffff  }
0x162: {  	v6 =	vadd.s32 s21, v0;
	v0 =	vld [tilespmem:$0x1FD00];
	_ =	sdelay $0x4  }
0x163: {  	v44 =	vadd.s32 s21, v0;
	v0 =	vld [tilespmem:$0x1FCD0];
	_ =	sdelay $0x3  }
0x164: {  	v13 =	vld.idx.msk [tilespmem:v3+s3+$0x0], $0xffff  }
0x165: {  	v3 =	vadd.s32 s21, v0;
	v0 =	vld [tilespmem:$0x1FF20];
	_ =	sdelay $0x3  }
0x166: {  	v16 =	vld.idx.msk [tilespmem:v14+s3+$0x0], $0xffff  }
0x167: {  	v14 =	vadd.s32 s21, v0;
	v0 =	vld [tilespmem:$0x1FCA0];
	_ =	sdelay $0x4  }
0x168: {  	v45 =	vadd.s32 s21, v0;
	v0 =	vld [tilespmem:$0x1FF60];
	_ =	sdelay $0x3  }
0x169: {  	v18 =	vld.idx.msk [tilespmem:v15+s3+$0x0], $0xffff  }
0x16a: {  	v15 =	vadd.s32 s21, v0;
	v0 =	vld [tilespmem:$0x1FE70];
	_ =	sdelay $0x3  }
0x16b: {  	v19 =	vld.idx.msk [tilespmem:v6+s3+$0x0], $0xffff  }
0x16c: {  	v6 =	vadd.s32 s21, v0;
	v0 =	vld [tilespmem:$0x1FE80];
	_ =	sdelay $0x4  }
0x16d: {  	v46 =	vadd.s32 s21, v0;
	v0 =	vld [tilespmem:$0x1FFE0];
	_ =	sdelay $0x3  }
0x16e: {  	v23 =	vld.idx.msk [tilespmem:v3+s3+$0x0], $0xffff  }
0x16f: {  	v3 =	vadd.s32 s21, v0;
	v0 =	vld [tilespmem:$0x1FE90];
	_ =	sdelay $0x3  }
0x170: {  	v25 =	vld.idx.msk [tilespmem:v14+s3+$0x0], $0xffff  }
0x171: {  	v14 =	vadd.s32 s21, v0;
	v0 =	vld [tilespmem:$0x1FEA0];
	_ =	sdelay $0x4  }
0x172: {  	v47 =	vadd.s32 s21, v0;
	v0 =	vld [tilespmem:$0x1FEB0];
	_ =	sdelay $0x3  }
0x173: {  	v28 =	vld.idx.msk [tilespmem:v15+s3+$0x0], $0xffff  }
0x174: {  	v15 =	vadd.s32 s21, v0;
	v0 =	vld [tilespmem:$0x1FFA0];
	_ =	sdelay $0x3  }
0x175: {  	v30 =	vld.idx.msk [tilespmem:v6+s3+$0x0], $0xffff  }
0x176: {  	v6 =	vadd.s32 s21, v0;
	v0 =	vld [tilespmem:$0x1FEC0];
	_ =	sdelay $0x4  }
0x177: {  	v48 =	vadd.s32 s21, v0;
	v0 =	vld [tilespmem:$0x1FED0];
	_ =	sdelay $0x4  }
0x178: {  	v20 =	vadd.s32 s21, v0;
	v0 =	vld [tilespmem:$0x1FEE0];
	_ =	sdelay $0x3  }
0x179: {  	v33 =	vld.idx.msk [tilespmem:v14+s3+$0x0], $0xffff  }
0x17a: {  	v14 =	vadd.s32 s21, v0;
	v0 =	vld [tilespmem:$0x1FEF0];
	_ =	sdelay $0x4  }
0x17b: {  	v22 =	vadd.s32 s21, v0;
	v0 =	vld [tilespmem:$0x1FD90];
	_ =	sdelay $0x4  }
0x17c: {  	v0 =	vadd.s32 s21, v0  }
0x17d: {  	[tilespmem:$0x1F9B0] =	vst v0;
	v0 =	vld [tilespmem:$0x1FF00];
	_ =	sdelay $0x4  }
0x17e: {  	v24 =	vadd.s32 s21, v0;
	v0 =	vld [tilespmem:$0x1FDB0];
	_ =	sdelay $0x4  }
0x17f: {  	v0 =	vadd.s32 s21, v0  }
0x180: {  	[tilespmem:$0x1F9C0] =	vst v0;
	v0 =	vld [tilespmem:$0x1FF10];
	_ =	sdelay $0x4  }
0x181: {  	v27 =	vadd.s32 s21, v0;
	v0 =	vld [tilespmem:$0x1FD70];
	_ =	sdelay $0x4  }
0x182: {  	v0 =	vadd.s32 s21, v0  }
0x183: {  	[tilespmem:$0x1F9A0] =	vst v0;
	v0 =	vld [tilespmem:$0x1FBB0];
	_ =	sdelay $0x4  }
0x184: {  	v0 =	vadd.s32 s21, v0  }
0x185: {  	[tilespmem:$0x1F9D0] =	vst v0;
	v0 =	vld [tilespmem:$0x1FF30];
	_ =	sdelay $0x4  }
0x186: {  	v29 =	vadd.s32 s21, v0;
	v0 =	vld [tilespmem:$0x1FD30];
	_ =	sdelay $0x3  }
0x187: {  	v12 =	vld.idx.msk [tilespmem:v10+s3+$0x0], $0xffff  }
0x188: {  	v10 =	vadd.s32 s21, v0;
	v0 =	vld [tilespmem:$0x1FD50];
	_ =	sdelay $0x4  }
0x189: {  	v0 =	vadd.s32 s21, v0  }
0x18a: {  	[tilespmem:$0x1F990] =	vst v0;
	v0 =	vld [tilespmem:$0x1FCE0];
	_ =	sdelay $0x3  }
0x18b: {  	v4 =	vld.idx.msk [tilespmem:v8+s3+$0x0], $0xffff  }
0x18c: {  	v8 =	vadd.s32 s21, v0;
	v0 =	vld [tilespmem:$0x1FD10];
	_ =	sdelay $0x3  }
0x18d: {  	v2 =	vld.idx.msk [tilespmem:v14+s3+$0x0], $0xffff  }
0x18e: {  	v14 =	vadd.s32 s21, v0;
	v0 =	vld [tilespmem:$0x1FF40];
	_ =	sdelay $0x4  }
0x18f: {  	v40 =	vadd.s32 s21, v0;
	v0 =	vld [tilespmem:$0x1FF90];
	_ =	sdelay $0x4  }
0x190: {  	v42 =	vadd.s32 s21, v0;
	v0 =	vld [tilespmem:$0x1FF80];
	_ =	sdelay $0x3  }
0x191: {  	v26 =	vld.idx.msk [tilespmem:v45+s3+$0x0], $0xffff  }
0x192: {  	v45 =	vadd.s32 s21, v0;
	v0 =	vld [tilespmem:$0x1FF50];
	_ =	sdelay $0x3  }
0x193: {  	v31 =	vld.idx.msk [tilespmem:v46+s3+$0x0], $0xffff  }
0x194: {  	v46 =	vadd.s32 s21, v0;
	v0 =	vld [tilespmem:$0x1FC60];
	_ =	sdelay $0x2  }
0x195: {  	v34 =	vld.idx.msk [tilespmem:v47+s3+$0x0], $0xffff  }
0x196: {  	v47 =	vld.idx.msk [tilespmem:v24+s3+$0x0], $0xffff  }
0x197: {  	v24 =	vadd.s32 s21, v0;
	v0 =	vld [tilespmem:$0x1FC80];
	_ =	sdelay $0x2  }
0x198: {  	v17 =	vld.idx.msk [tilespmem:v43+s3+$0x0], $0xffff  }
0x199: {  	v43 =	vld.idx.msk [tilespmem:v22+s3+$0x0], $0xffff  }
0x19a: {  	v22 =	vadd.s32 s21, v0;
	v0 =	vld [tilespmem:$0x1FCB0];
	_ =	sdelay $0x3  }
0x19b: {  	v37 =	vld.idx.msk [tilespmem:v20+s3+$0x0], $0xffff  }
0x19c: {  	v20 =	vadd.s32 s21, v0;
	v0 =	vld [tilespmem:$0x1FC40];
	_ =	sdelay $0x4  }
0x19d: {  	v50 =	vadd.s32 s21, v0;
	v0 =	vld [tilespmem:$0x1FC50];
	_ =	sdelay $0x2  }
0x19e: {  	v36 =	vld.idx.msk [tilespmem:v48+s3+$0x0], $0xffff  }
0x19f: {  	v48 =	vld.idx.msk [tilespmem:v27+s3+$0x0], $0xffff  }
0x1a0: {  	v27 =	vadd.s32 s21, v0;
	v0 =	vld [tilespmem:$0x1FDC0];
	_ =	sdelay $0x4  }
0x1a1: {  	v51 =	vadd.s32 s21, v0;
	v0 =	vld [tilespmem:$0x1FBA0];
	_ =	sdelay $0x3  }
0x1a2: {  	v49 =	vld.idx.msk [tilespmem:v29+s3+$0x0], $0xffff  }
0x1a3: {  	v29 =	vadd.s32 s21, v0;
	v0 =	vld [tilespmem:$0x1FFB0];
	_ =	sdelay $0x4  }
0x1a4: {  	v52 =	vadd.s32 s21, v0;
	v0 =	vld [tilespmem:$0x1FB90];
	_ =	sdelay $0x4  }
0x1a5: {  	v53 =	vadd.s32 s21, v0;
	v0 =	vld [tilespmem:$0x1FFC0];
	_ =	sdelay $0x4  }
0x1a6: {  	v54 =	vadd.s32 s21, v0;
	v0 =	vld [tilespmem:$0x1FB80];
	_ =	sdelay $0x4  }
0x1a7: {  	v55 =	vadd.s32 s21, v0;
	v0 =	vld [tilespmem:$0x1FFD0];
	_ =	sdelay $0x4  }
0x1a8: {  	v56 =	vadd.s32 s21, v0;
	v0 =	vld [tilespmem:$0x1FB70];
	_ =	sdelay $0x4  }
0x1a9: {  	v57 =	vadd.s32 s21, v0;
	v0 =	vld [tilespmem:$0x1FFF0];
	_ =	sdelay $0x1  }
0x1aa: {  	s19 =	sadd.s32 $0x10, s19;
	v21 =	vld.idx.msk [tilespmem:v44+s3+$0x0], $0xffff;
	v44 =	vadd.s32 s21, v63  }
0x1ab: {  	v41 =	vld [tilespmem:s19+$0x0]  }
0x1ac: {  	v38 =	vadd.s32 s21, v61;
	v5 =	vld [tilespmem:$0x1FB40]  }
0x1ad: {  	v39 =	vadd.s32 s21, v0;
	v0 =	vld [tilespmem:$0x1FB60]  }
0x1ae: {  	v9 =	vld.idx.msk [tilespmem:v9+s3+$0x0], $0xffff  }
0x1af: {  	v44 =	vld.idx.msk [tilespmem:v44+s3+$0x0], $0xffff  }
0x1b0: {  	v35 =	vld.idx.msk [tilespmem:v15+s3+$0x0], $0xffff  }
0x1b1: {  	v15 =	vadd.s32 v38, v41;
	v38 =	vld.idx.msk [tilespmem:v38+s3+$0x0], $0xffff  }
0x1b2: {  	v58 =	vadd.s32 s21, v0;
	v0 =	vld [tilespmem:$0x1FC70]  }
0x1b3: {  	v40 =	vld.idx.msk [tilespmem:v40+s3+$0x0], $0xffff  }
0x1b4: {  	v32 =	vld.idx.msk [tilespmem:v3+s3+$0x0], $0xffff  }
0x1b5: {  	v3 =	vld [tilespmem:$0x1FDA0]  }
0x1b6: {  	v1 =	vld.idx.msk [tilespmem:v6+s3+$0x0], $0xffff  }
0x1b7: {  	v59 =	vadd.s32 s21, v0;
	v0 =	vld [tilespmem:$0x1FB50]  }
0x1b8: {  	v6 =	vld [tilespmem:$0x1FCF0];
	v38 =	vmax.f32 v38, v40  }
0x1b9: {  	v38 =	vmax.f32 v38, v48;
	v48 =	vld [tilespmem:$0x1FD20]  }
0x1ba: {  	v45 =	vld.idx.msk [tilespmem:v45+s3+$0x0], $0xffff  }
0x1bb: {  	v46 =	vld.idx.msk [tilespmem:v46+s3+$0x0], $0xffff  }
0x1bc: {  	v60 =	vadd.s32 s21, v0;
	v0 =	vld [tilespmem:$0x1FC90]  }
0x1bd: {  	v41 =	vadd.s32 s21, v3;
	v3 =	vmov v61;
	v61 =	vadd.s32 s21, v5;
	v5 =	vld [tilespmem:$0x1FCC0]  }
0x1be: {  	v42 =	vld.idx.msk [tilespmem:v42+s3+$0x0], $0xffff;
	v48 =	vadd.s32 s21, v48  }
0x1bf: {  	v45 =	vmax.f32 v45, v47;
	v40 =	vld.idx.msk [tilespmem:v56+s3+$0x0], $0xffff  }
0x1c0: {  	v37 =	vmax.f32 v45, v37;
	v56 =	vadd.s32 s21, v6;
	v6 =	vld [tilespmem:$0x1FD40]  }
0x1c1: {  	v1 =	vmax.f32 v37, v1;
	v46 =	vmax.f32 v46, v49;
	v52 =	vld.idx.msk [tilespmem:v52+s3+$0x0], $0xffff;
	v0 =	vadd.s32 s21, v0  }
0x1c2: {  	v62 =	vadd.s32 s21, v5;
	v1 =	vmax.f32 v1, v34;
	v43 =	vmax.f32 v46, v43;
	v54 =	vld.idx.msk [tilespmem:v54+s3+$0x0], $0xffff  }
0x1c3: {  	v1 =	vmax.f32 v1, v32;
	v36 =	vmax.f32 v43, v36;
	v43 =	vld.idx.msk [tilespmem:v48+s3+$0x0], $0xffff  }
0x1c4: {  	v1 =	vmax.f32 v1, v30;
	v39 =	vld.idx.msk [tilespmem:v39+s3+$0x0], $0xffff  }
0x1c5: {  	v42 =	vmax.f32 v44, v42;
	v1 =	vmax.f32 v1, v26;
	v6 =	vadd.s32 s21, v6;
	v49 =	vld.idx.msk [tilespmem:v59+s3+$0x0], $0xffff  }
0x1c6: {  	v1 =	vmax.f32 v1, v23;
	v35 =	vmax.f32 v36, v35;
	v42 =	vmax.f32 v42, v52;
	v0 =	vld.idx.msk [tilespmem:v0+s3+$0x0], $0xffff  }
0x1c7: {  	v1 =	vmax.f32 v1, v19;
	v33 =	vmax.f32 v35, v33;
	v52 =	vld.idx.msk [tilespmem:v62+s3+$0x0], $0xffff;
	v54 =	vmax.f32 v42, v54  }
0x1c8: {  	v1 =	vmax.f32 v1, v17;
	v31 =	vmax.f32 v33, v31;
	v42 =	vmax.f32 v54, v40;
	v59 =	vld.idx.msk [tilespmem:v56+s3+$0x0], $0xffff  }
0x1c9: {  	v1 =	vmax.f32 v1, v13;
	v13 =	vld.idx.msk [tilespmem:v61+s3+$0x0], $0xffff;
	v28 =	vmax.f32 v31, v28;
	v44 =	vmax.f32 v42, v39  }
0x1ca: {  	v25 =	vmax.f32 v28, v25;
	v6 =	vld.idx.msk [tilespmem:v6+s3+$0x0], $0xffff;
	v45 =	vmax.f32 v44, v49  }
0x1cb: {  	v61 =	vmov v3;
	v3 =	vld [tilespmem:$0x1F810];
	v21 =	vmax.f32 v25, v21;
	v0 =	vmax.f32 v45, v0  }
0x1cc: {  	v18 =	vmax.f32 v21, v18;
	v0 =	vmax.f32 v0, v52  }
0x1cd: {  	v16 =	vmax.f32 v18, v16;
	v0 =	vmax.f32 v0, v59  }
0x1ce: {  	v12 =	vmax.f32 v16, v12;
	v0 =	vmax.f32 v0, v43  }
0x1cf: {  	v1 =	vmax.f32 v1, v11;
	v0 =	vmax.f32 v0, v6;
	v6 =	vmax.f32 v12, v9  }
0x1d0: {  	v1 =	vmax.f32 v1, v4;
	v4 =	vmax.f32 v6, v3;
	v3 =	vld [tilespmem:$0x1F820];
	_ =	sdelay $0x4  }
0x1d1: {  	v1 =	vmax.f32 v1, v3;
	v3 =	vld [tilespmem:$0x1F830];
	_ =	sdelay $0x4  }
0x1d2: {  	v4 =	vmax.f32 v4, v3;
	v3 =	vld [tilespmem:$0x1F840];
	_ =	sdelay $0x4  }
0x1d3: {  	v1 =	vmax.f32 v1, v3;
	v3 =	vld [tilespmem:$0x1F850];
	_ =	sdelay $0x4  }
0x1d4: {  	v4 =	vmax.f32 v4, v3;
	v3 =	vld [tilespmem:$0x1F860];
	_ =	sdelay $0x4  }
0x1d5: {  	v1 =	vmax.f32 v1, v3;
	v3 =	vld [tilespmem:$0x1F870];
	_ =	sdelay $0x4  }
0x1d6: {  	v4 =	vmax.f32 v4, v3;
	v3 =	vld [tilespmem:$0x1F880];
	_ =	sdelay $0x4  }
0x1d7: {  	v1 =	vmax.f32 v1, v3;
	v3 =	vld [tilespmem:$0x1F890];
	_ =	sdelay $0x4  }
0x1d8: {  	v4 =	vmax.f32 v4, v3;
	v3 =	vld [tilespmem:$0x1F8A0];
	_ =	sdelay $0x4  }
0x1d9: {  	v1 =	vmax.f32 v1, v3;
	v3 =	vld [tilespmem:$0x1F8B0];
	_ =	sdelay $0x4  }
0x1da: {  	v4 =	vmax.f32 v4, v3;
	v3 =	vld [tilespmem:$0x1F8C0];
	_ =	sdelay $0x4  }
0x1db: {  	v1 =	vmax.f32 v1, v3;
	v3 =	vld [tilespmem:$0x1F8D0];
	_ =	sdelay $0x4  }
0x1dc: {  	v4 =	vmax.f32 v4, v3;
	v3 =	vld [tilespmem:$0x1F8E0];
	_ =	sdelay $0x2  }
0x1dd: {  	v5 =	vld [tilespmem:$0x1FD60];
	_ =	sdelay $0x1  }
0x1de: {  	v1 =	vmax.f32 v1, v3;
	v3 =	vld [tilespmem:$0x1F8F0];
	_ =	sdelay $0x2  }
0x1df: {  	v7 =	vmov v63;
	v63 =	vadd.s32 s21, v5;
	v5 =	vld [tilespmem:$0x1FD80];
	_ =	sdelay $0x1  }
0x1e0: {  	v4 =	vmax.f32 v4, v3;
	v3 =	vld [tilespmem:$0x1F900];
	_ =	sdelay $0x2  }
0x1e1: {  	v5 =	vadd.s32 s21, v5;
	_ =	sdelay $0x1  }
0x1e2: {  	v1 =	vmax.f32 v1, v3;
	v3 =	vld [tilespmem:$0x1F910];
	_ =	sdelay $0x2  }
0x1e3: {  	v5 =	vld.idx.msk [tilespmem:v5+s3+$0x0], $0xffff  }
0x1e4: {  	v46 =	vld.idx.msk [tilespmem:v63+s3+$0x0], $0xffff  }
0x1e5: {  	v4 =	vmax.f32 v4, v3;
	v3 =	vld [tilespmem:$0x1F920]  }
0x1e6: {  	v47 =	vld.idx.msk [tilespmem:v41+s3+$0x0], $0xffff  }
0x1e7: {  	v63 =	vmov v7;
	v7 =	vld [tilespmem:$0x1F9B0]  }
0x1e8: {  	v17 =	vld.idx.msk [tilespmem:v51+s3+$0x0], $0xffff  }
0x1e9: {  	v48 =	vld.idx.msk [tilespmem:v60+s3+$0x0], $0xffff  }
0x1ea: {  	v0 =	vmax.f32 v0, v46;
	v1 =	vmax.f32 v1, v3;
	v3 =	vld [tilespmem:$0x1F930]  }
0x1eb: {  	v6 =	vld.idx.msk [tilespmem:v58+s3+$0x0], $0xffff;
	v0 =	vmax.f32 v0, v5  }
0x1ec: {  	v5 =	vld.idx.msk [tilespmem:v57+s3+$0x0], $0xffff;
	v0 =	vmax.f32 v0, v47  }
0x1ed: {  	v49 =	vld.idx.msk [tilespmem:v55+s3+$0x0], $0xffff;
	v0 =	vmax.f32 v0, v17  }
0x1ee: {  	v12 =	vld.idx.msk [tilespmem:v53+s3+$0x0], $0xffff;
	v0 =	vmax.f32 v0, v13  }
0x1ef: {  	v0 =	vmax.f32 v0, v48;
	v4 =	vmax.f32 v4, v3;
	v3 =	vld [tilespmem:$0x1F940]  }
0x1f0: {  	v0 =	vmax.f32 v0, v6  }
0x1f1: {  	v0 =	vmax.f32 v0, v5  }
0x1f2: {  	v0 =	vmax.f32 v0, v49  }
0x1f3: {  	v0 =	vmax.f32 v0, v12  }
0x1f4: {  	v0 =	vmax.f32 v0, v3;
	v3 =	vld [tilespmem:$0x1F950];
	_ =	sdelay $0x2  }
0x1f5: {  	v53 =	vld.idx.msk [tilespmem:v7+s3+$0x0], $0xffff  }
0x1f6: {  	v7 =	vld [tilespmem:$0x1FBE0]  }
0x1f7: {  	v1 =	vmax.f32 v1, v3;
	v3 =	vld [tilespmem:$0x1F960];
	_ =	sdelay $0x2  }
0x1f8: {  	v16 =	vld.idx.msk [tilespmem:v50+s3+$0x0], $0xffff  }
0x1f9: {  	v54 =	vadd.s32 s21, v7;
	v7 =	vld [tilespmem:$0x1F9C0]  }
0x1fa: {  	v1 =	vmax.f32 v1, v3;
	v3 =	vld [tilespmem:$0x1F970]  }
0x1fb: {  	v51 =	vld.idx.msk [tilespmem:v20+s3+$0x0], $0xffff  }
0x1fc: {  	v50 =	vld.idx.msk [tilespmem:v29+s3+$0x0], $0xffff  }
0x1fd: {  	v13 =	vld.idx.msk [tilespmem:v27+s3+$0x0], $0xffff  }
0x1fe: {  	v6 =	vld.idx.msk [tilespmem:v24+s3+$0x0], $0xffff  }
0x1ff: {  	v4 =	vmax.f32 v4, v3;
	v3 =	vld [tilespmem:$0x1F980]  }
0x200: {  	v5 =	vld.idx.msk [tilespmem:v22+s3+$0x0], $0xffff  }
0x201: {  	v12 =	vld.idx.msk [tilespmem:v8+s3+$0x0], $0xffff  }
0x202: {  	v2 =	vmax.f32 v38, v2;
	v55 =	vld.idx.msk [tilespmem:v7+s3+$0x0], $0xffff  }
0x203: {  	v2 =	vmax.f32 v2, v16;
	v7 =	vld [tilespmem:$0x1FBF0];
	v0 =	vmax.f32 v0, v50  }
0x204: {  	v2 =	vmax.f32 v2, v13;
	v0 =	vmax.f32 v0, v3;
	v3 =	vld [tilespmem:$0x1F990]  }
0x205: {  	v2 =	vmax.f32 v2, v6  }
0x206: {  	v2 =	vmax.f32 v2, v5  }
0x207: {  	v2 =	vmax.f32 v2, v51  }
0x208: {  	v2 =	vmax.f32 v2, v12;
	v12 =	vadd.s32 s21, v7;
	v7 =	vld [tilespmem:$0x1F9D0];
	_ =	sdelay $0x2  }
0x209: {  	v14 =	vld.idx.msk [tilespmem:v14+s3+$0x0], $0xffff  }
0x20a: {  	v1 =	vmax.f32 v1, v4;
	v4 =	vld.idx.msk [tilespmem:v3+s3+$0x0], $0xffff  }
0x20b: {  	v3 =	vld [tilespmem:$0x1FBC0]  }
0x20c: {  	v5 =	vld [tilespmem:$0x1FBD0]  }
0x20d: {  	v52 =	vld.idx.msk [tilespmem:v10+s3+$0x0], $0xffff  }
0x20e: {  	v13 =	vld.idx.msk [tilespmem:v7+s3+$0x0], $0xffff  }
0x20f: {  	v7 =	vld [tilespmem:$0x1FC00]  }
0x210: {  	v6 =	vadd.s32 s21, v3;
	v3 =	vld [tilespmem:$0x1F9A0]  }
0x211: {  	v5 =	vadd.s32 s21, v5;
	_ =	sdelay $0x2  }
0x212: {  	v2 =	vmax.f32 v2, v14;
	v14 =	vadd.s32 s21, v7;
	v7 =	vld [tilespmem:$0x1FC10]  }
0x213: {  	v2 =	vmax.f32 v2, v52  }
0x214: {  	v2 =	vmax.f32 v2, v4;
	v4 =	vld.idx.msk [tilespmem:v5+s3+$0x0], $0xffff  }
0x215: {  	v5 =	vld [tilespmem:$0x1FC20]  }
0x216: {  	v3 =	vld.idx.msk [tilespmem:v3+s3+$0x0], $0xffff  }
0x217: {  	v56 =	vadd.s32 s21, v7;
	v7 =	vld [tilespmem:$0x1FC30];
	_ =	sdelay $0x2  }
0x218: {  	v6 =	vld.idx.msk [tilespmem:v6+s3+$0x0], $0xffff  }
0x219: {  	v5 =	vadd.s32 s21, v5;
	v2 =	vmax.f32 v2, v3  }
0x21a: {  	v58 =	vadd.s32 s21, v7;
	v3 =	vld.idx.msk [tilespmem:v54+s3+$0x0], $0xffff;
	v2 =	vmax.f32 v2, v53  }
0x21b: {  	v59 =	vld.idx.msk [tilespmem:v12+s3+$0x0], $0xffff;
	v2 =	vmax.f32 v2, v55  }
0x21c: {  	v60 =	vld.idx.msk [tilespmem:v14+s3+$0x0], $0xffff;
	v2 =	vmax.f32 v2, v13  }
0x21d: {  	v9 =	vld.idx.msk [tilespmem:v56+s3+$0x0], $0xffff;
	v2 =	vmax.f32 v2, v6  }
0x21e: {  	v5 =	vld.idx.msk [tilespmem:v5+s3+$0x0], $0xffff;
	v2 =	vmax.f32 v2, v4  }
0x21f: {  	v4 =	vld.idx.msk [tilespmem:v58+s3+$0x0], $0xffff;
	v2 =	vmax.f32 v2, v3  }
0x220: {  	v2 =	vmax.f32 v2, v59  }
0x221: {  	v2 =	vmax.f32 v2, v60  }
0x222: {  	v2 =	vmax.f32 v2, v9  }
0x223: {  	v2 =	vmax.f32 v2, v5  }
0x224: {  	p1 =	sne.s32 s20, $0x9600;
	v2 =	vmax.f32 v2, v4  }
.Ltmp3:
0x225: {  	v62 =	vimm.f32 $0.0e+00;
	v0 =	vmax.f32 v2, v0;
	(pc) =	sbr.rel @p1 .LBB2_3-.Ltmp3, $4  }
0x226: {  	v57 =	vlaneseq.u32;
	v5 =	vimm.s32 $0x0;
	v0 =	vmax.f32 v0, v1  }
0x227: {  	vm0 =	vgt.f32 v0, $0.0e+00;
	vm1 =	vgt.f32 v0, $6.666667010e-02;
	vm2 =	vgt.f32 v0, $1.333333400e-01  }
0x228: {  	v1 =	vsel vm0, $0x1, v5;
	v2 =	vsel vm1, $0x1, v5;
	vm0 =	vgt.f32 v0, $9.333333960e-01  }
0x229: {  	s20 =	sadd.s32 $0x640, s20;
	v4 =	vsel vm2, $0x1, v5;
	vm1 =	vgt.f32 v0, $2.000000180e-01;
	v3 =	vadd.s32 v2, v1  }
0x22a: {  	_ =	sdelay $0x3  }
0x22b: {  	v56 =	vld.idx.msk [tilespmem:v15+s3+$0x0], $0xffff  }
0x22c: {  	v58 =	vld [tilespmem:$0x1F800]  }
0x22d: {  	v35 =	vld [tilespmem:$0x1FF80]  }
0x22e: {  	v34 =	vld [tilespmem:$0x1FF50]  }
0x22f: {  	v33 =	vld [tilespmem:$0x1FF40]  }
0x230: {  	v36 =	vld [tilespmem:$0x1FF90]  }
0x231: {  	v30 =	vld [tilespmem:$0x1FF00]  }
0x232: {  	v32 =	vld [tilespmem:$0x1FF30]  }
0x233: {  	v31 =	vld [tilespmem:$0x1FF10]  }
0x234: {  	v38 =	vld [tilespmem:$0x1FFB0]  }
0x235: {  	v27 =	vld [tilespmem:$0x1FED0]  }
0x236: {  	v29 =	vld [tilespmem:$0x1FEF0]  }
0x237: {  	v28 =	vld [tilespmem:$0x1FEE0]  }
0x238: {  	v26 =	vld [tilespmem:$0x1FEC0]  }
0x239: {  	v24 =	vld [tilespmem:$0x1FEA0]  }
0x23a: {  	v1 =	vadd.s32 v4, v3;
	v2 =	vsel vm1, $0x1, v5;
	vm4 =	vgt.f32 v0, $2.666666810e-01;
	v25 =	vld [tilespmem:$0x1FEB0]  }
0x23b: {  	vm5 =	vgt.f32 v0, $3.333333430e-01;
	v23 =	vld [tilespmem:$0x1FE90];
	v1 =	vadd.s32 v2, v1;
	v44 =	vsel vm4, $0x1, v5  }
0x23c: {  	vm6 =	vgt.f32 v0, $4.000000360e-01;
	v21 =	vld [tilespmem:$0x1FE70];
	v45 =	vsel vm5, $0x1, v5;
	v1 =	vadd.s32 v44, v1  }
0x23d: {  	vm7 =	vgt.f32 v0, $4.666666980e-01;
	v22 =	vld [tilespmem:$0x1FE80];
	v46 =	vsel vm6, $0x1, v5;
	v1 =	vadd.s32 v45, v1  }
0x23e: {  	vm8 =	vgt.f32 v0, $5.333333610e-01;
	v37 =	vld [tilespmem:$0x1FF60];
	v47 =	vsel vm7, $0x1, v5;
	v1 =	vadd.s32 v46, v1  }
0x23f: {  	vm9 =	vgt.f32 v0, $6.000000240e-01;
	v19 =	vld [tilespmem:$0x1FE50];
	v48 =	vsel vm8, $0x1, v5;
	v1 =	vadd.s32 v47, v1  }
0x240: {  	vm10 =	vgt.f32 v0, $6.666666860e-01;
	v20 =	vld [tilespmem:$0x1FE60];
	v49 =	vsel vm9, $0x1, v5;
	v1 =	vadd.s32 v48, v1  }
0x241: {  	vm11 =	vgt.f32 v0, $7.333333490e-01;
	v17 =	vld [tilespmem:$0x1FE30];
	v50 =	vsel vm10, $0x1, v5;
	v1 =	vadd.s32 v49, v1  }
0x242: {  	vm12 =	vgt.f32 v0, $8.000000710e-01;
	v18 =	vld [tilespmem:$0x1FE40];
	v51 =	vsel vm11, $0x1, v5;
	v1 =	vadd.s32 v50, v1  }
0x243: {  	vm13 =	vgt.f32 v0, $8.666667340e-01;
	v15 =	vld [tilespmem:$0x1FE10];
	v52 =	vsel vm12, $0x1, v5;
	v1 =	vadd.s32 v51, v1  }
0x244: {  	v16 =	vld [tilespmem:$0x1FE20];
	v53 =	vsel vm13, $0x1, v5;
	v1 =	vadd.s32 v52, v1  }
0x245: {  	v54 =	vsel vm0, $0x1, v5;
	v13 =	vld [tilespmem:$0x1FDF0];
	v1 =	vadd.s32 v53, v1  }
0x246: {  	v14 =	vld [tilespmem:$0x1FE00];
	v1 =	vadd.s32 v54, v1  }
0x247: {  	v11 =	vld [tilespmem:$0x1FDD0];
	v2 =	vmax.u32 v1, $0x1  }
0x248: {  	v12 =	vld [tilespmem:$0x1FDE0];
	vm14 =	vne.s32 v1, $0x0;
	v55 =	vshll.u32 v2, $0x4  }
0x249: {  	vm15 =	veq.f32 v56, v0;
	v56 =	vld [tilespmem:$0x1FFC0];
	v1 =	vadd.s32 v58, v55  }
0x24a: {  	v53 =	vld [tilespmem:$0x1FF20]  }
0x24b: {  	v54 =	vld [tilespmem:$0x1FFA0]  }
0x24c: {  	s18 =	sadd.s32 $0x1, s18;
	v58 =	vld [tilespmem:$0x1FFD0]  }
0x24d: {  	v59 =	vimm.f32 $1.000000000e+00;
	p1 =	slt.u32 s18, s7;
	v55 =	vld [tilespmem:$0x1FF70]  }
.Ltmp4:
0x24e: {  	[tilespmem:v1+s13+$0x0] =	vst.idx.add.f32.msk vm14, v59;
	(pc) =	sbr.rel @p1 .LBB2_2-.Ltmp4, $4  }
.Ltmp5:
0x24f: {  	v59 =	vld [tilespmem:$0x1FFE0];
	(pc) =	sbr.rel @!p1 .LBB2_5-.Ltmp5, $4  }
0x250: {  	v60 =	vsel vm15, $0x3F800000, v62;
	[tilespmem:v1+s14+$0x0] =	vst.idx.add.f32.msk vm14, v0  }
0x251: {  	[tilespmem:v1+s15+$0x0] =	vst.idx.add.f32.msk vm14, v60  }
0x252: {  	v60 =	vld [tilespmem:$0x1FFF0]  }
0x253: {  	_ = 	snop  }
.LBB2_6:
0x254: {  	_ =	sfence.sel $0x180000  }
0x255: {  	[bflag:$0x0] =	sbarrier.arrive $0xFFFF  }
0x256: {  	p0 =	sne.s32 s0, $0x0;
	_ =	strace $0x90000047  }
0x257: {  	s0 =	sadd.s32 @!p0 $0x100000, s1;
	[bflag:$0x2] =	sbarrier.arrive $0xFFFF  }
0x258: {  	[sflag:s0] =	ssyncadd.tile.s32 @!p0 $0x1;
	_ =	shalt  }
.Lfunc_end2:
_tile_overlayer_lowered:
.L_overlay_start_2:
0x259: {  	(tag) =	ssettag $0x2  }
0x25a: {  	s0 =	rddreg [dreg:$0x0];
	s2 =	stileid.u32  }
0x25b: {  	s1 =	rddreg [dreg:$0x1];
	p0 =	sne.s32 s2, $0x0  }
0x25c: {  	s3 =	rddreg [dreg:$0x2];
	[bflag:$0x3] =	sbarrier.arrive $0xFFFF;
	s2 =	simm.s32 @!p0 $0x1C03  }
0x25d: {  	[timem:s3], [sflag:s2] =	dma.local @!p0 [hbm:s0], s1  }
0x25e: {  	s0 =	simm.s32 @!p0 $0x3  }
0x25f: {  	_ =	swait.ge @!p0 [sflag:s0], s1  }
0x260: {  	s1 =	ssub.s32 @!p0 $0x0, s1;
	[sflag:s0] =	ssyncset.done @!p0 $0x0  }
0x261: {  	[sflag:s0] =	ssyncadd.s32 @!p0 s1  }
0x262: {  	[bflag:$0x3] =	sbarrier.arrive $0xFFFF  }
0x263: {  	_ =	shalt  }

</sc_bundles>
